<compile_context>
chip_gen: v7x
topology: tpu7x:2x2x1
jax: 0.10.2.dev20260603
libtpu: 0.0.44.dev20260713+nightly
codegen_flags: <defaults>
</compile_context>

<pallas_src>
import functools

import jax
import jax.numpy as jnp
from jax import lax
from jax.experimental import pallas as pl
from jax.experimental.pallas import tpu as pltpu
from jax.experimental.pallas import tpu_sc as plsc

B, C_IN, N, K = 4, 9, 4096, 20
TN = 512
NT = N // TN
EPS = 1e-5
CNT_E = float(B * N * K)
CNT_P = float(B * N)


def _dotb(x, w):
    return lax.dot_general(x.astype(jnp.bfloat16), w.astype(jnp.bfloat16),
                           (((x.ndim - 1,), (1,)), ((), ())),
                           preferred_element_type=jnp.float32)


def _affine(s, g, b, cnt):
    m = s[0:1, :] / cnt
    v = s[1:2, :] / cnt - m * m
    al = g * lax.rsqrt(v + EPS)
    be = b - al * m
    return al, be



def _xnext_body(mx_ref, mn_ref, st_ref, g_ref, b_ref, x_ref):
    al, be = _affine(st_ref[...], g_ref[...], b_ref[...], CNT_E)
    x_ref[0] = jnp.maximum(jnp.where(al >= 0, mx_ref[0], mn_ref[0]) * al + be,
                           0.0)


def _edge_h1(xg_ref, x_ref, w0_ref):
    cp = x_ref.shape[2]
    xc = x_ref[0]
    wc = w0_ref[:, :cp]
    wd = w0_ref[:, cp:]
    hc = _dotb(xc, wc)
    xg2 = xg_ref[0].reshape(K * TN, cp)
    xcr = jnp.broadcast_to(xc[None], (K, TN, cp)).reshape(K * TN, cp)
    hcr = jnp.broadcast_to(hc[None], (K, TN, 64)).reshape(K * TN, 64)
    return hcr + _dotb(xg2 - xcr, wd)


def _ec_body(xg_ref, x_ref, w0_ref, g_ref, b_ref, w2_ref,
             mx_ref, mn_ref, st1_ref, st2_ref):
    ph = pl.program_id(0)
    i = pl.program_id(1)
    j = pl.program_id(2)
    first = jnp.logical_and(i == 0, j == 0)
    h = _edge_h1(xg_ref, x_ref, w0_ref)

    @pl.when(ph == 0)
    def _():
        @pl.when(first)
        def _():
            st1_ref[...] = jnp.zeros((2, 64), jnp.float32)

        st1_ref[0:1, :] += jnp.sum(h, axis=0, keepdims=True)
        st1_ref[1:2, :] += jnp.sum(h * h, axis=0, keepdims=True)

    @pl.when(ph == 1)
    def _():
        al, be = _affine(st1_ref[...], g_ref[...], b_ref[...], CNT_E)
        a = jnp.maximum(h * al + be, 0.0)
        h2 = _dotb(a, w2_ref[...]).reshape(K, TN, 64)
        mx_ref[0] = jnp.max(h2, axis=0)
        mn_ref[0] = jnp.min(h2, axis=0)

        @pl.when(first)
        def _():
            st2_ref[...] = jnp.zeros((2, 64), jnp.float32)

        h2f = h2.reshape(K * TN, 64)
        st2_ref[0:1, :] += jnp.sum(h2f, axis=0, keepdims=True)
        st2_ref[1:2, :] += jnp.sum(h2f * h2f, axis=0, keepdims=True)


def _local_body(mx_ref, mn_ref, st_ref, g_ref, b_ref, x1_ref, x2_ref, lw_ref,
                x3_ref, gmm_ref, lst_ref):
    i = pl.program_id(0)
    j = pl.program_id(1)
    al, be = _affine(st_ref[...], g_ref[...], b_ref[...], CNT_E)
    x3 = jnp.maximum(jnp.where(al >= 0, mx_ref[0], mn_ref[0]) * al + be, 0.0)
    x3_ref[0] = x3
    loc = (_dotb(x1_ref[0], lw_ref[:, :64])
           + _dotb(x2_ref[0], lw_ref[:, 64:128])
           + _dotb(x3, lw_ref[:, 128:]))
    rmax = jnp.max(loc, axis=0, keepdims=True)
    rmin = jnp.min(loc, axis=0, keepdims=True)

    @pl.when(j == 0)
    def _():
        gmm_ref[0, 0:1, :] = rmax
        gmm_ref[0, 1:2, :] = rmin

    @pl.when(j != 0)
    def _():
        gmm_ref[0, 0:1, :] = jnp.maximum(gmm_ref[0, 0:1, :], rmax)
        gmm_ref[0, 1:2, :] = jnp.minimum(gmm_ref[0, 1:2, :], rmin)

    @pl.when(jnp.logical_and(i == 0, j == 0))
    def _():
        lst_ref[...] = jnp.zeros((2, 1024), jnp.float32)

    lst_ref[0:1, :] += jnp.sum(loc, axis=0, keepdims=True)
    lst_ref[1:2, :] += jnp.sum(loc * loc, axis=0, keepdims=True)


def _zvec_body(gmm_ref, lst_ref, g_ref, b_ref, s0w_ref, z_ref):
    al, be = _affine(lst_ref[...], g_ref[...], b_ref[...], CNT_P)
    gsel = jnp.where(al >= 0, gmm_ref[0, 0:1, :], gmm_ref[0, 1:2, :])
    gv = jnp.maximum(gsel * al + be, 0.0)
    z_ref[0] = _dotb(gv, s0w_ref[:, :1024])


def _y0_body(x1_ref, x2_ref, x3_ref, z_ref, s0w_ref, y_ref, st_ref):
    i = pl.program_id(0)
    j = pl.program_id(1)
    y = (_dotb(x1_ref[0], s0w_ref[:, 1024:1088])
         + _dotb(x2_ref[0], s0w_ref[:, 1088:1152])
         + _dotb(x3_ref[0], s0w_ref[:, 1152:])
         + z_ref[0])
    y_ref[0] = y

    @pl.when(jnp.logical_and(i == 0, j == 0))
    def _():
        st_ref[...] = jnp.zeros((2, 512), jnp.float32)

    st_ref[0:1, :] += jnp.sum(y, axis=0, keepdims=True)
    st_ref[1:2, :] += jnp.sum(y * y, axis=0, keepdims=True)


def _y1_body(y0_ref, st0_ref, g_ref, b_ref, s1w_ref, y_ref, st_ref):
    i = pl.program_id(0)
    j = pl.program_id(1)
    al, be = _affine(st0_ref[...], g_ref[...], b_ref[...], CNT_P)
    a = jnp.maximum(y0_ref[0] * al + be, 0.0)
    y = _dotb(a, s1w_ref[...])
    y_ref[0] = y

    @pl.when(jnp.logical_and(i == 0, j == 0))
    def _():
        st_ref[...] = jnp.zeros((2, 256), jnp.float32)

    st_ref[0:1, :] += jnp.sum(y, axis=0, keepdims=True)
    st_ref[1:2, :] += jnp.sum(y * y, axis=0, keepdims=True)


def _logit_body(y1_ref, st1_ref, g_ref, b_ref, lw_ref, lb_ref, o_ref):
    al, be = _affine(st1_ref[...], g_ref[...], b_ref[...], CNT_P)
    a = jnp.maximum(y1_ref[0] * al + be, 0.0)
    lg = _dotb(a, lw_ref[...]) + lb_ref[...]
    o_ref[0] = lg.T


def _bs(shape, imap):
    return pl.BlockSpec(shape, imap)


def _full(shape):
    return pl.BlockSpec(shape, lambda *_: tuple(0 for _ in shape))


def _pc(body, grid, in_specs, out_specs, out_shape, scratch_shapes=()):
    return pl.pallas_call(
        body, grid=grid, in_specs=in_specs, out_specs=out_specs,
        out_shape=out_shape, scratch_shapes=list(scratch_shapes))



_ROWS = B * K * N
_NW = 32
_PW = _ROWS // _NW
_CH = 512
_NCH = _PW // _CH


@functools.cache
def _sc_gather(d):
    @functools.partial(
        pl.kernel,
        mesh=plsc.VectorSubcoreMesh(core_axis_name="c", subcore_axis_name="s"),
        out_type=jax.ShapeDtypeStruct((_ROWS, d), jnp.float32),
        scratch_types=[
            pltpu.VMEM((4, 128), jnp.int32),
            pltpu.VMEM((4, 128), jnp.int32),
            pltpu.VMEM((_CH, d), jnp.float32),
            pltpu.VMEM((_CH, d), jnp.float32),
            pltpu.SemaphoreType.DMA,
            pltpu.SemaphoreType.DMA,
        ],
        compiler_params=pltpu.CompilerParams(use_tc_tiling_on_sc=False),
    )
    def gather(table_hbm, idx_hbm, out_hbm, iv0, iv1, rv0, rv1, sg0, sg1):
        cid = lax.axis_index("c")
        sid = lax.axis_index("s")
        wid = sid * 2 + cid
        base = wid * _NCH
        ivs, rvs, sgs = (iv0, iv1), (rv0, rv1), (sg0, sg1)

        def fire(ci, buf):
            pltpu.sync_copy(idx_hbm.at[ci], ivs[buf])
            for j in range(4):
                pltpu.async_copy(table_hbm.at[ivs[buf].at[j]],
                                 rvs[buf].at[pl.ds(j * 128, 128)], sgs[buf])

        def drain_wb(ci, buf):
            pltpu.make_async_copy(out_hbm.at[pl.ds(0, _CH)], rvs[buf],
                                  sgs[buf]).wait()
            off = pl.multiple_of(ci * _CH, _CH)
            pltpu.sync_copy(rvs[buf], out_hbm.at[pl.ds(off, _CH)])

        fire(base, 0)

        def step(t, carry):
            c0 = base + 2 * t
            fire(c0 + 1, 1)
            drain_wb(c0, 0)

            @pl.when(t + 1 < _NCH // 2)
            def _():
                fire(c0 + 2, 0)

            drain_wb(c0 + 1, 1)
            return carry

        lax.fori_loop(0, _NCH // 2, step, 0)

    return gather


def _gather_rows(x_flat, idx3):
    return _sc_gather(x_flat.shape[1])(x_flat, idx3)



def kernel(points, knn_ind,
           ec0_w0, ec0_g0, ec0_b0, ec0_w1, ec0_g1, ec0_b1,
           ec1_w0, ec1_g0, ec1_b0, ec1_w1, ec1_g1, ec1_b1,
           ec2_w0, ec2_g0, ec2_b0, ec2_w1, ec2_g1, ec2_b1,
           local_w, local_g, local_b,
           seg0_w, seg0_g, seg0_b,
           seg1_w, seg1_g, seg1_b,
           logit_w, logit_b):
    r1 = lambda a: a.reshape(1, -1)
    ecw = [(ec0_w0, r1(ec0_g0), r1(ec0_b0), ec0_w1, r1(ec0_g1), r1(ec0_b1)),
           (ec1_w0, r1(ec1_g0), r1(ec1_b0), ec1_w1, r1(ec1_g1), r1(ec1_b1)),
           (ec2_w0, r1(ec2_g0), r1(ec2_b0), ec2_w1, r1(ec2_g1), r1(ec2_b1))]

    x0 = jnp.transpose(points, (0, 2, 1))
    x0 = jnp.pad(x0, ((0, 0), (0, 0), (0, 16 - C_IN)))
    w00 = jnp.pad(ec0_w0[:, :C_IN], ((0, 0), (0, 16 - C_IN)))
    w00 = jnp.concatenate(
        [w00, jnp.pad(ec0_w0[:, C_IN:], ((0, 0), (0, 16 - C_IN)))], axis=1)

    knn_t = jnp.transpose(knn_ind, (0, 2, 1))
    idx_g = (knn_t + (jnp.arange(B, dtype=jnp.int32) * N)[:, None, None])
    idx3 = idx_g.reshape(_ROWS // _CH, 4, 128).astype(jnp.int32)

    grid = (B, NT)
    b_nt64 = _bs((1, TN, 64), lambda i, j: (i, j, 0))
    st64 = _bs((2, 64), lambda i, j: (0, 0))

    feats = []
    mx = mn = st2 = None
    for li in range(3):
        _, g0, b0, w1, g1, b1 = ecw[li]
        if li == 0:
            x, cp, w0 = x0, 16, w00
        else:
            gp, bp = ecw[li - 1][4], ecw[li - 1][5]
            x = _pc(
                _xnext_body, grid,
                [b_nt64, b_nt64, st64, _full((1, 64)), _full((1, 64))],
                b_nt64,
                jax.ShapeDtypeStruct((B, N, 64), jnp.float32),
            )(mx, mn, st2, gp, bp)
            feats.append(x)
            cp, w0 = 64, ecw[li][0]
        xg = _gather_rows(x.reshape(B * N, cp), idx3).reshape(B, K, N, cp)
        b_ntc3 = _bs((1, TN, cp), lambda p, i, j: (i, j, 0))
        b_xg3 = _bs((1, K, TN, cp), lambda p, i, j: (i, 0, j, 0))
        b_nt64_3 = _bs((1, TN, 64), lambda p, i, j: (i, j, 0))
        st64_3 = _bs((2, 64), lambda p, i, j: (0, 0))
        f3 = lambda shape: pl.BlockSpec(shape, lambda p, i, j: (0,) * len(shape))
        mx, mn, st1, st2 = _pc(
            _ec_body, (2, B, NT),
            [b_xg3, b_ntc3, f3((64, 2 * cp)), f3((1, 64)), f3((1, 64)),
             f3((64, 64))],
            [b_nt64_3, b_nt64_3, st64_3, st64_3],
            [jax.ShapeDtypeStruct((B, N, 64), jnp.float32),
             jax.ShapeDtypeStruct((B, N, 64), jnp.float32),
             jax.ShapeDtypeStruct((2, 64), jnp.float32),
             jax.ShapeDtypeStruct((2, 64), jnp.float32)],
        )(xg, x, w0, g0, b0, w1)
    x1, x2 = feats

    x3, gmm, lst = _pc(
        _local_body, grid,
        [b_nt64, b_nt64, st64, _full((1, 64)), _full((1, 64)),
         b_nt64, b_nt64, _full((1024, 192))],
        [b_nt64, _bs((1, 2, 1024), lambda i, j: (i, 0, 0)),
         _bs((2, 1024), lambda i, j: (0, 0))],
        [jax.ShapeDtypeStruct((B, N, 64), jnp.float32),
         jax.ShapeDtypeStruct((B, 2, 1024), jnp.float32),
         jax.ShapeDtypeStruct((2, 1024), jnp.float32)],
    )(mx, mn, st2, ecw[2][4], ecw[2][5], x1, x2, local_w)

    z = _pc(
        _zvec_body, (B,),
        [_bs((1, 2, 1024), lambda i: (i, 0, 0)),
         _bs((2, 1024), lambda i: (0, 0)),
         _bs((1, 1024), lambda i: (0, 0)), _bs((1, 1024), lambda i: (0, 0)),
         _bs((512, 1216), lambda i: (0, 0))],
        _bs((1, 1, 512), lambda i: (i, 0, 0)),
        jax.ShapeDtypeStruct((B, 1, 512), jnp.float32),
    )(gmm, lst, r1(local_g), r1(local_b), seg0_w)

    y0, st0 = _pc(
        _y0_body, grid,
        [b_nt64, b_nt64, b_nt64, _bs((1, 1, 512), lambda i, j: (i, 0, 0)),
         _full((512, 1216))],
        [_bs((1, TN, 512), lambda i, j: (i, j, 0)),
         _bs((2, 512), lambda i, j: (0, 0))],
        [jax.ShapeDtypeStruct((B, N, 512), jnp.float32),
         jax.ShapeDtypeStruct((2, 512), jnp.float32)],
    )(x1, x2, x3, z, seg0_w)

    y1, st1s = _pc(
        _y1_body, grid,
        [_bs((1, TN, 512), lambda i, j: (i, j, 0)),
         _bs((2, 512), lambda i, j: (0, 0)),
         _full((1, 512)), _full((1, 512)), _full((256, 512))],
        [_bs((1, TN, 256), lambda i, j: (i, j, 0)),
         _bs((2, 256), lambda i, j: (0, 0))],
        [jax.ShapeDtypeStruct((B, N, 256), jnp.float32),
         jax.ShapeDtypeStruct((2, 256), jnp.float32)],
    )(y0, st0, r1(seg0_g), r1(seg0_b), seg1_w)

    out = _pc(
        _logit_body, grid,
        [_bs((1, TN, 256), lambda i, j: (i, j, 0)),
         _bs((2, 256), lambda i, j: (0, 0)),
         _full((1, 256)), _full((1, 256)), _full((13, 256)), _full((1, 13))],
        _bs((1, 13, TN), lambda i, j: (i, 0, j)),
        jax.ShapeDtypeStruct((B, 13, N), jnp.float32),
    )(y1, st1s, r1(seg1_g), r1(seg1_b), logit_w, r1(logit_b))

    return out

# --- scband reference (transcript-rebuilt; emitter-appended) ---
"""Pipeline reference for scband-dgcnnsem-seg-7206955123039 (READ-ONLY COPY).

The authoritative reference and input builder live on the scoring server;
editing this copy changes nothing except your own understanding.
"""

import jax, jax.numpy as jnp
import numpy as np

B, C_IN, N, K = 4, 9, 4096, 20
EC = [(9, (64, 64)), (64, (64, 64)), (64, (64, 64))]
INTER = 1024
GLOBAL = (512, 256)
OUT = 13


def _bn(x, g, b, axes, eps=1e-5):
    m = jnp.mean(x, axis=axes, keepdims=True)
    v = jnp.var(x, axis=axes, keepdims=True)
    return g * (x - m) / jnp.sqrt(v + eps) + b


def setup_inputs(seed=0) -> dict:
    key = jax.random.key(seed)
    keys = iter(jax.random.split(key, 64))
    inp = {}
    inp['points'] = jax.random.normal(next(keys), (B, C_IN, N), dtype=jnp.float32)
    inp['knn_ind'] = jax.random.randint(next(keys), (B, N, K), 0, N, dtype=jnp.int32)

    def w(o, i):
        return (jax.random.normal(next(keys), (o, i), dtype=jnp.float32) / np.sqrt(i)).astype(jnp.float32)

    for li, (cin, outs) in enumerate(EC):
        prev = 2 * cin
        for ci, co in enumerate(outs):
            inp['ec%d_w%d' % (li, ci)] = w(co, prev)
            inp['ec%d_g%d' % (li, ci)] = jnp.ones((co,), jnp.float32)
            inp['ec%d_b%d' % (li, ci)] = jnp.zeros((co,), jnp.float32)
            prev = co
    concat = sum(o[-1] for _, o in EC)
    inp['local_w'] = w(INTER, concat)
    inp['local_g'] = jnp.ones((INTER,), jnp.float32)
    inp['local_b'] = jnp.zeros((INTER,), jnp.float32)
    prev = INTER + concat
    for si, co in enumerate(GLOBAL):
        inp['seg%d_w' % si] = w(co, prev)
        inp['seg%d_g' % si] = jnp.ones((co,), jnp.float32)
        inp['seg%d_b' % si] = jnp.zeros((co,), jnp.float32)
        prev = co
    inp['logit_w'] = w(OUT, GLOBAL[-1])
    inp['logit_b'] = jnp.zeros((OUT,), jnp.float32)
    return inp


def _forward(points, knn_ind, params):
    x = jnp.transpose(points, (0, 2, 1))  # [B, N, C]
    feats = []
    for li in range(len(EC)):
        nb = jax.vmap(lambda xt, idx: xt[idx])(x, knn_ind)  # gather: [B, N, K, C]
        central = jnp.broadcast_to(x[:, :, None, :], nb.shape)
        h = jnp.concatenate([central, nb - central], axis=-1)  # edge features [B,N,K,2C]
        for ci in range(2):
            h = jnp.einsum('bnkc,oc->bnko', h, params['ec%d_w%d' % (li, ci)])
            h = _bn(h, params['ec%d_g%d' % (li, ci)], params['ec%d_b%d' % (li, ci)], (0, 1, 2))
            h = jax.nn.relu(h)
        x = jnp.max(h, axis=2)  # max over k neighbors -> [B, N, 64]
        feats.append(x)
    concat = jnp.concatenate(feats, axis=-1)  # [B, N, 192]
    loc = jnp.einsum('bnc,oc->bno', concat, params['local_w'])
    loc = jax.nn.relu(_bn(loc, params['local_g'], params['local_b'], (0, 1)))  # [B, N, 1024]
    g = jnp.max(loc, axis=1)  # global max pool over points [B, 1024]
    gexp = jnp.broadcast_to(g[:, None, :], (loc.shape[0], loc.shape[1], g.shape[-1]))
    h = jnp.concatenate([gexp, concat], axis=-1)  # [B, N, 1216]
    for si in range(len(GLOBAL)):
        h = jnp.einsum('bnc,oc->bno', h, params['seg%d_w' % si])
        h = jax.nn.relu(_bn(h, params['seg%d_g' % si], params['seg%d_b' % si], (0, 1)))
    # dropout is identity at inference
    logit = jnp.einsum('bnc,oc->bno', h, params['logit_w']) + params['logit_b']
    return jnp.transpose(logit, (0, 2, 1))  # seg_logit: [B, OUT, N]


def reference(points, knn_ind,
              ec0_w0, ec0_g0, ec0_b0, ec0_w1, ec0_g1, ec0_b1,
              ec1_w0, ec1_g0, ec1_b0, ec1_w1, ec1_g1, ec1_b1,
              ec2_w0, ec2_g0, ec2_b0, ec2_w1, ec2_g1, ec2_b1,
              local_w, local_g, local_b,
              seg0_w, seg0_g, seg0_b,
              seg1_w, seg1_g, seg1_b,
              logit_w, logit_b):
    params = {
        'ec0_w0': ec0_w0, 'ec0_g0': ec0_g0, 'ec0_b0': ec0_b0,
        'ec0_w1': ec0_w1, 'ec0_g1': ec0_g1, 'ec0_b1': ec0_b1,
        'ec1_w0': ec1_w0, 'ec1_g0': ec1_g0, 'ec1_b0': ec1_b0,
        'ec1_w1': ec1_w1, 'ec1_g1': ec1_g1, 'ec1_b1': ec1_b1,
        'ec2_w0': ec2_w0, 'ec2_g0': ec2_g0, 'ec2_b0': ec2_b0,
        'ec2_w1': ec2_w1, 'ec2_g1': ec2_g1, 'ec2_b1': ec2_b1,
        'local_w': local_w, 'local_g': local_g, 'local_b': local_b,
        'seg0_w': seg0_w, 'seg0_g': seg0_g, 'seg0_b': seg0_b,
        'seg1_w': seg1_w, 'seg1_g': seg1_g, 'seg1_b': seg1_b,
        'logit_w': logit_w, 'logit_b': logit_b,
    }
    return _forward(points, knn_ind, params)

if __name__ == "__main__":
    import jax
    _d = setup_inputs()
    print(jax.jit(kernel)(*tuple(_d.values())))

</pallas_src>

<mosaic_0001>
#map = affine_map<(d0, d1) -> (0, 0)>
#map1 = affine_map<(d0, d1) -> (0, 0, 0)>
module attributes {stable_mosaic.version = 14 : i64} {
  func.func @gather(%arg0: i32, %arg1: i32, %arg2: memref<16384x16xf32, #tpu.memory_space<hbm>>, %arg3: memref<640x4x128xi32, #tpu.memory_space<hbm>>, %arg4: memref<327680x16xf32, #tpu.memory_space<hbm>>, %arg5: memref<4x128xi32, #tpu.memory_space<vmem>>, %arg6: memref<4x128xi32, #tpu.memory_space<vmem>>, %arg7: memref<512x16xf32, #tpu.memory_space<vmem>>, %arg8: memref<512x16xf32, #tpu.memory_space<vmem>>, %arg9: memref<!tpu.dma_semaphore, #tpu.memory_space<semaphore_mem>>, %arg10: memref<!tpu.dma_semaphore, #tpu.memory_space<semaphore_mem>>) attributes {dimension_semantics = [#tpu.dimension_semantics<core_parallel>, #tpu.dimension_semantics<subcore_parallel>], iteration_bounds = array<i64: 2, 16>, scalar_prefetch = 0 : i64, scratch_operands = 6 : i64, tpu.core_type = #tpu.core_type<sc_vector_subcore>, window_params = [{transform_indices = #map}, {transform_indices = #map1}, {transform_indices = #map}]} {
    %mul3A = arith.constant 2 : i32
    %mul3A_0 = arith.muli %arg1, %mul3A : i32
    %add3A = arith.addi %mul3A_0, %arg0 : i32
    %mul3A_1 = arith.constant 20 : i32
    %mul3A_2 = arith.muli %add3A, %mul3A_1 : i32
    "tpu.region"() ({
      %run_scoped3A = tpu.sem_alloc : memref<!tpu.dma_semaphore, #tpu.memory_space<semaphore_mem>>
      %dma_start3A_47 = arith.constant 0 : i32
      %dma_start3A_48 = arith.constant 0 : i32
      %dma_start3A_49 = tpu.memref_slice %arg3[%mul3A_2, %dma_start3A_47, %dma_start3A_48] : memref<640x4x128xi32, #tpu.memory_space<hbm>> -> memref<1x4x128xi32, #tpu.memory_space<hbm>>
      %dma_start3A_50 = tpu.memref_squeeze %dma_start3A_49 : memref<1x4x128xi32, #tpu.memory_space<hbm>> -> memref<4x128xi32, #tpu.memory_space<hbm>>
      %dma_start3A_51 = arith.constant 0 : i32
      %dma_start3A_52 = arith.constant 0 : i32
      %dma_start3A_53 = tpu.memref_slice %arg3[%mul3A_2, %dma_start3A_51, %dma_start3A_52] : memref<640x4x128xi32, #tpu.memory_space<hbm>> -> memref<1x4x128xi32, #tpu.memory_space<hbm>>
      %dma_start3A_54 = tpu.memref_squeeze %dma_start3A_53 : memref<1x4x128xi32, #tpu.memory_space<hbm>> -> memref<4x128xi32, #tpu.memory_space<hbm>>
      tpu.enqueue_dma source(%dma_start3A_54 : memref<4x128xi32, #tpu.memory_space<hbm>>) target(%arg5 : memref<4x128xi32, #tpu.memory_space<vmem>>) target_semaphore(%run_scoped3A : memref<!tpu.dma_semaphore, #tpu.memory_space<semaphore_mem>>)
      %dma_wait3A = arith.constant 0 : i32
      %dma_wait3A_55 = arith.constant 0 : i32
      %dma_wait3A_56 = tpu.memref_slice %arg3[%mul3A_2, %dma_wait3A, %dma_wait3A_55] : memref<640x4x128xi32, #tpu.memory_space<hbm>> -> memref<1x4x128xi32, #tpu.memory_space<hbm>>
      %dma_wait3A_57 = tpu.memref_squeeze %dma_wait3A_56 : memref<1x4x128xi32, #tpu.memory_space<hbm>> -> memref<4x128xi32, #tpu.memory_space<hbm>>
      %dma_wait3A_58 = arith.constant 0 : i32
      %dma_wait3A_59 = arith.constant 0 : i32
      %dma_wait3A_60 = tpu.memref_slice %arg3[%mul3A_2, %dma_wait3A_58, %dma_wait3A_59] : memref<640x4x128xi32, #tpu.memory_space<hbm>> -> memref<1x4x128xi32, #tpu.memory_space<hbm>>
      %dma_wait3A_61 = tpu.memref_squeeze %dma_wait3A_60 : memref<1x4x128xi32, #tpu.memory_space<hbm>> -> memref<4x128xi32, #tpu.memory_space<hbm>>
      tpu.wait_dma2 semaphore(%run_scoped3A : memref<!tpu.dma_semaphore, #tpu.memory_space<semaphore_mem>>) src(%dma_wait3A_61 : memref<4x128xi32, #tpu.memory_space<hbm>>) dst(%arg5 : memref<4x128xi32, #tpu.memory_space<vmem>>)
      tpu.yield
    }) : () -> ()
    %dma_start3A = arith.constant 0 : i32
    %dma_start3A_3 = arith.constant 0 : i32
    %dma_start3A_4 = arith.constant 0 : i32
    %dma_start3A_5 = tpu.memref_slice %arg7[%dma_start3A_3, %dma_start3A_4] : memref<512x16xf32, #tpu.memory_space<vmem>> -> memref<128x16xf32, #tpu.memory_space<vmem>>
    %dma_start3A_6 = arith.constant 0 : i32
    %dma_start3A_7 = tpu.memref_slice %arg5[%dma_start3A, %dma_start3A_6] : memref<4x128xi32, #tpu.memory_space<vmem>> -> memref<1x128xi32, #tpu.memory_space<vmem>>
    %dma_start3A_8 = tpu.memref_squeeze %dma_start3A_7 : memref<1x128xi32, #tpu.memory_space<vmem>> -> memref<128xi32, #tpu.memory_space<vmem>>
    %dma_start3A_9 = arith.constant 0 : i32
    %dma_start3A_10 = arith.constant 0 : i32
    %dma_start3A_11 = tpu.memref_slice %arg2[%dma_start3A_9, %dma_start3A_10] : memref<16384x16xf32, #tpu.memory_space<hbm>> -> memref<16384x16xf32, #tpu.memory_space<hbm>>
    tpu.enqueue_indirect_dma source(%dma_start3A_11 : memref<16384x16xf32, #tpu.memory_space<hbm>>) target(%dma_start3A_5 : memref<128x16xf32, #tpu.memory_space<vmem>>) offsets(%dma_start3A_8 : memref<128xi32, #tpu.memory_space<vmem>>) semaphore(%arg9 : memref<!tpu.dma_semaphore, #tpu.memory_space<semaphore_mem>>)
    %dma_start3A_12 = arith.constant 1 : i32
    %dma_start3A_13 = arith.constant 128 : i32
    %dma_start3A_14 = arith.constant 0 : i32
    %dma_start3A_15 = tpu.memref_slice %arg7[%dma_start3A_13, %dma_start3A_14] : memref<512x16xf32, #tpu.memory_space<vmem>> -> memref<128x16xf32, #tpu.memory_space<vmem>>
    %dma_start3A_16 = arith.constant 0 : i32
    %dma_start3A_17 = tpu.memref_slice %arg5[%dma_start3A_12, %dma_start3A_16] : memref<4x128xi32, #tpu.memory_space<vmem>> -> memref<1x128xi32, #tpu.memory_space<vmem>>
    %dma_start3A_18 = tpu.memref_squeeze %dma_start3A_17 : memref<1x128xi32, #tpu.memory_space<vmem>> -> memref<128xi32, #tpu.memory_space<vmem>>
    %dma_start3A_19 = arith.constant 0 : i32
    %dma_start3A_20 = arith.constant 0 : i32
    %dma_start3A_21 = tpu.memref_slice %arg2[%dma_start3A_19, %dma_start3A_20] : memref<16384x16xf32, #tpu.memory_space<hbm>> -> memref<16384x16xf32, #tpu.memory_space<hbm>>
    tpu.enqueue_indirect_dma source(%dma_start3A_21 : memref<16384x16xf32, #tpu.memory_space<hbm>>) target(%dma_start3A_15 : memref<128x16xf32, #tpu.memory_space<vmem>>) offsets(%dma_start3A_18 : memref<128xi32, #tpu.memory_space<vmem>>) semaphore(%arg9 : memref<!tpu.dma_semaphore, #tpu.memory_space<semaphore_mem>>)
    %dma_start3A_22 = arith.constant 2 : i32
    %dma_start3A_23 = arith.constant 256 : i32
    %dma_start3A_24 = arith.constant 0 : i32
    %dma_start3A_25 = tpu.memref_slice %arg7[%dma_start3A_23, %dma_start3A_24] : memref<512x16xf32, #tpu.memory_space<vmem>> -> memref<128x16xf32, #tpu.memory_space<vmem>>
    %dma_start3A_26 = arith.constant 0 : i32
    %dma_start3A_27 = tpu.memref_slice %arg5[%dma_start3A_22, %dma_start3A_26] : memref<4x128xi32, #tpu.memory_space<vmem>> -> memref<1x128xi32, #tpu.memory_space<vmem>>
    %dma_start3A_28 = tpu.memref_squeeze %dma_start3A_27 : memref<1x128xi32, #tpu.memory_space<vmem>> -> memref<128xi32, #tpu.memory_space<vmem>>
    %dma_start3A_29 = arith.constant 0 : i32
    %dma_start3A_30 = arith.constant 0 : i32
    %dma_start3A_31 = tpu.memref_slice %arg2[%dma_start3A_29, %dma_start3A_30] : memref<16384x16xf32, #tpu.memory_space<hbm>> -> memref<16384x16xf32, #tpu.memory_space<hbm>>
    tpu.enqueue_indirect_dma source(%dma_start3A_31 : memref<16384x16xf32, #tpu.memory_space<hbm>>) target(%dma_start3A_25 : memref<128x16xf32, #tpu.memory_space<vmem>>) offsets(%dma_start3A_28 : memref<128xi32, #tpu.memory_space<vmem>>) semaphore(%arg9 : memref<!tpu.dma_semaphore, #tpu.memory_space<semaphore_mem>>)
    %dma_start3A_32 = arith.constant 3 : i32
    %dma_start3A_33 = arith.constant 384 : i32
    %dma_start3A_34 = arith.constant 0 : i32
    %dma_start3A_35 = tpu.memref_slice %arg7[%dma_start3A_33, %dma_start3A_34] : memref<512x16xf32, #tpu.memory_space<vmem>> -> memref<128x16xf32, #tpu.memory_space<vmem>>
    %dma_start3A_36 = arith.constant 0 : i32
    %dma_start3A_37 = tpu.memref_slice %arg5[%dma_start3A_32, %dma_start3A_36] : memref<4x128xi32, #tpu.memory_space<vmem>> -> memref<1x128xi32, #tpu.memory_space<vmem>>
    %dma_start3A_38 = tpu.memref_squeeze %dma_start3A_37 : memref<1x128xi32, #tpu.memory_space<vmem>> -> memref<128xi32, #tpu.memory_space<vmem>>
    %dma_start3A_39 = arith.constant 0 : i32
    %dma_start3A_40 = arith.constant 0 : i32
    %dma_start3A_41 = tpu.memref_slice %arg2[%dma_start3A_39, %dma_start3A_40] : memref<16384x16xf32, #tpu.memory_space<hbm>> -> memref<16384x16xf32, #tpu.memory_space<hbm>>
    tpu.enqueue_indirect_dma source(%dma_start3A_41 : memref<16384x16xf32, #tpu.memory_space<hbm>>) target(%dma_start3A_35 : memref<128x16xf32, #tpu.memory_space<vmem>>) offsets(%dma_start3A_38 : memref<128xi32, #tpu.memory_space<vmem>>) semaphore(%arg9 : memref<!tpu.dma_semaphore, #tpu.memory_space<semaphore_mem>>)
    %scan3A = arith.constant 0 : i32
    %scan3A_42 = arith.constant 0 : i32
    %scan3A_43 = arith.constant 10 : i32
    %scan3A_44 = arith.addi %scan3A_42, %scan3A_43 : i32
    %scan3A_45 = arith.constant 1 : i32
    scf.for %scan3A_47 = %scan3A_42 to %scan3A_44 step %scan3A_45  : i32 {
      %mul3A_48 = arith.constant 2 : i32
      %mul3A_49 = arith.muli %mul3A_48, %scan3A_47 : i32
      %add3A_50 = arith.addi %mul3A_2, %mul3A_49 : i32
      %add3A_51 = arith.constant 1 : i32
      %add3A_52 = arith.addi %add3A_50, %add3A_51 : i32
      "tpu.region"() ({
        %run_scoped3A = tpu.sem_alloc : memref<!tpu.dma_semaphore, #tpu.memory_space<semaphore_mem>>
        %dma_start3A_115 = arith.constant 0 : i32
        %dma_start3A_116 = arith.constant 0 : i32
        %dma_start3A_117 = tpu.memref_slice %arg3[%add3A_52, %dma_start3A_115, %dma_start3A_116] : memref<640x4x128xi32, #tpu.memory_space<hbm>> -> memref<1x4x128xi32, #tpu.memory_space<hbm>>
        %dma_start3A_118 = tpu.memref_squeeze %dma_start3A_117 : memref<1x4x128xi32, #tpu.memory_space<hbm>> -> memref<4x128xi32, #tpu.memory_space<hbm>>
        %dma_start3A_119 = arith.constant 0 : i32
        %dma_start3A_120 = arith.constant 0 : i32
        %dma_start3A_121 = tpu.memref_slice %arg3[%add3A_52, %dma_start3A_119, %dma_start3A_120] : memref<640x4x128xi32, #tpu.memory_space<hbm>> -> memref<1x4x128xi32, #tpu.memory_space<hbm>>
        %dma_start3A_122 = tpu.memref_squeeze %dma_start3A_121 : memref<1x4x128xi32, #tpu.memory_space<hbm>> -> memref<4x128xi32, #tpu.memory_space<hbm>>
        tpu.enqueue_dma source(%dma_start3A_122 : memref<4x128xi32, #tpu.memory_space<hbm>>) target(%arg6 : memref<4x128xi32, #tpu.memory_space<vmem>>) target_semaphore(%run_scoped3A : memref<!tpu.dma_semaphore, #tpu.memory_space<semaphore_mem>>)
        %dma_wait3A_123 = arith.constant 0 : i32
        %dma_wait3A_124 = arith.constant 0 : i32
        %dma_wait3A_125 = tpu.memref_slice %arg3[%add3A_52, %dma_wait3A_123, %dma_wait3A_124] : memref<640x4x128xi32, #tpu.memory_space<hbm>> -> memref<1x4x128xi32, #tpu.memory_space<hbm>>
        %dma_wait3A_126 = tpu.memref_squeeze %dma_wait3A_125 : memref<1x4x128xi32, #tpu.memory_space<hbm>> -> memref<4x128xi32, #tpu.memory_space<hbm>>
        %dma_wait3A_127 = arith.constant 0 : i32
        %dma_wait3A_128 = arith.constant 0 : i32
        %dma_wait3A_129 = tpu.memref_slice %arg3[%add3A_52, %dma_wait3A_127, %dma_wait3A_128] : memref<640x4x128xi32, #tpu.memory_space<hbm>> -> memref<1x4x128xi32, #tpu.memory_space<hbm>>
        %dma_wait3A_130 = tpu.memref_squeeze %dma_wait3A_129 : memref<1x4x128xi32, #tpu.memory_space<hbm>> -> memref<4x128xi32, #tpu.memory_space<hbm>>
        tpu.wait_dma2 semaphore(%run_scoped3A : memref<!tpu.dma_semaphore, #tpu.memory_space<semaphore_mem>>) src(%dma_wait3A_130 : memref<4x128xi32, #tpu.memory_space<hbm>>) dst(%arg6 : memref<4x128xi32, #tpu.memory_space<vmem>>)
        tpu.yield
      }) : () -> ()
      %dma_start3A_53 = arith.constant 0 : i32
      %dma_start3A_54 = arith.constant 0 : i32
      %dma_start3A_55 = arith.constant 0 : i32
      %dma_start3A_56 = tpu.memref_slice %arg8[%dma_start3A_54, %dma_start3A_55] : memref<512x16xf32, #tpu.memory_space<vmem>> -> memref<128x16xf32, #tpu.memory_space<vmem>>
      %dma_start3A_57 = arith.constant 0 : i32
      %dma_start3A_58 = tpu.memref_slice %arg6[%dma_start3A_53, %dma_start3A_57] : memref<4x128xi32, #tpu.memory_space<vmem>> -> memref<1x128xi32, #tpu.memory_space<vmem>>
      %dma_start3A_59 = tpu.memref_squeeze %dma_start3A_58 : memref<1x128xi32, #tpu.memory_space<vmem>> -> memref<128xi32, #tpu.memory_space<vmem>>
      %dma_start3A_60 = arith.constant 0 : i32
      %dma_start3A_61 = arith.constant 0 : i32
      %dma_start3A_62 = tpu.memref_slice %arg2[%dma_start3A_60, %dma_start3A_61] : memref<16384x16xf32, #tpu.memory_space<hbm>> -> memref<16384x16xf32, #tpu.memory_space<hbm>>
      tpu.enqueue_indirect_dma source(%dma_start3A_62 : memref<16384x16xf32, #tpu.memory_space<hbm>>) target(%dma_start3A_56 : memref<128x16xf32, #tpu.memory_space<vmem>>) offsets(%dma_start3A_59 : memref<128xi32, #tpu.memory_space<vmem>>) semaphore(%arg10 : memref<!tpu.dma_semaphore, #tpu.memory_space<semaphore_mem>>)
      %dma_start3A_63 = arith.constant 1 : i32
      %dma_start3A_64 = arith.constant 128 : i32
      %dma_start3A_65 = arith.constant 0 : i32
      %dma_start3A_66 = tpu.memref_slice %arg8[%dma_start3A_64, %dma_start3A_65] : memref<512x16xf32, #tpu.memory_space<vmem>> -> memref<128x16xf32, #tpu.memory_space<vmem>>
      %dma_start3A_67 = arith.constant 0 : i32
      %dma_start3A_68 = tpu.memref_slice %arg6[%dma_start3A_63, %dma_start3A_67] : memref<4x128xi32, #tpu.memory_space<vmem>> -> memref<1x128xi32, #tpu.memory_space<vmem>>
      %dma_start3A_69 = tpu.memref_squeeze %dma_start3A_68 : memref<1x128xi32, #tpu.memory_space<vmem>> -> memref<128xi32, #tpu.memory_space<vmem>>
      %dma_start3A_70 = arith.constant 0 : i32
      %dma_start3A_71 = arith.constant 0 : i32
      %dma_start3A_72 = tpu.memref_slice %arg2[%dma_start3A_70, %dma_start3A_71] : memref<16384x16xf32, #tpu.memory_space<hbm>> -> memref<16384x16xf32, #tpu.memory_space<hbm>>
      tpu.enqueue_indirect_dma source(%dma_start3A_72 : memref<16384x16xf32, #tpu.memory_space<hbm>>) target(%dma_start3A_66 : memref<128x16xf32, #tpu.memory_space<vmem>>) offsets(%dma_start3A_69 : memref<128xi32, #tpu.memory_space<vmem>>) semaphore(%arg10 : memref<!tpu.dma_semaphore, #tpu.memory_space<semaphore_mem>>)
      %dma_start3A_73 = arith.constant 2 : i32
      %dma_start3A_74 = arith.constant 256 : i32
      %dma_start3A_75 = arith.constant 0 : i32
      %dma_start3A_76 = tpu.memref_slice %arg8[%dma_start3A_74, %dma_start3A_75] : memref<512x16xf32, #tpu.memory_space<vmem>> -> memref<128x16xf32, #tpu.memory_space<vmem>>
      %dma_start3A_77 = arith.constant 0 : i32
      %dma_start3A_78 = tpu.memref_slice %arg6[%dma_start3A_73, %dma_start3A_77] : memref<4x128xi32, #tpu.memory_space<vmem>> -> memref<1x128xi32, #tpu.memory_space<vmem>>
      %dma_start3A_79 = tpu.memref_squeeze %dma_start3A_78 : memref<1x128xi32, #tpu.memory_space<vmem>> -> memref<128xi32, #tpu.memory_space<vmem>>
      %dma_start3A_80 = arith.constant 0 : i32
      %dma_start3A_81 = arith.constant 0 : i32
      %dma_start3A_82 = tpu.memref_slice %arg2[%dma_start3A_80, %dma_start3A_81] : memref<16384x16xf32, #tpu.memory_space<hbm>> -> memref<16384x16xf32, #tpu.memory_space<hbm>>
      tpu.enqueue_indirect_dma source(%dma_start3A_82 : memref<16384x16xf32, #tpu.memory_space<hbm>>) target(%dma_start3A_76 : memref<128x16xf32, #tpu.memory_space<vmem>>) offsets(%dma_start3A_79 : memref<128xi32, #tpu.memory_space<vmem>>) semaphore(%arg10 : memref<!tpu.dma_semaphore, #tpu.memory_space<semaphore_mem>>)
      %dma_start3A_83 = arith.constant 3 : i32
      %dma_start3A_84 = arith.constant 384 : i32
      %dma_start3A_85 = arith.constant 0 : i32
      %dma_start3A_86 = tpu.memref_slice %arg8[%dma_start3A_84, %dma_start3A_85] : memref<512x16xf32, #tpu.memory_space<vmem>> -> memref<128x16xf32, #tpu.memory_space<vmem>>
      %dma_start3A_87 = arith.constant 0 : i32
      %dma_start3A_88 = tpu.memref_slice %arg6[%dma_start3A_83, %dma_start3A_87] : memref<4x128xi32, #tpu.memory_space<vmem>> -> memref<1x128xi32, #tpu.memory_space<vmem>>
      %dma_start3A_89 = tpu.memref_squeeze %dma_start3A_88 : memref<1x128xi32, #tpu.memory_space<vmem>> -> memref<128xi32, #tpu.memory_space<vmem>>
      %dma_start3A_90 = arith.constant 0 : i32
      %dma_start3A_91 = arith.constant 0 : i32
      %dma_start3A_92 = tpu.memref_slice %arg2[%dma_start3A_90, %dma_start3A_91] : memref<16384x16xf32, #tpu.memory_space<hbm>> -> memref<16384x16xf32, #tpu.memory_space<hbm>>
      tpu.enqueue_indirect_dma source(%dma_start3A_92 : memref<16384x16xf32, #tpu.memory_space<hbm>>) target(%dma_start3A_86 : memref<128x16xf32, #tpu.memory_space<vmem>>) offsets(%dma_start3A_89 : memref<128xi32, #tpu.memory_space<vmem>>) semaphore(%arg10 : memref<!tpu.dma_semaphore, #tpu.memory_space<semaphore_mem>>)
      %dma_wait3A = arith.constant 0 : i32
      %dma_wait3A_93 = arith.constant 0 : i32
      %dma_wait3A_94 = tpu.memref_slice %arg4[%dma_wait3A, %dma_wait3A_93] : memref<327680x16xf32, #tpu.memory_space<hbm>> -> memref<512x16xf32, #tpu.memory_space<hbm>>
      %dma_wait3A_95 = arith.constant 0 : i32
      %dma_wait3A_96 = arith.constant 0 : i32
      %dma_wait3A_97 = tpu.memref_slice %arg4[%dma_wait3A_95, %dma_wait3A_96] : memref<327680x16xf32, #tpu.memory_space<hbm>> -> memref<512x16xf32, #tpu.memory_space<hbm>>
      tpu.wait_dma2 semaphore(%arg9 : memref<!tpu.dma_semaphore, #tpu.memory_space<semaphore_mem>>) src(%dma_wait3A_97 : memref<512x16xf32, #tpu.memory_space<hbm>>) dst(%arg7 : memref<512x16xf32, #tpu.memory_space<vmem>>)
      %mul3A_98 = arith.constant 512 : i32
      %mul3A_99 = arith.muli %add3A_50, %mul3A_98 : i32
      %multiple_of3A = tpu.assume_multiple %mul3A_99, 512 : i32
      "tpu.region"() ({
        %run_scoped3A = tpu.sem_alloc : memref<!tpu.dma_semaphore, #tpu.memory_space<semaphore_mem>>
        %dma_start3A_115 = arith.constant 0 : i32
        %dma_start3A_116 = tpu.memref_slice %arg4[%multiple_of3A, %dma_start3A_115] : memref<327680x16xf32, #tpu.memory_space<hbm>> -> memref<512x16xf32, #tpu.memory_space<hbm>>
        %dma_start3A_117 = arith.constant 0 : i32
        %dma_start3A_118 = tpu.memref_slice %arg4[%multiple_of3A, %dma_start3A_117] : memref<327680x16xf32, #tpu.memory_space<hbm>> -> memref<512x16xf32, #tpu.memory_space<hbm>>
        tpu.enqueue_dma source(%arg7 : memref<512x16xf32, #tpu.memory_space<vmem>>) target(%dma_start3A_118 : memref<512x16xf32, #tpu.memory_space<hbm>>) target_semaphore(%run_scoped3A : memref<!tpu.dma_semaphore, #tpu.memory_space<semaphore_mem>>)
        %dma_wait3A_119 = arith.constant 0 : i32
        %dma_wait3A_120 = tpu.memref_slice %arg4[%multiple_of3A, %dma_wait3A_119] : memref<327680x16xf32, #tpu.memory_space<hbm>> -> memref<512x16xf32, #tpu.memory_space<hbm>>
        %dma_wait3A_121 = arith.constant 0 : i32
        %dma_wait3A_122 = tpu.memref_slice %arg4[%multiple_of3A, %dma_wait3A_121] : memref<327680x16xf32, #tpu.memory_space<hbm>> -> memref<512x16xf32, #tpu.memory_space<hbm>>
        tpu.wait_dma2 semaphore(%run_scoped3A : memref<!tpu.dma_semaphore, #tpu.memory_space<semaphore_mem>>) src(%arg7 : memref<512x16xf32, #tpu.memory_space<vmem>>) dst(%dma_wait3A_122 : memref<512x16xf32, #tpu.memory_space<hbm>>)
        tpu.yield
      }) : () -> ()
      %add3A_100 = arith.constant 1 : i32
      %add3A_101 = arith.addi %scan3A_47, %add3A_100 : i32
      %lt3A = arith.constant 10 : i32
      %lt3A_102 = arith.cmpi slt, %add3A_101, %lt3A : i32
      %convert_element_type3A = arith.extui %lt3A_102 : i1 to i32
      %cond3A = arith.constant 0 : i32
      %cond3A_103 = arith.cmpi ne, %convert_element_type3A, %cond3A : i32
      scf.if %cond3A_103 {
        %add3A_115 = arith.constant 2 : i32
        %add3A_116 = arith.addi %add3A_50, %add3A_115 : i32
        "tpu.region"() ({
          %run_scoped3A = tpu.sem_alloc : memref<!tpu.dma_semaphore, #tpu.memory_space<semaphore_mem>>
          %dma_start3A_157 = arith.constant 0 : i32
          %dma_start3A_158 = arith.constant 0 : i32
          %dma_start3A_159 = tpu.memref_slice %arg3[%add3A_116, %dma_start3A_157, %dma_start3A_158] : memref<640x4x128xi32, #tpu.memory_space<hbm>> -> memref<1x4x128xi32, #tpu.memory_space<hbm>>
          %dma_start3A_160 = tpu.memref_squeeze %dma_start3A_159 : memref<1x4x128xi32, #tpu.memory_space<hbm>> -> memref<4x128xi32, #tpu.memory_space<hbm>>
          %dma_start3A_161 = arith.constant 0 : i32
          %dma_start3A_162 = arith.constant 0 : i32
          %dma_start3A_163 = tpu.memref_slice %arg3[%add3A_116, %dma_start3A_161, %dma_start3A_162] : memref<640x4x128xi32, #tpu.memory_space<hbm>> -> memref<1x4x128xi32, #tpu.memory_space<hbm>>
          %dma_start3A_164 = tpu.memref_squeeze %dma_start3A_163 : memref<1x4x128xi32, #tpu.memory_space<hbm>> -> memref<4x128xi32, #tpu.memory_space<hbm>>
          tpu.enqueue_dma source(%dma_start3A_164 : memref<4x128xi32, #tpu.memory_space<hbm>>) target(%arg5 : memref<4x128xi32, #tpu.memory_space<vmem>>) target_semaphore(%run_scoped3A : memref<!tpu.dma_semaphore, #tpu.memory_space<semaphore_mem>>)
          %dma_wait3A_165 = arith.constant 0 : i32
          %dma_wait3A_166 = arith.constant 0 : i32
          %dma_wait3A_167 = tpu.memref_slice %arg3[%add3A_116, %dma_wait3A_165, %dma_wait3A_166] : memref<640x4x128xi32, #tpu.memory_space<hbm>> -> memref<1x4x128xi32, #tpu.memory_space<hbm>>
          %dma_wait3A_168 = tpu.memref_squeeze %dma_wait3A_167 : memref<1x4x128xi32, #tpu.memory_space<hbm>> -> memref<4x128xi32, #tpu.memory_space<hbm>>
          %dma_wait3A_169 = arith.constant 0 : i32
          %dma_wait3A_170 = arith.constant 0 : i32
          %dma_wait3A_171 = tpu.memref_slice %arg3[%add3A_116, %dma_wait3A_169, %dma_wait3A_170] : memref<640x4x128xi32, #tpu.memory_space<hbm>> -> memref<1x4x128xi32, #tpu.memory_space<hbm>>
          %dma_wait3A_172 = tpu.memref_squeeze %dma_wait3A_171 : memref<1x4x128xi32, #tpu.memory_space<hbm>> -> memref<4x128xi32, #tpu.memory_space<hbm>>
          tpu.wait_dma2 semaphore(%run_scoped3A : memref<!tpu.dma_semaphore, #tpu.memory_space<semaphore_mem>>) src(%dma_wait3A_172 : memref<4x128xi32, #tpu.memory_space<hbm>>) dst(%arg5 : memref<4x128xi32, #tpu.memory_space<vmem>>)
          tpu.yield
        }) : () -> ()
        %dma_start3A_117 = arith.constant 0 : i32
        %dma_start3A_118 = arith.constant 0 : i32
        %dma_start3A_119 = arith.constant 0 : i32
        %dma_start3A_120 = tpu.memref_slice %arg7[%dma_start3A_118, %dma_start3A_119] : memref<512x16xf32, #tpu.memory_space<vmem>> -> memref<128x16xf32, #tpu.memory_space<vmem>>
        %dma_start3A_121 = arith.constant 0 : i32
        %dma_start3A_122 = tpu.memref_slice %arg5[%dma_start3A_117, %dma_start3A_121] : memref<4x128xi32, #tpu.memory_space<vmem>> -> memref<1x128xi32, #tpu.memory_space<vmem>>
        %dma_start3A_123 = tpu.memref_squeeze %dma_start3A_122 : memref<1x128xi32, #tpu.memory_space<vmem>> -> memref<128xi32, #tpu.memory_space<vmem>>
        %dma_start3A_124 = arith.constant 0 : i32
        %dma_start3A_125 = arith.constant 0 : i32
        %dma_start3A_126 = tpu.memref_slice %arg2[%dma_start3A_124, %dma_start3A_125] : memref<16384x16xf32, #tpu.memory_space<hbm>> -> memref<16384x16xf32, #tpu.memory_space<hbm>>
        tpu.enqueue_indirect_dma source(%dma_start3A_126 : memref<16384x16xf32, #tpu.memory_space<hbm>>) target(%dma_start3A_120 : memref<128x16xf32, #tpu.memory_space<vmem>>) offsets(%dma_start3A_123 : memref<128xi32, #tpu.memory_space<vmem>>) semaphore(%arg9 : memref<!tpu.dma_semaphore, #tpu.memory_space<semaphore_mem>>)
        %dma_start3A_127 = arith.constant 1 : i32
        %dma_start3A_128 = arith.constant 128 : i32
        %dma_start3A_129 = arith.constant 0 : i32
        %dma_start3A_130 = tpu.memref_slice %arg7[%dma_start3A_128, %dma_start3A_129] : memref<512x16xf32, #tpu.memory_space<vmem>> -> memref<128x16xf32, #tpu.memory_space<vmem>>
        %dma_start3A_131 = arith.constant 0 : i32
        %dma_start3A_132 = tpu.memref_slice %arg5[%dma_start3A_127, %dma_start3A_131] : memref<4x128xi32, #tpu.memory_space<vmem>> -> memref<1x128xi32, #tpu.memory_space<vmem>>
        %dma_start3A_133 = tpu.memref_squeeze %dma_start3A_132 : memref<1x128xi32, #tpu.memory_space<vmem>> -> memref<128xi32, #tpu.memory_space<vmem>>
        %dma_start3A_134 = arith.constant 0 : i32
        %dma_start3A_135 = arith.constant 0 : i32
        %dma_start3A_136 = tpu.memref_slice %arg2[%dma_start3A_134, %dma_start3A_135] : memref<16384x16xf32, #tpu.memory_space<hbm>> -> memref<16384x16xf32, #tpu.memory_space<hbm>>
        tpu.enqueue_indirect_dma source(%dma_start3A_136 : memref<16384x16xf32, #tpu.memory_space<hbm>>) target(%dma_start3A_130 : memref<128x16xf32, #tpu.memory_space<vmem>>) offsets(%dma_start3A_133 : memref<128xi32, #tpu.memory_space<vmem>>) semaphore(%arg9 : memref<!tpu.dma_semaphore, #tpu.memory_space<semaphore_mem>>)
        %dma_start3A_137 = arith.constant 2 : i32
        %dma_start3A_138 = arith.constant 256 : i32
        %dma_start3A_139 = arith.constant 0 : i32
        %dma_start3A_140 = tpu.memref_slice %arg7[%dma_start3A_138, %dma_start3A_139] : memref<512x16xf32, #tpu.memory_space<vmem>> -> memref<128x16xf32, #tpu.memory_space<vmem>>
        %dma_start3A_141 = arith.constant 0 : i32
        %dma_start3A_142 = tpu.memref_slice %arg5[%dma_start3A_137, %dma_start3A_141] : memref<4x128xi32, #tpu.memory_space<vmem>> -> memref<1x128xi32, #tpu.memory_space<vmem>>
        %dma_start3A_143 = tpu.memref_squeeze %dma_start3A_142 : memref<1x128xi32, #tpu.memory_space<vmem>> -> memref<128xi32, #tpu.memory_space<vmem>>
        %dma_start3A_144 = arith.constant 0 : i32
        %dma_start3A_145 = arith.constant 0 : i32
        %dma_start3A_146 = tpu.memref_slice %arg2[%dma_start3A_144, %dma_start3A_145] : memref<16384x16xf32, #tpu.memory_space<hbm>> -> memref<16384x16xf32, #tpu.memory_space<hbm>>
        tpu.enqueue_indirect_dma source(%dma_start3A_146 : memref<16384x16xf32, #tpu.memory_space<hbm>>) target(%dma_start3A_140 : memref<128x16xf32, #tpu.memory_space<vmem>>) offsets(%dma_start3A_143 : memref<128xi32, #tpu.memory_space<vmem>>) semaphore(%arg9 : memref<!tpu.dma_semaphore, #tpu.memory_space<semaphore_mem>>)
        %dma_start3A_147 = arith.constant 3 : i32
        %dma_start3A_148 = arith.constant 384 : i32
        %dma_start3A_149 = arith.constant 0 : i32
        %dma_start3A_150 = tpu.memref_slice %arg7[%dma_start3A_148, %dma_start3A_149] : memref<512x16xf32, #tpu.memory_space<vmem>> -> memref<128x16xf32, #tpu.memory_space<vmem>>
        %dma_start3A_151 = arith.constant 0 : i32
        %dma_start3A_152 = tpu.memref_slice %arg5[%dma_start3A_147, %dma_start3A_151] : memref<4x128xi32, #tpu.memory_space<vmem>> -> memref<1x128xi32, #tpu.memory_space<vmem>>
        %dma_start3A_153 = tpu.memref_squeeze %dma_start3A_152 : memref<1x128xi32, #tpu.memory_space<vmem>> -> memref<128xi32, #tpu.memory_space<vmem>>
        %dma_start3A_154 = arith.constant 0 : i32
        %dma_start3A_155 = arith.constant 0 : i32
        %dma_start3A_156 = tpu.memref_slice %arg2[%dma_start3A_154, %dma_start3A_155] : memref<16384x16xf32, #tpu.memory_space<hbm>> -> memref<16384x16xf32, #tpu.memory_space<hbm>>
        tpu.enqueue_indirect_dma source(%dma_start3A_156 : memref<16384x16xf32, #tpu.memory_space<hbm>>) target(%dma_start3A_150 : memref<128x16xf32, #tpu.memory_space<vmem>>) offsets(%dma_start3A_153 : memref<128xi32, #tpu.memory_space<vmem>>) semaphore(%arg9 : memref<!tpu.dma_semaphore, #tpu.memory_space<semaphore_mem>>)
      } else {
      }
      %add3A_104 = arith.constant 1 : i32
      %add3A_105 = arith.addi %add3A_50, %add3A_104 : i32
      %dma_wait3A_106 = arith.constant 0 : i32
      %dma_wait3A_107 = arith.constant 0 : i32
      %dma_wait3A_108 = tpu.memref_slice %arg4[%dma_wait3A_106, %dma_wait3A_107] : memref<327680x16xf32, #tpu.memory_space<hbm>> -> memref<512x16xf32, #tpu.memory_space<hbm>>
      %dma_wait3A_109 = arith.constant 0 : i32
      %dma_wait3A_110 = arith.constant 0 : i32
      %dma_wait3A_111 = tpu.memref_slice %arg4[%dma_wait3A_109, %dma_wait3A_110] : memref<327680x16xf32, #tpu.memory_space<hbm>> -> memref<512x16xf32, #tpu.memory_space<hbm>>
      tpu.wait_dma2 semaphore(%arg10 : memref<!tpu.dma_semaphore, #tpu.memory_space<semaphore_mem>>) src(%dma_wait3A_111 : memref<512x16xf32, #tpu.memory_space<hbm>>) dst(%arg8 : memref<512x16xf32, #tpu.memory_space<vmem>>)
      %mul3A_112 = arith.constant 512 : i32
      %mul3A_113 = arith.muli %add3A_105, %mul3A_112 : i32
      %multiple_of3A_114 = tpu.assume_multiple %mul3A_113, 512 : i32
      "tpu.region"() ({
        %run_scoped3A = tpu.sem_alloc : memref<!tpu.dma_semaphore, #tpu.memory_space<semaphore_mem>>
        %dma_start3A_115 = arith.constant 0 : i32
        %dma_start3A_116 = tpu.memref_slice %arg4[%multiple_of3A_114, %dma_start3A_115] : memref<327680x16xf32, #tpu.memory_space<hbm>> -> memref<512x16xf32, #tpu.memory_space<hbm>>
        %dma_start3A_117 = arith.constant 0 : i32
        %dma_start3A_118 = tpu.memref_slice %arg4[%multiple_of3A_114, %dma_start3A_117] : memref<327680x16xf32, #tpu.memory_space<hbm>> -> memref<512x16xf32, #tpu.memory_space<hbm>>
        tpu.enqueue_dma source(%arg8 : memref<512x16xf32, #tpu.memory_space<vmem>>) target(%dma_start3A_118 : memref<512x16xf32, #tpu.memory_space<hbm>>) target_semaphore(%run_scoped3A : memref<!tpu.dma_semaphore, #tpu.memory_space<semaphore_mem>>)
        %dma_wait3A_119 = arith.constant 0 : i32
        %dma_wait3A_120 = tpu.memref_slice %arg4[%multiple_of3A_114, %dma_wait3A_119] : memref<327680x16xf32, #tpu.memory_space<hbm>> -> memref<512x16xf32, #tpu.memory_space<hbm>>
        %dma_wait3A_121 = arith.constant 0 : i32
        %dma_wait3A_122 = tpu.memref_slice %arg4[%multiple_of3A_114, %dma_wait3A_121] : memref<327680x16xf32, #tpu.memory_space<hbm>> -> memref<512x16xf32, #tpu.memory_space<hbm>>
        tpu.wait_dma2 semaphore(%run_scoped3A : memref<!tpu.dma_semaphore, #tpu.memory_space<semaphore_mem>>) src(%arg8 : memref<512x16xf32, #tpu.memory_space<vmem>>) dst(%dma_wait3A_122 : memref<512x16xf32, #tpu.memory_space<hbm>>)
        tpu.yield
      }) : () -> ()
    }
    %scan3A_46 = arith.constant 10 : i32
    return
  }
}

#map = affine_map<(d0, d1) -> (0, 0)>
#map1 = affine_map<(d0, d1) -> (0, 0, 0)>
module attributes {stable_mosaic.version = 14 : i64} {
  func.func @gather(%arg0: i32, %arg1: i32, %arg2: memref<16384x64xf32, #tpu.memory_space<hbm>>, %arg3: memref<640x4x128xi32, #tpu.memory_space<hbm>>, %arg4: memref<327680x64xf32, #tpu.memory_space<hbm>>, %arg5: memref<4x128xi32, #tpu.memory_space<vmem>>, %arg6: memref<4x128xi32, #tpu.memory_space<vmem>>, %arg7: memref<512x64xf32, #tpu.memory_space<vmem>>, %arg8: memref<512x64xf32, #tpu.memory_space<vmem>>, %arg9: memref<!tpu.dma_semaphore, #tpu.memory_space<semaphore_mem>>, %arg10: memref<!tpu.dma_semaphore, #tpu.memory_space<semaphore_mem>>) attributes {dimension_semantics = [#tpu.dimension_semantics<core_parallel>, #tpu.dimension_semantics<subcore_parallel>], iteration_bounds = array<i64: 2, 16>, scalar_prefetch = 0 : i64, scratch_operands = 6 : i64, tpu.core_type = #tpu.core_type<sc_vector_subcore>, window_params = [{transform_indices = #map}, {transform_indices = #map1}, {transform_indices = #map}]} {
    %mul3A = arith.constant 2 : i32
    %mul3A_0 = arith.muli %arg1, %mul3A : i32
    %add3A = arith.addi %mul3A_0, %arg0 : i32
    %mul3A_1 = arith.constant 20 : i32
    %mul3A_2 = arith.muli %add3A, %mul3A_1 : i32
    "tpu.region"() ({
      %run_scoped3A = tpu.sem_alloc : memref<!tpu.dma_semaphore, #tpu.memory_space<semaphore_mem>>
      %dma_start3A_47 = arith.constant 0 : i32
      %dma_start3A_48 = arith.constant 0 : i32
      %dma_start3A_49 = tpu.memref_slice %arg3[%mul3A_2, %dma_start3A_47, %dma_start3A_48] : memref<640x4x128xi32, #tpu.memory_space<hbm>> -> memref<1x4x128xi32, #tpu.memory_space<hbm>>
      %dma_start3A_50 = tpu.memref_squeeze %dma_start3A_49 : memref<1x4x128xi32, #tpu.memory_space<hbm>> -> memref<4x128xi32, #tpu.memory_space<hbm>>
      %dma_start3A_51 = arith.constant 0 : i32
      %dma_start3A_52 = arith.constant 0 : i32
      %dma_start3A_53 = tpu.memref_slice %arg3[%mul3A_2, %dma_start3A_51, %dma_start3A_52] : memref<640x4x128xi32, #tpu.memory_space<hbm>> -> memref<1x4x128xi32, #tpu.memory_space<hbm>>
      %dma_start3A_54 = tpu.memref_squeeze %dma_start3A_53 : memref<1x4x128xi32, #tpu.memory_space<hbm>> -> memref<4x128xi32, #tpu.memory_space<hbm>>
      tpu.enqueue_dma source(%dma_start3A_54 : memref<4x128xi32, #tpu.memory_space<hbm>>) target(%arg5 : memref<4x128xi32, #tpu.memory_space<vmem>>) target_semaphore(%run_scoped3A : memref<!tpu.dma_semaphore, #tpu.memory_space<semaphore_mem>>)
      %dma_wait3A = arith.constant 0 : i32
      %dma_wait3A_55 = arith.constant 0 : i32
      %dma_wait3A_56 = tpu.memref_slice %arg3[%mul3A_2, %dma_wait3A, %dma_wait3A_55] : memref<640x4x128xi32, #tpu.memory_space<hbm>> -> memref<1x4x128xi32, #tpu.memory_space<hbm>>
      %dma_wait3A_57 = tpu.memref_squeeze %dma_wait3A_56 : memref<1x4x128xi32, #tpu.memory_space<hbm>> -> memref<4x128xi32, #tpu.memory_space<hbm>>
      %dma_wait3A_58 = arith.constant 0 : i32
      %dma_wait3A_59 = arith.constant 0 : i32
      %dma_wait3A_60 = tpu.memref_slice %arg3[%mul3A_2, %dma_wait3A_58, %dma_wait3A_59] : memref<640x4x128xi32, #tpu.memory_space<hbm>> -> memref<1x4x128xi32, #tpu.memory_space<hbm>>
      %dma_wait3A_61 = tpu.memref_squeeze %dma_wait3A_60 : memref<1x4x128xi32, #tpu.memory_space<hbm>> -> memref<4x128xi32, #tpu.memory_space<hbm>>
      tpu.wait_dma2 semaphore(%run_scoped3A : memref<!tpu.dma_semaphore, #tpu.memory_space<semaphore_mem>>) src(%dma_wait3A_61 : memref<4x128xi32, #tpu.memory_space<hbm>>) dst(%arg5 : memref<4x128xi32, #tpu.memory_space<vmem>>)
      tpu.yield
    }) : () -> ()
    %dma_start3A = arith.constant 0 : i32
    %dma_start3A_3 = arith.constant 0 : i32
    %dma_start3A_4 = arith.constant 0 : i32
    %dma_start3A_5 = tpu.memref_slice %arg7[%dma_start3A_3, %dma_start3A_4] : memref<512x64xf32, #tpu.memory_space<vmem>> -> memref<128x64xf32, #tpu.memory_space<vmem>>
    %dma_start3A_6 = arith.constant 0 : i32
    %dma_start3A_7 = tpu.memref_slice %arg5[%dma_start3A, %dma_start3A_6] : memref<4x128xi32, #tpu.memory_space<vmem>> -> memref<1x128xi32, #tpu.memory_space<vmem>>
    %dma_start3A_8 = tpu.memref_squeeze %dma_start3A_7 : memref<1x128xi32, #tpu.memory_space<vmem>> -> memref<128xi32, #tpu.memory_space<vmem>>
    %dma_start3A_9 = arith.constant 0 : i32
    %dma_start3A_10 = arith.constant 0 : i32
    %dma_start3A_11 = tpu.memref_slice %arg2[%dma_start3A_9, %dma_start3A_10] : memref<16384x64xf32, #tpu.memory_space<hbm>> -> memref<16384x64xf32, #tpu.memory_space<hbm>>
    tpu.enqueue_indirect_dma source(%dma_start3A_11 : memref<16384x64xf32, #tpu.memory_space<hbm>>) target(%dma_start3A_5 : memref<128x64xf32, #tpu.memory_space<vmem>>) offsets(%dma_start3A_8 : memref<128xi32, #tpu.memory_space<vmem>>) semaphore(%arg9 : memref<!tpu.dma_semaphore, #tpu.memory_space<semaphore_mem>>)
    %dma_start3A_12 = arith.constant 1 : i32
    %dma_start3A_13 = arith.constant 128 : i32
    %dma_start3A_14 = arith.constant 0 : i32
    %dma_start3A_15 = tpu.memref_slice %arg7[%dma_start3A_13, %dma_start3A_14] : memref<512x64xf32, #tpu.memory_space<vmem>> -> memref<128x64xf32, #tpu.memory_space<vmem>>
    %dma_start3A_16 = arith.constant 0 : i32
    %dma_start3A_17 = tpu.memref_slice %arg5[%dma_start3A_12, %dma_start3A_16] : memref<4x128xi32, #tpu.memory_space<vmem>> -> memref<1x128xi32, #tpu.memory_space<vmem>>
    %dma_start3A_18 = tpu.memref_squeeze %dma_start3A_17 : memref<1x128xi32, #tpu.memory_space<vmem>> -> memref<128xi32, #tpu.memory_space<vmem>>
    %dma_start3A_19 = arith.constant 0 : i32
    %dma_start3A_20 = arith.constant 0 : i32
    %dma_start3A_21 = tpu.memref_slice %arg2[%dma_start3A_19, %dma_start3A_20] : memref<16384x64xf32, #tpu.memory_space<hbm>> -> memref<16384x64xf32, #tpu.memory_space<hbm>>
    tpu.enqueue_indirect_dma source(%dma_start3A_21 : memref<16384x64xf32, #tpu.memory_space<hbm>>) target(%dma_start3A_15 : memref<128x64xf32, #tpu.memory_space<vmem>>) offsets(%dma_start3A_18 : memref<128xi32, #tpu.memory_space<vmem>>) semaphore(%arg9 : memref<!tpu.dma_semaphore, #tpu.memory_space<semaphore_mem>>)
    %dma_start3A_22 = arith.constant 2 : i32
    %dma_start3A_23 = arith.constant 256 : i32
    %dma_start3A_24 = arith.constant 0 : i32
    %dma_start3A_25 = tpu.memref_slice %arg7[%dma_start3A_23, %dma_start3A_24] : memref<512x64xf32, #tpu.memory_space<vmem>> -> memref<128x64xf32, #tpu.memory_space<vmem>>
    %dma_start3A_26 = arith.constant 0 : i32
    %dma_start3A_27 = tpu.memref_slice %arg5[%dma_start3A_22, %dma_start3A_26] : memref<4x128xi32, #tpu.memory_space<vmem>> -> memref<1x128xi32, #tpu.memory_space<vmem>>
    %dma_start3A_28 = tpu.memref_squeeze %dma_start3A_27 : memref<1x128xi32, #tpu.memory_space<vmem>> -> memref<128xi32, #tpu.memory_space<vmem>>
    %dma_start3A_29 = arith.constant 0 : i32
    %dma_start3A_30 = arith.constant 0 : i32
    %dma_start3A_31 = tpu.memref_slice %arg2[%dma_start3A_29, %dma_start3A_30] : memref<16384x64xf32, #tpu.memory_space<hbm>> -> memref<16384x64xf32, #tpu.memory_space<hbm>>
    tpu.enqueue_indirect_dma source(%dma_start3A_31 : memref<16384x64xf32, #tpu.memory_space<hbm>>) target(%dma_start3A_25 : memref<128x64xf32, #tpu.memory_space<vmem>>) offsets(%dma_start3A_28 : memref<128xi32, #tpu.memory_space<vmem>>) semaphore(%arg9 : memref<!tpu.dma_semaphore, #tpu.memory_space<semaphore_mem>>)
    %dma_start3A_32 = arith.constant 3 : i32
    %dma_start3A_33 = arith.constant 384 : i32
    %dma_start3A_34 = arith.constant 0 : i32
    %dma_start3A_35 = tpu.memref_slice %arg7[%dma_start3A_33, %dma_start3A_34] : memref<512x64xf32, #tpu.memory_space<vmem>> -> memref<128x64xf32, #tpu.memory_space<vmem>>
    %dma_start3A_36 = arith.constant 0 : i32
    %dma_start3A_37 = tpu.memref_slice %arg5[%dma_start3A_32, %dma_start3A_36] : memref<4x128xi32, #tpu.memory_space<vmem>> -> memref<1x128xi32, #tpu.memory_space<vmem>>
    %dma_start3A_38 = tpu.memref_squeeze %dma_start3A_37 : memref<1x128xi32, #tpu.memory_space<vmem>> -> memref<128xi32, #tpu.memory_space<vmem>>
    %dma_start3A_39 = arith.constant 0 : i32
    %dma_start3A_40 = arith.constant 0 : i32
    %dma_start3A_41 = tpu.memref_slice %arg2[%dma_start3A_39, %dma_start3A_40] : memref<16384x64xf32, #tpu.memory_space<hbm>> -> memref<16384x64xf32, #tpu.memory_space<hbm>>
    tpu.enqueue_indirect_dma source(%dma_start3A_41 : memref<16384x64xf32, #tpu.memory_space<hbm>>) target(%dma_start3A_35 : memref<128x64xf32, #tpu.memory_space<vmem>>) offsets(%dma_start3A_38 : memref<128xi32, #tpu.memory_space<vmem>>) semaphore(%arg9 : memref<!tpu.dma_semaphore, #tpu.memory_space<semaphore_mem>>)
    %scan3A = arith.constant 0 : i32
    %scan3A_42 = arith.constant 0 : i32
    %scan3A_43 = arith.constant 10 : i32
    %scan3A_44 = arith.addi %scan3A_42, %scan3A_43 : i32
    %scan3A_45 = arith.constant 1 : i32
    scf.for %scan3A_47 = %scan3A_42 to %scan3A_44 step %scan3A_45  : i32 {
      %mul3A_48 = arith.constant 2 : i32
      %mul3A_49 = arith.muli %mul3A_48, %scan3A_47 : i32
      %add3A_50 = arith.addi %mul3A_2, %mul3A_49 : i32
      %add3A_51 = arith.constant 1 : i32
      %add3A_52 = arith.addi %add3A_50, %add3A_51 : i32
      "tpu.region"() ({
        %run_scoped3A = tpu.sem_alloc : memref<!tpu.dma_semaphore, #tpu.memory_space<semaphore_mem>>
        %dma_start3A_115 = arith.constant 0 : i32
        %dma_start3A_116 = arith.constant 0 : i32
        %dma_start3A_117 = tpu.memref_slice %arg3[%add3A_52, %dma_start3A_115, %dma_start3A_116] : memref<640x4x128xi32, #tpu.memory_space<hbm>> -> memref<1x4x128xi32, #tpu.memory_space<hbm>>
        %dma_start3A_118 = tpu.memref_squeeze %dma_start3A_117 : memref<1x4x128xi32, #tpu.memory_space<hbm>> -> memref<4x128xi32, #tpu.memory_space<hbm>>
        %dma_start3A_119 = arith.constant 0 : i32
        %dma_start3A_120 = arith.constant 0 : i32
        %dma_start3A_121 = tpu.memref_slice %arg3[%add3A_52, %dma_start3A_119, %dma_start3A_120] : memref<640x4x128xi32, #tpu.memory_space<hbm>> -> memref<1x4x128xi32, #tpu.memory_space<hbm>>
        %dma_start3A_122 = tpu.memref_squeeze %dma_start3A_121 : memref<1x4x128xi32, #tpu.memory_space<hbm>> -> memref<4x128xi32, #tpu.memory_space<hbm>>
        tpu.enqueue_dma source(%dma_start3A_122 : memref<4x128xi32, #tpu.memory_space<hbm>>) target(%arg6 : memref<4x128xi32, #tpu.memory_space<vmem>>) target_semaphore(%run_scoped3A : memref<!tpu.dma_semaphore, #tpu.memory_space<semaphore_mem>>)
        %dma_wait3A_123 = arith.constant 0 : i32
        %dma_wait3A_124 = arith.constant 0 : i32
        %dma_wait3A_125 = tpu.memref_slice %arg3[%add3A_52, %dma_wait3A_123, %dma_wait3A_124] : memref<640x4x128xi32, #tpu.memory_space<hbm>> -> memref<1x4x128xi32, #tpu.memory_space<hbm>>
        %dma_wait3A_126 = tpu.memref_squeeze %dma_wait3A_125 : memref<1x4x128xi32, #tpu.memory_space<hbm>> -> memref<4x128xi32, #tpu.memory_space<hbm>>
        %dma_wait3A_127 = arith.constant 0 : i32
        %dma_wait3A_128 = arith.constant 0 : i32
        %dma_wait3A_129 = tpu.memref_slice %arg3[%add3A_52, %dma_wait3A_127, %dma_wait3A_128] : memref<640x4x128xi32, #tpu.memory_space<hbm>> -> memref<1x4x128xi32, #tpu.memory_space<hbm>>
        %dma_wait3A_130 = tpu.memref_squeeze %dma_wait3A_129 : memref<1x4x128xi32, #tpu.memory_space<hbm>> -> memref<4x128xi32, #tpu.memory_space<hbm>>
        tpu.wait_dma2 semaphore(%run_scoped3A : memref<!tpu.dma_semaphore, #tpu.memory_space<semaphore_mem>>) src(%dma_wait3A_130 : memref<4x128xi32, #tpu.memory_space<hbm>>) dst(%arg6 : memref<4x128xi32, #tpu.memory_space<vmem>>)
        tpu.yield
      }) : () -> ()
      %dma_start3A_53 = arith.constant 0 : i32
      %dma_start3A_54 = arith.constant 0 : i32
      %dma_start3A_55 = arith.constant 0 : i32
      %dma_start3A_56 = tpu.memref_slice %arg8[%dma_start3A_54, %dma_start3A_55] : memref<512x64xf32, #tpu.memory_space<vmem>> -> memref<128x64xf32, #tpu.memory_space<vmem>>
      %dma_start3A_57 = arith.constant 0 : i32
      %dma_start3A_58 = tpu.memref_slice %arg6[%dma_start3A_53, %dma_start3A_57] : memref<4x128xi32, #tpu.memory_space<vmem>> -> memref<1x128xi32, #tpu.memory_space<vmem>>
      %dma_start3A_59 = tpu.memref_squeeze %dma_start3A_58 : memref<1x128xi32, #tpu.memory_space<vmem>> -> memref<128xi32, #tpu.memory_space<vmem>>
      %dma_start3A_60 = arith.constant 0 : i32
      %dma_start3A_61 = arith.constant 0 : i32
      %dma_start3A_62 = tpu.memref_slice %arg2[%dma_start3A_60, %dma_start3A_61] : memref<16384x64xf32, #tpu.memory_space<hbm>> -> memref<16384x64xf32, #tpu.memory_space<hbm>>
      tpu.enqueue_indirect_dma source(%dma_start3A_62 : memref<16384x64xf32, #tpu.memory_space<hbm>>) target(%dma_start3A_56 : memref<128x64xf32, #tpu.memory_space<vmem>>) offsets(%dma_start3A_59 : memref<128xi32, #tpu.memory_space<vmem>>) semaphore(%arg10 : memref<!tpu.dma_semaphore, #tpu.memory_space<semaphore_mem>>)
      %dma_start3A_63 = arith.constant 1 : i32
      %dma_start3A_64 = arith.constant 128 : i32
      %dma_start3A_65 = arith.constant 0 : i32
      %dma_start3A_66 = tpu.memref_slice %arg8[%dma_start3A_64, %dma_start3A_65] : memref<512x64xf32, #tpu.memory_space<vmem>> -> memref<128x64xf32, #tpu.memory_space<vmem>>
      %dma_start3A_67 = arith.constant 0 : i32
      %dma_start3A_68 = tpu.memref_slice %arg6[%dma_start3A_63, %dma_start3A_67] : memref<4x128xi32, #tpu.memory_space<vmem>> -> memref<1x128xi32, #tpu.memory_space<vmem>>
      %dma_start3A_69 = tpu.memref_squeeze %dma_start3A_68 : memref<1x128xi32, #tpu.memory_space<vmem>> -> memref<128xi32, #tpu.memory_space<vmem>>
      %dma_start3A_70 = arith.constant 0 : i32
      %dma_start3A_71 = arith.constant 0 : i32
      %dma_start3A_72 = tpu.memref_slice %arg2[%dma_start3A_70, %dma_start3A_71] : memref<16384x64xf32, #tpu.memory_space<hbm>> -> memref<16384x64xf32, #tpu.memory_space<hbm>>
      tpu.enqueue_indirect_dma source(%dma_start3A_72 : memref<16384x64xf32, #tpu.memory_space<hbm>>) target(%dma_start3A_66 : memref<128x64xf32, #tpu.memory_space<vmem>>) offsets(%dma_start3A_69 : memref<128xi32, #tpu.memory_space<vmem>>) semaphore(%arg10 : memref<!tpu.dma_semaphore, #tpu.memory_space<semaphore_mem>>)
      %dma_start3A_73 = arith.constant 2 : i32
      %dma_start3A_74 = arith.constant 256 : i32
      %dma_start3A_75 = arith.constant 0 : i32
      %dma_start3A_76 = tpu.memref_slice %arg8[%dma_start3A_74, %dma_start3A_75] : memref<512x64xf32, #tpu.memory_space<vmem>> -> memref<128x64xf32, #tpu.memory_space<vmem>>
      %dma_start3A_77 = arith.constant 0 : i32
      %dma_start3A_78 = tpu.memref_slice %arg6[%dma_start3A_73, %dma_start3A_77] : memref<4x128xi32, #tpu.memory_space<vmem>> -> memref<1x128xi32, #tpu.memory_space<vmem>>
      %dma_start3A_79 = tpu.memref_squeeze %dma_start3A_78 : memref<1x128xi32, #tpu.memory_space<vmem>> -> memref<128xi32, #tpu.memory_space<vmem>>
      %dma_start3A_80 = arith.constant 0 : i32
      %dma_start3A_81 = arith.constant 0 : i32
      %dma_start3A_82 = tpu.memref_slice %arg2[%dma_start3A_80, %dma_start3A_81] : memref<16384x64xf32, #tpu.memory_space<hbm>> -> memref<16384x64xf32, #tpu.memory_space<hbm>>
      tpu.enqueue_indirect_dma source(%dma_start3A_82 : memref<16384x64xf32, #tpu.memory_space<hbm>>) target(%dma_start3A_76 : memref<128x64xf32, #tpu.memory_space<vmem>>) offsets(%dma_start3A_79 : memref<128xi32, #tpu.memory_space<vmem>>) semaphore(%arg10 : memref<!tpu.dma_semaphore, #tpu.memory_space<semaphore_mem>>)
      %dma_start3A_83 = arith.constant 3 : i32
      %dma_start3A_84 = arith.constant 384 : i32
      %dma_start3A_85 = arith.constant 0 : i32
      %dma_start3A_86 = tpu.memref_slice %arg8[%dma_start3A_84, %dma_start3A_85] : memref<512x64xf32, #tpu.memory_space<vmem>> -> memref<128x64xf32, #tpu.memory_space<vmem>>
      %dma_start3A_87 = arith.constant 0 : i32
      %dma_start3A_88 = tpu.memref_slice %arg6[%dma_start3A_83, %dma_start3A_87] : memref<4x128xi32, #tpu.memory_space<vmem>> -> memref<1x128xi32, #tpu.memory_space<vmem>>
      %dma_start3A_89 = tpu.memref_squeeze %dma_start3A_88 : memref<1x128xi32, #tpu.memory_space<vmem>> -> memref<128xi32, #tpu.memory_space<vmem>>
      %dma_start3A_90 = arith.constant 0 : i32
      %dma_start3A_91 = arith.constant 0 : i32
      %dma_start3A_92 = tpu.memref_slice %arg2[%dma_start3A_90, %dma_start3A_91] : memref<16384x64xf32, #tpu.memory_space<hbm>> -> memref<16384x64xf32, #tpu.memory_space<hbm>>
      tpu.enqueue_indirect_dma source(%dma_start3A_92 : memref<16384x64xf32, #tpu.memory_space<hbm>>) target(%dma_start3A_86 : memref<128x64xf32, #tpu.memory_space<vmem>>) offsets(%dma_start3A_89 : memref<128xi32, #tpu.memory_space<vmem>>) semaphore(%arg10 : memref<!tpu.dma_semaphore, #tpu.memory_space<semaphore_mem>>)
      %dma_wait3A = arith.constant 0 : i32
      %dma_wait3A_93 = arith.constant 0 : i32
      %dma_wait3A_94 = tpu.memref_slice %arg4[%dma_wait3A, %dma_wait3A_93] : memref<327680x64xf32, #tpu.memory_space<hbm>> -> memref<512x64xf32, #tpu.memory_space<hbm>>
      %dma_wait3A_95 = arith.constant 0 : i32
      %dma_wait3A_96 = arith.constant 0 : i32
      %dma_wait3A_97 = tpu.memref_slice %arg4[%dma_wait3A_95, %dma_wait3A_96] : memref<327680x64xf32, #tpu.memory_space<hbm>> -> memref<512x64xf32, #tpu.memory_space<hbm>>
      tpu.wait_dma2 semaphore(%arg9 : memref<!tpu.dma_semaphore, #tpu.memory_space<semaphore_mem>>) src(%dma_wait3A_97 : memref<512x64xf32, #tpu.memory_space<hbm>>) dst(%arg7 : memref<512x64xf32, #tpu.memory_space<vmem>>)
      %mul3A_98 = arith.constant 512 : i32
      %mul3A_99 = arith.muli %add3A_50, %mul3A_98 : i32
      %multiple_of3A = tpu.assume_multiple %mul3A_99, 512 : i32
      "tpu.region"() ({
        %run_scoped3A = tpu.sem_alloc : memref<!tpu.dma_semaphore, #tpu.memory_space<semaphore_mem>>
        %dma_start3A_115 = arith.constant 0 : i32
        %dma_start3A_116 = tpu.memref_slice %arg4[%multiple_of3A, %dma_start3A_115] : memref<327680x64xf32, #tpu.memory_space<hbm>> -> memref<512x64xf32, #tpu.memory_space<hbm>>
        %dma_start3A_117 = arith.constant 0 : i32
        %dma_start3A_118 = tpu.memref_slice %arg4[%multiple_of3A, %dma_start3A_117] : memref<327680x64xf32, #tpu.memory_space<hbm>> -> memref<512x64xf32, #tpu.memory_space<hbm>>
        tpu.enqueue_dma source(%arg7 : memref<512x64xf32, #tpu.memory_space<vmem>>) target(%dma_start3A_118 : memref<512x64xf32, #tpu.memory_space<hbm>>) target_semaphore(%run_scoped3A : memref<!tpu.dma_semaphore, #tpu.memory_space<semaphore_mem>>)
        %dma_wait3A_119 = arith.constant 0 : i32
        %dma_wait3A_120 = tpu.memref_slice %arg4[%multiple_of3A, %dma_wait3A_119] : memref<327680x64xf32, #tpu.memory_space<hbm>> -> memref<512x64xf32, #tpu.memory_space<hbm>>
        %dma_wait3A_121 = arith.constant 0 : i32
        %dma_wait3A_122 = tpu.memref_slice %arg4[%multiple_of3A, %dma_wait3A_121] : memref<327680x64xf32, #tpu.memory_space<hbm>> -> memref<512x64xf32, #tpu.memory_space<hbm>>
        tpu.wait_dma2 semaphore(%run_scoped3A : memref<!tpu.dma_semaphore, #tpu.memory_space<semaphore_mem>>) src(%arg7 : memref<512x64xf32, #tpu.memory_space<vmem>>) dst(%dma_wait3A_122 : memref<512x64xf32, #tpu.memory_space<hbm>>)
        tpu.yield
      }) : () -> ()
      %add3A_100 = arith.constant 1 : i32
      %add3A_101 = arith.addi %scan3A_47, %add3A_100 : i32
      %lt3A = arith.constant 10 : i32
      %lt3A_102 = arith.cmpi slt, %add3A_101, %lt3A : i32
      %convert_element_type3A = arith.extui %lt3A_102 : i1 to i32
      %cond3A = arith.constant 0 : i32
      %cond3A_103 = arith.cmpi ne, %convert_element_type3A, %cond3A : i32
      scf.if %cond3A_103 {
        %add3A_115 = arith.constant 2 : i32
        %add3A_116 = arith.addi %add3A_50, %add3A_115 : i32
        "tpu.region"() ({
          %run_scoped3A = tpu.sem_alloc : memref<!tpu.dma_semaphore, #tpu.memory_space<semaphore_mem>>
          %dma_start3A_157 = arith.constant 0 : i32
          %dma_start3A_158 = arith.constant 0 : i32
          %dma_start3A_159 = tpu.memref_slice %arg3[%add3A_116, %dma_start3A_157, %dma_start3A_158] : memref<640x4x128xi32, #tpu.memory_space<hbm>> -> memref<1x4x128xi32, #tpu.memory_space<hbm>>
          %dma_start3A_160 = tpu.memref_squeeze %dma_start3A_159 : memref<1x4x128xi32, #tpu.memory_space<hbm>> -> memref<4x128xi32, #tpu.memory_space<hbm>>
          %dma_start3A_161 = arith.constant 0 : i32
          %dma_start3A_162 = arith.constant 0 : i32
          %dma_start3A_163 = tpu.memref_slice %arg3[%add3A_116, %dma_start3A_161, %dma_start3A_162] : memref<640x4x128xi32, #tpu.memory_space<hbm>> -> memref<1x4x128xi32, #tpu.memory_space<hbm>>
          %dma_start3A_164 = tpu.memref_squeeze %dma_start3A_163 : memref<1x4x128xi32, #tpu.memory_space<hbm>> -> memref<4x128xi32, #tpu.memory_space<hbm>>
          tpu.enqueue_dma source(%dma_start3A_164 : memref<4x128xi32, #tpu.memory_space<hbm>>) target(%arg5 : memref<4x128xi32, #tpu.memory_space<vmem>>) target_semaphore(%run_scoped3A : memref<!tpu.dma_semaphore, #tpu.memory_space<semaphore_mem>>)
          %dma_wait3A_165 = arith.constant 0 : i32
          %dma_wait3A_166 = arith.constant 0 : i32
          %dma_wait3A_167 = tpu.memref_slice %arg3[%add3A_116, %dma_wait3A_165, %dma_wait3A_166] : memref<640x4x128xi32, #tpu.memory_space<hbm>> -> memref<1x4x128xi32, #tpu.memory_space<hbm>>
          %dma_wait3A_168 = tpu.memref_squeeze %dma_wait3A_167 : memref<1x4x128xi32, #tpu.memory_space<hbm>> -> memref<4x128xi32, #tpu.memory_space<hbm>>
          %dma_wait3A_169 = arith.constant 0 : i32
          %dma_wait3A_170 = arith.constant 0 : i32
          %dma_wait3A_171 = tpu.memref_slice %arg3[%add3A_116, %dma_wait3A_169, %dma_wait3A_170] : memref<640x4x128xi32, #tpu.memory_space<hbm>> -> memref<1x4x128xi32, #tpu.memory_space<hbm>>
          %dma_wait3A_172 = tpu.memref_squeeze %dma_wait3A_171 : memref<1x4x128xi32, #tpu.memory_space<hbm>> -> memref<4x128xi32, #tpu.memory_space<hbm>>
          tpu.wait_dma2 semaphore(%run_scoped3A : memref<!tpu.dma_semaphore, #tpu.memory_space<semaphore_mem>>) src(%dma_wait3A_172 : memref<4x128xi32, #tpu.memory_space<hbm>>) dst(%arg5 : memref<4x128xi32, #tpu.memory_space<vmem>>)
          tpu.yield
        }) : () -> ()
        %dma_start3A_117 = arith.constant 0 : i32
        %dma_start3A_118 = arith.constant 0 : i32
        %dma_start3A_119 = arith.constant 0 : i32
        %dma_start3A_120 = tpu.memref_slice %arg7[%dma_start3A_118, %dma_start3A_119] : memref<512x64xf32, #tpu.memory_space<vmem>> -> memref<128x64xf32, #tpu.memory_space<vmem>>
        %dma_start3A_121 = arith.constant 0 : i32
        %dma_start3A_122 = tpu.memref_slice %arg5[%dma_start3A_117, %dma_start3A_121] : memref<4x128xi32, #tpu.memory_space<vmem>> -> memref<1x128xi32, #tpu.memory_space<vmem>>
        %dma_start3A_123 = tpu.memref_squeeze %dma_start3A_122 : memref<1x128xi32, #tpu.memory_space<vmem>> -> memref<128xi32, #tpu.memory_space<vmem>>
        %dma_start3A_124 = arith.constant 0 : i32
        %dma_start3A_125 = arith.constant 0 : i32
        %dma_start3A_126 = tpu.memref_slice %arg2[%dma_start3A_124, %dma_start3A_125] : memref<16384x64xf32, #tpu.memory_space<hbm>> -> memref<16384x64xf32, #tpu.memory_space<hbm>>
        tpu.enqueue_indirect_dma source(%dma_start3A_126 : memref<16384x64xf32, #tpu.memory_space<hbm>>) target(%dma_start3A_120 : memref<128x64xf32, #tpu.memory_space<vmem>>) offsets(%dma_start3A_123 : memref<128xi32, #tpu.memory_space<vmem>>) semaphore(%arg9 : memref<!tpu.dma_semaphore, #tpu.memory_space<semaphore_mem>>)
        %dma_start3A_127 = arith.constant 1 : i32
        %dma_start3A_128 = arith.constant 128 : i32
        %dma_start3A_129 = arith.constant 0 : i32
        %dma_start3A_130 = tpu.memref_slice %arg7[%dma_start3A_128, %dma_start3A_129] : memref<512x64xf32, #tpu.memory_space<vmem>> -> memref<128x64xf32, #tpu.memory_space<vmem>>
        %dma_start3A_131 = arith.constant 0 : i32
        %dma_start3A_132 = tpu.memref_slice %arg5[%dma_start3A_127, %dma_start3A_131] : memref<4x128xi32, #tpu.memory_space<vmem>> -> memref<1x128xi32, #tpu.memory_space<vmem>>
        %dma_start3A_133 = tpu.memref_squeeze %dma_start3A_132 : memref<1x128xi32, #tpu.memory_space<vmem>> -> memref<128xi32, #tpu.memory_space<vmem>>
        %dma_start3A_134 = arith.constant 0 : i32
        %dma_start3A_135 = arith.constant 0 : i32
        %dma_start3A_136 = tpu.memref_slice %arg2[%dma_start3A_134, %dma_start3A_135] : memref<16384x64xf32, #tpu.memory_space<hbm>> -> memref<16384x64xf32, #tpu.memory_space<hbm>>
        tpu.enqueue_indirect_dma source(%dma_start3A_136 : memref<16384x64xf32, #tpu.memory_space<hbm>>) target(%dma_start3A_130 : memref<128x64xf32, #tpu.memory_space<vmem>>) offsets(%dma_start3A_133 : memref<128xi32, #tpu.memory_space<vmem>>) semaphore(%arg9 : memref<!tpu.dma_semaphore, #tpu.memory_space<semaphore_mem>>)
        %dma_start3A_137 = arith.constant 2 : i32
        %dma_start3A_138 = arith.constant 256 : i32
        %dma_start3A_139 = arith.constant 0 : i32
        %dma_start3A_140 = tpu.memref_slice %arg7[%dma_start3A_138, %dma_start3A_139] : memref<512x64xf32, #tpu.memory_space<vmem>> -> memref<128x64xf32, #tpu.memory_space<vmem>>
        %dma_start3A_141 = arith.constant 0 : i32
        %dma_start3A_142 = tpu.memref_slice %arg5[%dma_start3A_137, %dma_start3A_141] : memref<4x128xi32, #tpu.memory_space<vmem>> -> memref<1x128xi32, #tpu.memory_space<vmem>>
        %dma_start3A_143 = tpu.memref_squeeze %dma_start3A_142 : memref<1x128xi32, #tpu.memory_space<vmem>> -> memref<128xi32, #tpu.memory_space<vmem>>
        %dma_start3A_144 = arith.constant 0 : i32
        %dma_start3A_145 = arith.constant 0 : i32
        %dma_start3A_146 = tpu.memref_slice %arg2[%dma_start3A_144, %dma_start3A_145] : memref<16384x64xf32, #tpu.memory_space<hbm>> -> memref<16384x64xf32, #tpu.memory_space<hbm>>
        tpu.enqueue_indirect_dma source(%dma_start3A_146 : memref<16384x64xf32, #tpu.memory_space<hbm>>) target(%dma_start3A_140 : memref<128x64xf32, #tpu.memory_space<vmem>>) offsets(%dma_start3A_143 : memref<128xi32, #tpu.memory_space<vmem>>) semaphore(%arg9 : memref<!tpu.dma_semaphore, #tpu.memory_space<semaphore_mem>>)
        %dma_start3A_147 = arith.constant 3 : i32
        %dma_start3A_148 = arith.constant 384 : i32
        %dma_start3A_149 = arith.constant 0 : i32
        %dma_start3A_150 = tpu.memref_slice %arg7[%dma_start3A_148, %dma_start3A_149] : memref<512x64xf32, #tpu.memory_space<vmem>> -> memref<128x64xf32, #tpu.memory_space<vmem>>
        %dma_start3A_151 = arith.constant 0 : i32
        %dma_start3A_152 = tpu.memref_slice %arg5[%dma_start3A_147, %dma_start3A_151] : memref<4x128xi32, #tpu.memory_space<vmem>> -> memref<1x128xi32, #tpu.memory_space<vmem>>
        %dma_start3A_153 = tpu.memref_squeeze %dma_start3A_152 : memref<1x128xi32, #tpu.memory_space<vmem>> -> memref<128xi32, #tpu.memory_space<vmem>>
        %dma_start3A_154 = arith.constant 0 : i32
        %dma_start3A_155 = arith.constant 0 : i32
        %dma_start3A_156 = tpu.memref_slice %arg2[%dma_start3A_154, %dma_start3A_155] : memref<16384x64xf32, #tpu.memory_space<hbm>> -> memref<16384x64xf32, #tpu.memory_space<hbm>>
        tpu.enqueue_indirect_dma source(%dma_start3A_156 : memref<16384x64xf32, #tpu.memory_space<hbm>>) target(%dma_start3A_150 : memref<128x64xf32, #tpu.memory_space<vmem>>) offsets(%dma_start3A_153 : memref<128xi32, #tpu.memory_space<vmem>>) semaphore(%arg9 : memref<!tpu.dma_semaphore, #tpu.memory_space<semaphore_mem>>)
      } else {
      }
      %add3A_104 = arith.constant 1 : i32
      %add3A_105 = arith.addi %add3A_50, %add3A_104 : i32
      %dma_wait3A_106 = arith.constant 0 : i32
      %dma_wait3A_107 = arith.constant 0 : i32
      %dma_wait3A_108 = tpu.memref_slice %arg4[%dma_wait3A_106, %dma_wait3A_107] : memref<327680x64xf32, #tpu.memory_space<hbm>> -> memref<512x64xf32, #tpu.memory_space<hbm>>
      %dma_wait3A_109 = arith.constant 0 : i32
      %dma_wait3A_110 = arith.constant 0 : i32
      %dma_wait3A_111 = tpu.memref_slice %arg4[%dma_wait3A_109, %dma_wait3A_110] : memref<327680x64xf32, #tpu.memory_space<hbm>> -> memref<512x64xf32, #tpu.memory_space<hbm>>
      tpu.wait_dma2 semaphore(%arg10 : memref<!tpu.dma_semaphore, #tpu.memory_space<semaphore_mem>>) src(%dma_wait3A_111 : memref<512x64xf32, #tpu.memory_space<hbm>>) dst(%arg8 : memref<512x64xf32, #tpu.memory_space<vmem>>)
      %mul3A_112 = arith.constant 512 : i32
      %mul3A_113 = arith.muli %add3A_105, %mul3A_112 : i32
      %multiple_of3A_114 = tpu.assume_multiple %mul3A_113, 512 : i32
      "tpu.region"() ({
        %run_scoped3A = tpu.sem_alloc : memref<!tpu.dma_semaphore, #tpu.memory_space<semaphore_mem>>
        %dma_start3A_115 = arith.constant 0 : i32
        %dma_start3A_116 = tpu.memref_slice %arg4[%multiple_of3A_114, %dma_start3A_115] : memref<327680x64xf32, #tpu.memory_space<hbm>> -> memref<512x64xf32, #tpu.memory_space<hbm>>
        %dma_start3A_117 = arith.constant 0 : i32
        %dma_start3A_118 = tpu.memref_slice %arg4[%multiple_of3A_114, %dma_start3A_117] : memref<327680x64xf32, #tpu.memory_space<hbm>> -> memref<512x64xf32, #tpu.memory_space<hbm>>
        tpu.enqueue_dma source(%arg8 : memref<512x64xf32, #tpu.memory_space<vmem>>) target(%dma_start3A_118 : memref<512x64xf32, #tpu.memory_space<hbm>>) target_semaphore(%run_scoped3A : memref<!tpu.dma_semaphore, #tpu.memory_space<semaphore_mem>>)
        %dma_wait3A_119 = arith.constant 0 : i32
        %dma_wait3A_120 = tpu.memref_slice %arg4[%multiple_of3A_114, %dma_wait3A_119] : memref<327680x64xf32, #tpu.memory_space<hbm>> -> memref<512x64xf32, #tpu.memory_space<hbm>>
        %dma_wait3A_121 = arith.constant 0 : i32
        %dma_wait3A_122 = tpu.memref_slice %arg4[%multiple_of3A_114, %dma_wait3A_121] : memref<327680x64xf32, #tpu.memory_space<hbm>> -> memref<512x64xf32, #tpu.memory_space<hbm>>
        tpu.wait_dma2 semaphore(%run_scoped3A : memref<!tpu.dma_semaphore, #tpu.memory_space<semaphore_mem>>) src(%arg8 : memref<512x64xf32, #tpu.memory_space<vmem>>) dst(%dma_wait3A_122 : memref<512x64xf32, #tpu.memory_space<hbm>>)
        tpu.yield
      }) : () -> ()
    }
    %scan3A_46 = arith.constant 10 : i32
    return
  }
}

#map = affine_map<(d0, d1) -> (0, 0)>
#map1 = affine_map<(d0, d1) -> (0, 0, 0)>
module attributes {stable_mosaic.version = 14 : i64} {
  func.func @gather(%arg0: i32, %arg1: i32, %arg2: memref<16384x64xf32, #tpu.memory_space<hbm>>, %arg3: memref<640x4x128xi32, #tpu.memory_space<hbm>>, %arg4: memref<327680x64xf32, #tpu.memory_space<hbm>>, %arg5: memref<4x128xi32, #tpu.memory_space<vmem>>, %arg6: memref<4x128xi32, #tpu.memory_space<vmem>>, %arg7: memref<512x64xf32, #tpu.memory_space<vmem>>, %arg8: memref<512x64xf32, #tpu.memory_space<vmem>>, %arg9: memref<!tpu.dma_semaphore, #tpu.memory_space<semaphore_mem>>, %arg10: memref<!tpu.dma_semaphore, #tpu.memory_space<semaphore_mem>>) attributes {dimension_semantics = [#tpu.dimension_semantics<core_parallel>, #tpu.dimension_semantics<subcore_parallel>], iteration_bounds = array<i64: 2, 16>, scalar_prefetch = 0 : i64, scratch_operands = 6 : i64, tpu.core_type = #tpu.core_type<sc_vector_subcore>, window_params = [{transform_indices = #map}, {transform_indices = #map1}, {transform_indices = #map}]} {
    %mul3A = arith.constant 2 : i32
    %mul3A_0 = arith.muli %arg1, %mul3A : i32
    %add3A = arith.addi %mul3A_0, %arg0 : i32
    %mul3A_1 = arith.constant 20 : i32
    %mul3A_2 = arith.muli %add3A, %mul3A_1 : i32
    "tpu.region"() ({
      %run_scoped3A = tpu.sem_alloc : memref<!tpu.dma_semaphore, #tpu.memory_space<semaphore_mem>>
      %dma_start3A_47 = arith.constant 0 : i32
      %dma_start3A_48 = arith.constant 0 : i32
      %dma_start3A_49 = tpu.memref_slice %arg3[%mul3A_2, %dma_start3A_47, %dma_start3A_48] : memref<640x4x128xi32, #tpu.memory_space<hbm>> -> memref<1x4x128xi32, #tpu.memory_space<hbm>>
      %dma_start3A_50 = tpu.memref_squeeze %dma_start3A_49 : memref<1x4x128xi32, #tpu.memory_space<hbm>> -> memref<4x128xi32, #tpu.memory_space<hbm>>
      %dma_start3A_51 = arith.constant 0 : i32
      %dma_start3A_52 = arith.constant 0 : i32
      %dma_start3A_53 = tpu.memref_slice %arg3[%mul3A_2, %dma_start3A_51, %dma_start3A_52] : memref<640x4x128xi32, #tpu.memory_space<hbm>> -> memref<1x4x128xi32, #tpu.memory_space<hbm>>
      %dma_start3A_54 = tpu.memref_squeeze %dma_start3A_53 : memref<1x4x128xi32, #tpu.memory_space<hbm>> -> memref<4x128xi32, #tpu.memory_space<hbm>>
      tpu.enqueue_dma source(%dma_start3A_54 : memref<4x128xi32, #tpu.memory_space<hbm>>) target(%arg5 : memref<4x128xi32, #tpu.memory_space<vmem>>) target_semaphore(%run_scoped3A : memref<!tpu.dma_semaphore, #tpu.memory_space<semaphore_mem>>)
      %dma_wait3A = arith.constant 0 : i32
      %dma_wait3A_55 = arith.constant 0 : i32
      %dma_wait3A_56 = tpu.memref_slice %arg3[%mul3A_2, %dma_wait3A, %dma_wait3A_55] : memref<640x4x128xi32, #tpu.memory_space<hbm>> -> memref<1x4x128xi32, #tpu.memory_space<hbm>>
      %dma_wait3A_57 = tpu.memref_squeeze %dma_wait3A_56 : memref<1x4x128xi32, #tpu.memory_space<hbm>> -> memref<4x128xi32, #tpu.memory_space<hbm>>
      %dma_wait3A_58 = arith.constant 0 : i32
      %dma_wait3A_59 = arith.constant 0 : i32
      %dma_wait3A_60 = tpu.memref_slice %arg3[%mul3A_2, %dma_wait3A_58, %dma_wait3A_59] : memref<640x4x128xi32, #tpu.memory_space<hbm>> -> memref<1x4x128xi32, #tpu.memory_space<hbm>>
      %dma_wait3A_61 = tpu.memref_squeeze %dma_wait3A_60 : memref<1x4x128xi32, #tpu.memory_space<hbm>> -> memref<4x128xi32, #tpu.memory_space<hbm>>
      tpu.wait_dma2 semaphore(%run_scoped3A : memref<!tpu.dma_semaphore, #tpu.memory_space<semaphore_mem>>) src(%dma_wait3A_61 : memref<4x128xi32, #tpu.memory_space<hbm>>) dst(%arg5 : memref<4x128xi32, #tpu.memory_space<vmem>>)
      tpu.yield
    }) : () -> ()
    %dma_start3A = arith.constant 0 : i32
    %dma_start3A_3 = arith.constant 0 : i32
    %dma_start3A_4 = arith.constant 0 : i32
    %dma_start3A_5 = tpu.memref_slice %arg7[%dma_start3A_3, %dma_start3A_4] : memref<512x64xf32, #tpu.memory_space<vmem>> -> memref<128x64xf32, #tpu.memory_space<vmem>>
    %dma_start3A_6 = arith.constant 0 : i32
    %dma_start3A_7 = tpu.memref_slice %arg5[%dma_start3A, %dma_start3A_6] : memref<4x128xi32, #tpu.memory_space<vmem>> -> memref<1x128xi32, #tpu.memory_space<vmem>>
    %dma_start3A_8 = tpu.memref_squeeze %dma_start3A_7 : memref<1x128xi32, #tpu.memory_space<vmem>> -> memref<128xi32, #tpu.memory_space<vmem>>
    %dma_start3A_9 = arith.constant 0 : i32
    %dma_start3A_10 = arith.constant 0 : i32
    %dma_start3A_11 = tpu.memref_slice %arg2[%dma_start3A_9, %dma_start3A_10] : memref<16384x64xf32, #tpu.memory_space<hbm>> -> memref<16384x64xf32, #tpu.memory_space<hbm>>
    tpu.enqueue_indirect_dma source(%dma_start3A_11 : memref<16384x64xf32, #tpu.memory_space<hbm>>) target(%dma_start3A_5 : memref<128x64xf32, #tpu.memory_space<vmem>>) offsets(%dma_start3A_8 : memref<128xi32, #tpu.memory_space<vmem>>) semaphore(%arg9 : memref<!tpu.dma_semaphore, #tpu.memory_space<semaphore_mem>>)
    %dma_start3A_12 = arith.constant 1 : i32
    %dma_start3A_13 = arith.constant 128 : i32
    %dma_start3A_14 = arith.constant 0 : i32
    %dma_start3A_15 = tpu.memref_slice %arg7[%dma_start3A_13, %dma_start3A_14] : memref<512x64xf32, #tpu.memory_space<vmem>> -> memref<128x64xf32, #tpu.memory_space<vmem>>
    %dma_start3A_16 = arith.constant 0 : i32
    %dma_start3A_17 = tpu.memref_slice %arg5[%dma_start3A_12, %dma_start3A_16] : memref<4x128xi32, #tpu.memory_space<vmem>> -> memref<1x128xi32, #tpu.memory_space<vmem>>
    %dma_start3A_18 = tpu.memref_squeeze %dma_start3A_17 : memref<1x128xi32, #tpu.memory_space<vmem>> -> memref<128xi32, #tpu.memory_space<vmem>>
    %dma_start3A_19 = arith.constant 0 : i32
    %dma_start3A_20 = arith.constant 0 : i32
    %dma_start3A_21 = tpu.memref_slice %arg2[%dma_start3A_19, %dma_start3A_20] : memref<16384x64xf32, #tpu.memory_space<hbm>> -> memref<16384x64xf32, #tpu.memory_space<hbm>>
    tpu.enqueue_indirect_dma source(%dma_start3A_21 : memref<16384x64xf32, #tpu.memory_space<hbm>>) target(%dma_start3A_15 : memref<128x64xf32, #tpu.memory_space<vmem>>) offsets(%dma_start3A_18 : memref<128xi32, #tpu.memory_space<vmem>>) semaphore(%arg9 : memref<!tpu.dma_semaphore, #tpu.memory_space<semaphore_mem>>)
    %dma_start3A_22 = arith.constant 2 : i32
    %dma_start3A_23 = arith.constant 256 : i32
    %dma_start3A_24 = arith.constant 0 : i32
    %dma_start3A_25 = tpu.memref_slice %arg7[%dma_start3A_23, %dma_start3A_24] : memref<512x64xf32, #tpu.memory_space<vmem>> -> memref<128x64xf32, #tpu.memory_space<vmem>>
    %dma_start3A_26 = arith.constant 0 : i32
    %dma_start3A_27 = tpu.memref_slice %arg5[%dma_start3A_22, %dma_start3A_26] : memref<4x128xi32, #tpu.memory_space<vmem>> -> memref<1x128xi32, #tpu.memory_space<vmem>>
    %dma_start3A_28 = tpu.memref_squeeze %dma_start3A_27 : memref<1x128xi32, #tpu.memory_space<vmem>> -> memref<128xi32, #tpu.memory_space<vmem>>
    %dma_start3A_29 = arith.constant 0 : i32
    %dma_start3A_30 = arith.constant 0 : i32
    %dma_start3A_31 = tpu.memref_slice %arg2[%dma_start3A_29, %dma_start3A_30] : memref<16384x64xf32, #tpu.memory_space<hbm>> -> memref<16384x64xf32, #tpu.memory_space<hbm>>
    tpu.enqueue_indirect_dma source(%dma_start3A_31 : memref<16384x64xf32, #tpu.memory_space<hbm>>) target(%dma_start3A_25 : memref<128x64xf32, #tpu.memory_space<vmem>>) offsets(%dma_start3A_28 : memref<128xi32, #tpu.memory_space<vmem>>) semaphore(%arg9 : memref<!tpu.dma_semaphore, #tpu.memory_space<semaphore_mem>>)
    %dma_start3A_32 = arith.constant 3 : i32
    %dma_start3A_33 = arith.constant 384 : i32
    %dma_start3A_34 = arith.constant 0 : i32
    %dma_start3A_35 = tpu.memref_slice %arg7[%dma_start3A_33, %dma_start3A_34] : memref<512x64xf32, #tpu.memory_space<vmem>> -> memref<128x64xf32, #tpu.memory_space<vmem>>
    %dma_start3A_36 = arith.constant 0 : i32
    %dma_start3A_37 = tpu.memref_slice %arg5[%dma_start3A_32, %dma_start3A_36] : memref<4x128xi32, #tpu.memory_space<vmem>> -> memref<1x128xi32, #tpu.memory_space<vmem>>
    %dma_start3A_38 = tpu.memref_squeeze %dma_start3A_37 : memref<1x128xi32, #tpu.memory_space<vmem>> -> memref<128xi32, #tpu.memory_space<vmem>>
    %dma_start3A_39 = arith.constant 0 : i32
    %dma_start3A_40 = arith.constant 0 : i32
    %dma_start3A_41 = tpu.memref_slice %arg2[%dma_start3A_39, %dma_start3A_40] : memref<16384x64xf32, #tpu.memory_space<hbm>> -> memref<16384x64xf32, #tpu.memory_space<hbm>>
    tpu.enqueue_indirect_dma source(%dma_start3A_41 : memref<16384x64xf32, #tpu.memory_space<hbm>>) target(%dma_start3A_35 : memref<128x64xf32, #tpu.memory_space<vmem>>) offsets(%dma_start3A_38 : memref<128xi32, #tpu.memory_space<vmem>>) semaphore(%arg9 : memref<!tpu.dma_semaphore, #tpu.memory_space<semaphore_mem>>)
    %scan3A = arith.constant 0 : i32
    %scan3A_42 = arith.constant 0 : i32
    %scan3A_43 = arith.constant 10 : i32
    %scan3A_44 = arith.addi %scan3A_42, %scan3A_43 : i32
    %scan3A_45 = arith.constant 1 : i32
    scf.for %scan3A_47 = %scan3A_42 to %scan3A_44 step %scan3A_45  : i32 {
      %mul3A_48 = arith.constant 2 : i32
      %mul3A_49 = arith.muli %mul3A_48, %scan3A_47 : i32
      %add3A_50 = arith.addi %mul3A_2, %mul3A_49 : i32
      %add3A_51 = arith.constant 1 : i32
      %add3A_52 = arith.addi %add3A_50, %add3A_51 : i32
      "tpu.region"() ({
        %run_scoped3A = tpu.sem_alloc : memref<!tpu.dma_semaphore, #tpu.memory_space<semaphore_mem>>
        %dma_start3A_115 = arith.constant 0 : i32
        %dma_start3A_116 = arith.constant 0 : i32
        %dma_start3A_117 = tpu.memref_slice %arg3[%add3A_52, %dma_start3A_115, %dma_start3A_116] : memref<640x4x128xi32, #tpu.memory_space<hbm>> -> memref<1x4x128xi32, #tpu.memory_space<hbm>>
        %dma_start3A_118 = tpu.memref_squeeze %dma_start3A_117 : memref<1x4x128xi32, #tpu.memory_space<hbm>> -> memref<4x128xi32, #tpu.memory_space<hbm>>
        %dma_start3A_119 = arith.constant 0 : i32
        %dma_start3A_120 = arith.constant 0 : i32
        %dma_start3A_121 = tpu.memref_slice %arg3[%add3A_52, %dma_start3A_119, %dma_start3A_120] : memref<640x4x128xi32, #tpu.memory_space<hbm>> -> memref<1x4x128xi32, #tpu.memory_space<hbm>>
        %dma_start3A_122 = tpu.memref_squeeze %dma_start3A_121 : memref<1x4x128xi32, #tpu.memory_space<hbm>> -> memref<4x128xi32, #tpu.memory_space<hbm>>
        tpu.enqueue_dma source(%dma_start3A_122 : memref<4x128xi32, #tpu.memory_space<hbm>>) target(%arg6 : memref<4x128xi32, #tpu.memory_space<vmem>>) target_semaphore(%run_scoped3A : memref<!tpu.dma_semaphore, #tpu.memory_space<semaphore_mem>>)
        %dma_wait3A_123 = arith.constant 0 : i32
        %dma_wait3A_124 = arith.constant 0 : i32
        %dma_wait3A_125 = tpu.memref_slice %arg3[%add3A_52, %dma_wait3A_123, %dma_wait3A_124] : memref<640x4x128xi32, #tpu.memory_space<hbm>> -> memref<1x4x128xi32, #tpu.memory_space<hbm>>
        %dma_wait3A_126 = tpu.memref_squeeze %dma_wait3A_125 : memref<1x4x128xi32, #tpu.memory_space<hbm>> -> memref<4x128xi32, #tpu.memory_space<hbm>>
        %dma_wait3A_127 = arith.constant 0 : i32
        %dma_wait3A_128 = arith.constant 0 : i32
        %dma_wait3A_129 = tpu.memref_slice %arg3[%add3A_52, %dma_wait3A_127, %dma_wait3A_128] : memref<640x4x128xi32, #tpu.memory_space<hbm>> -> memref<1x4x128xi32, #tpu.memory_space<hbm>>
        %dma_wait3A_130 = tpu.memref_squeeze %dma_wait3A_129 : memref<1x4x128xi32, #tpu.memory_space<hbm>> -> memref<4x128xi32, #tpu.memory_space<hbm>>
        tpu.wait_dma2 semaphore(%run_scoped3A : memref<!tpu.dma_semaphore, #tpu.memory_space<semaphore_mem>>) src(%dma_wait3A_130 : memref<4x128xi32, #tpu.memory_space<hbm>>) dst(%arg6 : memref<4x128xi32, #tpu.memory_space<vmem>>)
        tpu.yield
      }) : () -> ()
      %dma_start3A_53 = arith.constant 0 : i32
      %dma_start3A_54 = arith.constant 0 : i32
      %dma_start3A_55 = arith.constant 0 : i32
      %dma_start3A_56 = tpu.memref_slice %arg8[%dma_start3A_54, %dma_start3A_55] : memref<512x64xf32, #tpu.memory_space<vmem>> -> memref<128x64xf32, #tpu.memory_space<vmem>>
      %dma_start3A_57 = arith.constant 0 : i32
      %dma_start3A_58 = tpu.memref_slice %arg6[%dma_start3A_53, %dma_start3A_57] : memref<4x128xi32, #tpu.memory_space<vmem>> -> memref<1x128xi32, #tpu.memory_space<vmem>>
      %dma_start3A_59 = tpu.memref_squeeze %dma_start3A_58 : memref<1x128xi32, #tpu.memory_space<vmem>> -> memref<128xi32, #tpu.memory_space<vmem>>
      %dma_start3A_60 = arith.constant 0 : i32
      %dma_start3A_61 = arith.constant 0 : i32
      %dma_start3A_62 = tpu.memref_slice %arg2[%dma_start3A_60, %dma_start3A_61] : memref<16384x64xf32, #tpu.memory_space<hbm>> -> memref<16384x64xf32, #tpu.memory_space<hbm>>
      tpu.enqueue_indirect_dma source(%dma_start3A_62 : memref<16384x64xf32, #tpu.memory_space<hbm>>) target(%dma_start3A_56 : memref<128x64xf32, #tpu.memory_space<vmem>>) offsets(%dma_start3A_59 : memref<128xi32, #tpu.memory_space<vmem>>) semaphore(%arg10 : memref<!tpu.dma_semaphore, #tpu.memory_space<semaphore_mem>>)
      %dma_start3A_63 = arith.constant 1 : i32
      %dma_start3A_64 = arith.constant 128 : i32
      %dma_start3A_65 = arith.constant 0 : i32
      %dma_start3A_66 = tpu.memref_slice %arg8[%dma_start3A_64, %dma_start3A_65] : memref<512x64xf32, #tpu.memory_space<vmem>> -> memref<128x64xf32, #tpu.memory_space<vmem>>
      %dma_start3A_67 = arith.constant 0 : i32
      %dma_start3A_68 = tpu.memref_slice %arg6[%dma_start3A_63, %dma_start3A_67] : memref<4x128xi32, #tpu.memory_space<vmem>> -> memref<1x128xi32, #tpu.memory_space<vmem>>
      %dma_start3A_69 = tpu.memref_squeeze %dma_start3A_68 : memref<1x128xi32, #tpu.memory_space<vmem>> -> memref<128xi32, #tpu.memory_space<vmem>>
      %dma_start3A_70 = arith.constant 0 : i32
      %dma_start3A_71 = arith.constant 0 : i32
      %dma_start3A_72 = tpu.memref_slice %arg2[%dma_start3A_70, %dma_start3A_71] : memref<16384x64xf32, #tpu.memory_space<hbm>> -> memref<16384x64xf32, #tpu.memory_space<hbm>>
      tpu.enqueue_indirect_dma source(%dma_start3A_72 : memref<16384x64xf32, #tpu.memory_space<hbm>>) target(%dma_start3A_66 : memref<128x64xf32, #tpu.memory_space<vmem>>) offsets(%dma_start3A_69 : memref<128xi32, #tpu.memory_space<vmem>>) semaphore(%arg10 : memref<!tpu.dma_semaphore, #tpu.memory_space<semaphore_mem>>)
      %dma_start3A_73 = arith.constant 2 : i32
      %dma_start3A_74 = arith.constant 256 : i32
      %dma_start3A_75 = arith.constant 0 : i32
      %dma_start3A_76 = tpu.memref_slice %arg8[%dma_start3A_74, %dma_start3A_75] : memref<512x64xf32, #tpu.memory_space<vmem>> -> memref<128x64xf32, #tpu.memory_space<vmem>>
      %dma_start3A_77 = arith.constant 0 : i32
      %dma_start3A_78 = tpu.memref_slice %arg6[%dma_start3A_73, %dma_start3A_77] : memref<4x128xi32, #tpu.memory_space<vmem>> -> memref<1x128xi32, #tpu.memory_space<vmem>>
      %dma_start3A_79 = tpu.memref_squeeze %dma_start3A_78 : memref<1x128xi32, #tpu.memory_space<vmem>> -> memref<128xi32, #tpu.memory_space<vmem>>
      %dma_start3A_80 = arith.constant 0 : i32
      %dma_start3A_81 = arith.constant 0 : i32
      %dma_start3A_82 = tpu.memref_slice %arg2[%dma_start3A_80, %dma_start3A_81] : memref<16384x64xf32, #tpu.memory_space<hbm>> -> memref<16384x64xf32, #tpu.memory_space<hbm>>
      tpu.enqueue_indirect_dma source(%dma_start3A_82 : memref<16384x64xf32, #tpu.memory_space<hbm>>) target(%dma_start3A_76 : memref<128x64xf32, #tpu.memory_space<vmem>>) offsets(%dma_start3A_79 : memref<128xi32, #tpu.memory_space<vmem>>) semaphore(%arg10 : memref<!tpu.dma_semaphore, #tpu.memory_space<semaphore_mem>>)
      %dma_start3A_83 = arith.constant 3 : i32
      %dma_start3A_84 = arith.constant 384 : i32
      %dma_start3A_85 = arith.constant 0 : i32
      %dma_start3A_86 = tpu.memref_slice %arg8[%dma_start3A_84, %dma_start3A_85] : memref<512x64xf32, #tpu.memory_space<vmem>> -> memref<128x64xf32, #tpu.memory_space<vmem>>
      %dma_start3A_87 = arith.constant 0 : i32
      %dma_start3A_88 = tpu.memref_slice %arg6[%dma_start3A_83, %dma_start3A_87] : memref<4x128xi32, #tpu.memory_space<vmem>> -> memref<1x128xi32, #tpu.memory_space<vmem>>
      %dma_start3A_89 = tpu.memref_squeeze %dma_start3A_88 : memref<1x128xi32, #tpu.memory_space<vmem>> -> memref<128xi32, #tpu.memory_space<vmem>>
      %dma_start3A_90 = arith.constant 0 : i32
      %dma_start3A_91 = arith.constant 0 : i32
      %dma_start3A_92 = tpu.memref_slice %arg2[%dma_start3A_90, %dma_start3A_91] : memref<16384x64xf32, #tpu.memory_space<hbm>> -> memref<16384x64xf32, #tpu.memory_space<hbm>>
      tpu.enqueue_indirect_dma source(%dma_start3A_92 : memref<16384x64xf32, #tpu.memory_space<hbm>>) target(%dma_start3A_86 : memref<128x64xf32, #tpu.memory_space<vmem>>) offsets(%dma_start3A_89 : memref<128xi32, #tpu.memory_space<vmem>>) semaphore(%arg10 : memref<!tpu.dma_semaphore, #tpu.memory_space<semaphore_mem>>)
      %dma_wait3A = arith.constant 0 : i32
      %dma_wait3A_93 = arith.constant 0 : i32
      %dma_wait3A_94 = tpu.memref_slice %arg4[%dma_wait3A, %dma_wait3A_93] : memref<327680x64xf32, #tpu.memory_space<hbm>> -> memref<512x64xf32, #tpu.memory_space<hbm>>
      %dma_wait3A_95 = arith.constant 0 : i32
      %dma_wait3A_96 = arith.constant 0 : i32
      %dma_wait3A_97 = tpu.memref_slice %arg4[%dma_wait3A_95, %dma_wait3A_96] : memref<327680x64xf32, #tpu.memory_space<hbm>> -> memref<512x64xf32, #tpu.memory_space<hbm>>
      tpu.wait_dma2 semaphore(%arg9 : memref<!tpu.dma_semaphore, #tpu.memory_space<semaphore_mem>>) src(%dma_wait3A_97 : memref<512x64xf32, #tpu.memory_space<hbm>>) dst(%arg7 : memref<512x64xf32, #tpu.memory_space<vmem>>)
      %mul3A_98 = arith.constant 512 : i32
      %mul3A_99 = arith.muli %add3A_50, %mul3A_98 : i32
      %multiple_of3A = tpu.assume_multiple %mul3A_99, 512 : i32
      "tpu.region"() ({
        %run_scoped3A = tpu.sem_alloc : memref<!tpu.dma_semaphore, #tpu.memory_space<semaphore_mem>>
        %dma_start3A_115 = arith.constant 0 : i32
        %dma_start3A_116 = tpu.memref_slice %arg4[%multiple_of3A, %dma_start3A_115] : memref<327680x64xf32, #tpu.memory_space<hbm>> -> memref<512x64xf32, #tpu.memory_space<hbm>>
        %dma_start3A_117 = arith.constant 0 : i32
        %dma_start3A_118 = tpu.memref_slice %arg4[%multiple_of3A, %dma_start3A_117] : memref<327680x64xf32, #tpu.memory_space<hbm>> -> memref<512x64xf32, #tpu.memory_space<hbm>>
        tpu.enqueue_dma source(%arg7 : memref<512x64xf32, #tpu.memory_space<vmem>>) target(%dma_start3A_118 : memref<512x64xf32, #tpu.memory_space<hbm>>) target_semaphore(%run_scoped3A : memref<!tpu.dma_semaphore, #tpu.memory_space<semaphore_mem>>)
        %dma_wait3A_119 = arith.constant 0 : i32
        %dma_wait3A_120 = tpu.memref_slice %arg4[%multiple_of3A, %dma_wait3A_119] : memref<327680x64xf32, #tpu.memory_space<hbm>> -> memref<512x64xf32, #tpu.memory_space<hbm>>
        %dma_wait3A_121 = arith.constant 0 : i32
        %dma_wait3A_122 = tpu.memref_slice %arg4[%multiple_of3A, %dma_wait3A_121] : memref<327680x64xf32, #tpu.memory_space<hbm>> -> memref<512x64xf32, #tpu.memory_space<hbm>>
        tpu.wait_dma2 semaphore(%run_scoped3A : memref<!tpu.dma_semaphore, #tpu.memory_space<semaphore_mem>>) src(%arg7 : memref<512x64xf32, #tpu.memory_space<vmem>>) dst(%dma_wait3A_122 : memref<512x64xf32, #tpu.memory_space<hbm>>)
        tpu.yield
      }) : () -> ()
      %add3A_100 = arith.constant 1 : i32
      %add3A_101 = arith.addi %scan3A_47, %add3A_100 : i32
      %lt3A = arith.constant 10 : i32
      %lt3A_102 = arith.cmpi slt, %add3A_101, %lt3A : i32
      %convert_element_type3A = arith.extui %lt3A_102 : i1 to i32
      %cond3A = arith.constant 0 : i32
      %cond3A_103 = arith.cmpi ne, %convert_element_type3A, %cond3A : i32
      scf.if %cond3A_103 {
        %add3A_115 = arith.constant 2 : i32
        %add3A_116 = arith.addi %add3A_50, %add3A_115 : i32
        "tpu.region"() ({
          %run_scoped3A = tpu.sem_alloc : memref<!tpu.dma_semaphore, #tpu.memory_space<semaphore_mem>>
          %dma_start3A_157 = arith.constant 0 : i32
          %dma_start3A_158 = arith.constant 0 : i32
          %dma_start3A_159 = tpu.memref_slice %arg3[%add3A_116, %dma_start3A_157, %dma_start3A_158] : memref<640x4x128xi32, #tpu.memory_space<hbm>> -> memref<1x4x128xi32, #tpu.memory_space<hbm>>
          %dma_start3A_160 = tpu.memref_squeeze %dma_start3A_159 : memref<1x4x128xi32, #tpu.memory_space<hbm>> -> memref<4x128xi32, #tpu.memory_space<hbm>>
          %dma_start3A_161 = arith.constant 0 : i32
          %dma_start3A_162 = arith.constant 0 : i32
          %dma_start3A_163 = tpu.memref_slice %arg3[%add3A_116, %dma_start3A_161, %dma_start3A_162] : memref<640x4x128xi32, #tpu.memory_space<hbm>> -> memref<1x4x128xi32, #tpu.memory_space<hbm>>
          %dma_start3A_164 = tpu.memref_squeeze %dma_start3A_163 : memref<1x4x128xi32, #tpu.memory_space<hbm>> -> memref<4x128xi32, #tpu.memory_space<hbm>>
          tpu.enqueue_dma source(%dma_start3A_164 : memref<4x128xi32, #tpu.memory_space<hbm>>) target(%arg5 : memref<4x128xi32, #tpu.memory_space<vmem>>) target_semaphore(%run_scoped3A : memref<!tpu.dma_semaphore, #tpu.memory_space<semaphore_mem>>)
          %dma_wait3A_165 = arith.constant 0 : i32
          %dma_wait3A_166 = arith.constant 0 : i32
          %dma_wait3A_167 = tpu.memref_slice %arg3[%add3A_116, %dma_wait3A_165, %dma_wait3A_166] : memref<640x4x128xi32, #tpu.memory_space<hbm>> -> memref<1x4x128xi32, #tpu.memory_space<hbm>>
          %dma_wait3A_168 = tpu.memref_squeeze %dma_wait3A_167 : memref<1x4x128xi32, #tpu.memory_space<hbm>> -> memref<4x128xi32, #tpu.memory_space<hbm>>
          %dma_wait3A_169 = arith.constant 0 : i32
          %dma_wait3A_170 = arith.constant 0 : i32
          %dma_wait3A_171 = tpu.memref_slice %arg3[%add3A_116, %dma_wait3A_169, %dma_wait3A_170] : memref<640x4x128xi32, #tpu.memory_space<hbm>> -> memref<1x4x128xi32, #tpu.memory_space<hbm>>
          %dma_wait3A_172 = tpu.memref_squeeze %dma_wait3A_171 : memref<1x4x128xi32, #tpu.memory_space<hbm>> -> memref<4x128xi32, #tpu.memory_space<hbm>>
          tpu.wait_dma2 semaphore(%run_scoped3A : memref<!tpu.dma_semaphore, #tpu.memory_space<semaphore_mem>>) src(%dma_wait3A_172 : memref<4x128xi32, #tpu.memory_space<hbm>>) dst(%arg5 : memref<4x128xi32, #tpu.memory_space<vmem>>)
          tpu.yield
        }) : () -> ()
        %dma_start3A_117 = arith.constant 0 : i32
        %dma_start3A_118 = arith.constant 0 : i32
        %dma_start3A_119 = arith.constant 0 : i32
        %dma_start3A_120 = tpu.memref_slice %arg7[%dma_start3A_118, %dma_start3A_119] : memref<512x64xf32, #tpu.memory_space<vmem>> -> memref<128x64xf32, #tpu.memory_space<vmem>>
        %dma_start3A_121 = arith.constant 0 : i32
        %dma_start3A_122 = tpu.memref_slice %arg5[%dma_start3A_117, %dma_start3A_121] : memref<4x128xi32, #tpu.memory_space<vmem>> -> memref<1x128xi32, #tpu.memory_space<vmem>>
        %dma_start3A_123 = tpu.memref_squeeze %dma_start3A_122 : memref<1x128xi32, #tpu.memory_space<vmem>> -> memref<128xi32, #tpu.memory_space<vmem>>
        %dma_start3A_124 = arith.constant 0 : i32
        %dma_start3A_125 = arith.constant 0 : i32
        %dma_start3A_126 = tpu.memref_slice %arg2[%dma_start3A_124, %dma_start3A_125] : memref<16384x64xf32, #tpu.memory_space<hbm>> -> memref<16384x64xf32, #tpu.memory_space<hbm>>
        tpu.enqueue_indirect_dma source(%dma_start3A_126 : memref<16384x64xf32, #tpu.memory_space<hbm>>) target(%dma_start3A_120 : memref<128x64xf32, #tpu.memory_space<vmem>>) offsets(%dma_start3A_123 : memref<128xi32, #tpu.memory_space<vmem>>) semaphore(%arg9 : memref<!tpu.dma_semaphore, #tpu.memory_space<semaphore_mem>>)
        %dma_start3A_127 = arith.constant 1 : i32
        %dma_start3A_128 = arith.constant 128 : i32
        %dma_start3A_129 = arith.constant 0 : i32
        %dma_start3A_130 = tpu.memref_slice %arg7[%dma_start3A_128, %dma_start3A_129] : memref<512x64xf32, #tpu.memory_space<vmem>> -> memref<128x64xf32, #tpu.memory_space<vmem>>
        %dma_start3A_131 = arith.constant 0 : i32
        %dma_start3A_132 = tpu.memref_slice %arg5[%dma_start3A_127, %dma_start3A_131] : memref<4x128xi32, #tpu.memory_space<vmem>> -> memref<1x128xi32, #tpu.memory_space<vmem>>
        %dma_start3A_133 = tpu.memref_squeeze %dma_start3A_132 : memref<1x128xi32, #tpu.memory_space<vmem>> -> memref<128xi32, #tpu.memory_space<vmem>>
        %dma_start3A_134 = arith.constant 0 : i32
        %dma_start3A_135 = arith.constant 0 : i32
        %dma_start3A_136 = tpu.memref_slice %arg2[%dma_start3A_134, %dma_start3A_135] : memref<16384x64xf32, #tpu.memory_space<hbm>> -> memref<16384x64xf32, #tpu.memory_space<hbm>>
        tpu.enqueue_indirect_dma source(%dma_start3A_136 : memref<16384x64xf32, #tpu.memory_space<hbm>>) target(%dma_start3A_130 : memref<128x64xf32, #tpu.memory_space<vmem>>) offsets(%dma_start3A_133 : memref<128xi32, #tpu.memory_space<vmem>>) semaphore(%arg9 : memref<!tpu.dma_semaphore, #tpu.memory_space<semaphore_mem>>)
        %dma_start3A_137 = arith.constant 2 : i32
        %dma_start3A_138 = arith.constant 256 : i32
        %dma_start3A_139 = arith.constant 0 : i32
        %dma_start3A_140 = tpu.memref_slice %arg7[%dma_start3A_138, %dma_start3A_139] : memref<512x64xf32, #tpu.memory_space<vmem>> -> memref<128x64xf32, #tpu.memory_space<vmem>>
        %dma_start3A_141 = arith.constant 0 : i32
        %dma_start3A_142 = tpu.memref_slice %arg5[%dma_start3A_137, %dma_start3A_141] : memref<4x128xi32, #tpu.memory_space<vmem>> -> memref<1x128xi32, #tpu.memory_space<vmem>>
        %dma_start3A_143 = tpu.memref_squeeze %dma_start3A_142 : memref<1x128xi32, #tpu.memory_space<vmem>> -> memref<128xi32, #tpu.memory_space<vmem>>
        %dma_start3A_144 = arith.constant 0 : i32
        %dma_start3A_145 = arith.constant 0 : i32
        %dma_start3A_146 = tpu.memref_slice %arg2[%dma_start3A_144, %dma_start3A_145] : memref<16384x64xf32, #tpu.memory_space<hbm>> -> memref<16384x64xf32, #tpu.memory_space<hbm>>
        tpu.enqueue_indirect_dma source(%dma_start3A_146 : memref<16384x64xf32, #tpu.memory_space<hbm>>) target(%dma_start3A_140 : memref<128x64xf32, #tpu.memory_space<vmem>>) offsets(%dma_start3A_143 : memref<128xi32, #tpu.memory_space<vmem>>) semaphore(%arg9 : memref<!tpu.dma_semaphore, #tpu.memory_space<semaphore_mem>>)
        %dma_start3A_147 = arith.constant 3 : i32
        %dma_start3A_148 = arith.constant 384 : i32
        %dma_start3A_149 = arith.constant 0 : i32
        %dma_start3A_150 = tpu.memref_slice %arg7[%dma_start3A_148, %dma_start3A_149] : memref<512x64xf32, #tpu.memory_space<vmem>> -> memref<128x64xf32, #tpu.memory_space<vmem>>
        %dma_start3A_151 = arith.constant 0 : i32
        %dma_start3A_152 = tpu.memref_slice %arg5[%dma_start3A_147, %dma_start3A_151] : memref<4x128xi32, #tpu.memory_space<vmem>> -> memref<1x128xi32, #tpu.memory_space<vmem>>
        %dma_start3A_153 = tpu.memref_squeeze %dma_start3A_152 : memref<1x128xi32, #tpu.memory_space<vmem>> -> memref<128xi32, #tpu.memory_space<vmem>>
        %dma_start3A_154 = arith.constant 0 : i32
        %dma_start3A_155 = arith.constant 0 : i32
        %dma_start3A_156 = tpu.memref_slice %arg2[%dma_start3A_154, %dma_start3A_155] : memref<16384x64xf32, #tpu.memory_space<hbm>> -> memref<16384x64xf32, #tpu.memory_space<hbm>>
        tpu.enqueue_indirect_dma source(%dma_start3A_156 : memref<16384x64xf32, #tpu.memory_space<hbm>>) target(%dma_start3A_150 : memref<128x64xf32, #tpu.memory_space<vmem>>) offsets(%dma_start3A_153 : memref<128xi32, #tpu.memory_space<vmem>>) semaphore(%arg9 : memref<!tpu.dma_semaphore, #tpu.memory_space<semaphore_mem>>)
      } else {
      }
      %add3A_104 = arith.constant 1 : i32
      %add3A_105 = arith.addi %add3A_50, %add3A_104 : i32
      %dma_wait3A_106 = arith.constant 0 : i32
      %dma_wait3A_107 = arith.constant 0 : i32
      %dma_wait3A_108 = tpu.memref_slice %arg4[%dma_wait3A_106, %dma_wait3A_107] : memref<327680x64xf32, #tpu.memory_space<hbm>> -> memref<512x64xf32, #tpu.memory_space<hbm>>
      %dma_wait3A_109 = arith.constant 0 : i32
      %dma_wait3A_110 = arith.constant 0 : i32
      %dma_wait3A_111 = tpu.memref_slice %arg4[%dma_wait3A_109, %dma_wait3A_110] : memref<327680x64xf32, #tpu.memory_space<hbm>> -> memref<512x64xf32, #tpu.memory_space<hbm>>
      tpu.wait_dma2 semaphore(%arg10 : memref<!tpu.dma_semaphore, #tpu.memory_space<semaphore_mem>>) src(%dma_wait3A_111 : memref<512x64xf32, #tpu.memory_space<hbm>>) dst(%arg8 : memref<512x64xf32, #tpu.memory_space<vmem>>)
      %mul3A_112 = arith.constant 512 : i32
      %mul3A_113 = arith.muli %add3A_105, %mul3A_112 : i32
      %multiple_of3A_114 = tpu.assume_multiple %mul3A_113, 512 : i32
      "tpu.region"() ({
        %run_scoped3A = tpu.sem_alloc : memref<!tpu.dma_semaphore, #tpu.memory_space<semaphore_mem>>
        %dma_start3A_115 = arith.constant 0 : i32
        %dma_start3A_116 = tpu.memref_slice %arg4[%multiple_of3A_114, %dma_start3A_115] : memref<327680x64xf32, #tpu.memory_space<hbm>> -> memref<512x64xf32, #tpu.memory_space<hbm>>
        %dma_start3A_117 = arith.constant 0 : i32
        %dma_start3A_118 = tpu.memref_slice %arg4[%multiple_of3A_114, %dma_start3A_117] : memref<327680x64xf32, #tpu.memory_space<hbm>> -> memref<512x64xf32, #tpu.memory_space<hbm>>
        tpu.enqueue_dma source(%arg8 : memref<512x64xf32, #tpu.memory_space<vmem>>) target(%dma_start3A_118 : memref<512x64xf32, #tpu.memory_space<hbm>>) target_semaphore(%run_scoped3A : memref<!tpu.dma_semaphore, #tpu.memory_space<semaphore_mem>>)
        %dma_wait3A_119 = arith.constant 0 : i32
        %dma_wait3A_120 = tpu.memref_slice %arg4[%multiple_of3A_114, %dma_wait3A_119] : memref<327680x64xf32, #tpu.memory_space<hbm>> -> memref<512x64xf32, #tpu.memory_space<hbm>>
        %dma_wait3A_121 = arith.constant 0 : i32
        %dma_wait3A_122 = tpu.memref_slice %arg4[%multiple_of3A_114, %dma_wait3A_121] : memref<327680x64xf32, #tpu.memory_space<hbm>> -> memref<512x64xf32, #tpu.memory_space<hbm>>
        tpu.wait_dma2 semaphore(%run_scoped3A : memref<!tpu.dma_semaphore, #tpu.memory_space<semaphore_mem>>) src(%arg8 : memref<512x64xf32, #tpu.memory_space<vmem>>) dst(%dma_wait3A_122 : memref<512x64xf32, #tpu.memory_space<hbm>>)
        tpu.yield
      }) : () -> ()
    }
    %scan3A_46 = arith.constant 10 : i32
    return
  }
}

module attributes {stable_mosaic.version = 14 : i64} {
  func.func @_ec_body(%arg0: i32, %arg1: i32, %arg2: i32, %arg3: memref<1x20x512x16xf32, #tpu.memory_space<vmem>>, %arg4: memref<1x512x16xf32, #tpu.memory_space<vmem>>, %arg5: memref<64x32xf32, #tpu.memory_space<vmem>>, %arg6: memref<1x64xf32, #tpu.memory_space<vmem>>, %arg7: memref<1x64xf32, #tpu.memory_space<vmem>>, %arg8: memref<64x64xf32, #tpu.memory_space<vmem>>, %arg9: memref<1x512x64xf32, #tpu.memory_space<vmem>>, %arg10: memref<1x512x64xf32, #tpu.memory_space<vmem>>, %arg11: memref<2x64xf32, #tpu.memory_space<vmem>>, %arg12: memref<2x64xf32, #tpu.memory_space<vmem>>) attributes {dimension_semantics = [#tpu.dimension_semantics<arbitrary>, #tpu.dimension_semantics<arbitrary>, #tpu.dimension_semantics<arbitrary>], iteration_bounds = array<i64: 2, 4, 8>, scalar_prefetch = 0 : i64, scratch_operands = 0 : i64, tpu.core_type = #tpu.core_type<tc>, window_params = [{transform_indices = @transform_0, window_bounds = array<i64: 1, 20, 512, 16>}, {transform_indices = @transform_1, window_bounds = array<i64: 1, 512, 16>}, {pipeline_mode = #tpu.pipeline_mode<synchronous>, transform_indices = @transform_2, window_bounds = array<i64: 64, 32>}, {pipeline_mode = #tpu.pipeline_mode<synchronous>, transform_indices = @transform_3, window_bounds = array<i64: 1, 64>}, {pipeline_mode = #tpu.pipeline_mode<synchronous>, transform_indices = @transform_4, window_bounds = array<i64: 1, 64>}, {pipeline_mode = #tpu.pipeline_mode<synchronous>, transform_indices = @transform_5, window_bounds = array<i64: 64, 64>}, {transform_indices = @transform_6, window_bounds = array<i64: 1, 512, 64>}, {transform_indices = @transform_7, window_bounds = array<i64: 1, 512, 64>}, {pipeline_mode = #tpu.pipeline_mode<synchronous>, transform_indices = @transform_8, window_bounds = array<i64: 2, 64>}, {pipeline_mode = #tpu.pipeline_mode<synchronous>, transform_indices = @transform_9, window_bounds = array<i64: 2, 64>}]} {
    %eq3A = arith.constant 0 : i32
    %eq3A_0 = arith.cmpi eq, %arg1, %eq3A : i32
    %eq3A_1 = arith.constant 0 : i32
    %eq3A_2 = arith.cmpi eq, %arg2, %eq3A_1 : i32
    %and3A = arith.andi %eq3A_0, %eq3A_2 : i1
    %get3A = arith.constant 0 : index
    %get3A_3 = arith.constant 0 : index
    %get3A_4 = arith.constant 0 : index
    %get3A_5 = vector.load %arg4[%get3A, %get3A_3, %get3A_4] : memref<1x512x16xf32, #tpu.memory_space<vmem>>, vector<1x512x16xf32>
    %get3A_6 = vector.shape_cast %get3A_5 : vector<1x512x16xf32> to vector<512x16xf32>
    %get3A_7 = arith.constant 0 : index
    %get3A_8 = arith.constant 0 : index
    %get3A_9 = vector.load %arg5[%get3A_7, %get3A_8] : memref<64x32xf32, #tpu.memory_space<vmem>>, vector<64x16xf32>
    %get3A_10 = arith.constant 0 : index
    %get3A_11 = arith.constant 16 : index
    %get3A_12 = vector.load %arg5[%get3A_10, %get3A_11] : memref<64x32xf32, #tpu.memory_space<vmem>>, vector<64x16xf32>
    %convert_element_type3A = arith.truncf %get3A_6 : vector<512x16xf32> to vector<512x16xbf16>
    %convert_element_type3A_13 = arith.truncf %get3A_9 : vector<64x16xf32> to vector<64x16xbf16>
    %dot_general3A = arith.constant dense<0.000000e+00> : vector<512x64xf32>
    %dot_general3A_14 = tpu.matmul %convert_element_type3A, %convert_element_type3A_13, %dot_general3A {dimension_numbers = #tpu.dot_dimension_numbers<[1], [1], [0], [0], [0, 0, 1, 0], [], []>, transpose_lhs_hint = false} : vector<512x16xbf16>, vector<64x16xbf16>, vector<512x64xf32> -> vector<512x64xf32>
    %get3A_15 = arith.constant 0 : index
    %get3A_16 = arith.constant 0 : index
    %get3A_17 = arith.constant 0 : index
    %get3A_18 = arith.constant 0 : index
    %get3A_19 = vector.load %arg3[%get3A_15, %get3A_16, %get3A_17, %get3A_18] : memref<1x20x512x16xf32, #tpu.memory_space<vmem>>, vector<1x20x512x16xf32>
    %get3A_20 = vector.shape_cast %get3A_19 : vector<1x20x512x16xf32> to vector<20x512x16xf32>
    %reshape3A = vector.shape_cast %get3A_20 : vector<20x512x16xf32> to vector<10240x16xf32>
    %broadcast_in_dim3A = vector.shape_cast %get3A_6 : vector<512x16xf32> to vector<1x512x16xf32>
    %broadcast_in_dim3A_21 = vector.shape_cast %broadcast_in_dim3A : vector<1x512x16xf32> to vector<1x512x16xf32>
    %broadcast_in_dim3A_22 = vector.broadcast %broadcast_in_dim3A_21 : vector<1x512x16xf32> to vector<20x512x16xf32>
    %reshape3A_23 = vector.shape_cast %broadcast_in_dim3A_22 : vector<20x512x16xf32> to vector<10240x16xf32>
    %broadcast_in_dim3A_24 = vector.shape_cast %dot_general3A_14 : vector<512x64xf32> to vector<1x512x64xf32>
    %broadcast_in_dim3A_25 = vector.shape_cast %broadcast_in_dim3A_24 : vector<1x512x64xf32> to vector<1x512x64xf32>
    %broadcast_in_dim3A_26 = vector.broadcast %broadcast_in_dim3A_25 : vector<1x512x64xf32> to vector<20x512x64xf32>
    %reshape3A_27 = vector.shape_cast %broadcast_in_dim3A_26 : vector<20x512x64xf32> to vector<10240x64xf32>
    %sub3A = arith.subf %reshape3A, %reshape3A_23 : vector<10240x16xf32>
    %convert_element_type3A_28 = arith.truncf %sub3A : vector<10240x16xf32> to vector<10240x16xbf16>
    %convert_element_type3A_29 = arith.truncf %get3A_12 : vector<64x16xf32> to vector<64x16xbf16>
    %dot_general3A_30 = arith.constant dense<0.000000e+00> : vector<10240x64xf32>
    %dot_general3A_31 = tpu.matmul %convert_element_type3A_28, %convert_element_type3A_29, %dot_general3A_30 {dimension_numbers = #tpu.dot_dimension_numbers<[1], [1], [0], [0], [0, 0, 1, 0], [], []>, transpose_lhs_hint = false} : vector<10240x16xbf16>, vector<64x16xbf16>, vector<10240x64xf32> -> vector<10240x64xf32>
    %add3A = arith.addf %reshape3A_27, %dot_general3A_31 : vector<10240x64xf32>
    %eq3A_32 = arith.constant 0 : i32
    %eq3A_33 = arith.cmpi eq, %arg0, %eq3A_32 : i32
    %convert_element_type3A_34 = arith.extui %eq3A_33 : i1 to i32
    %cond3A = arith.constant 0 : i32
    %cond3A_35 = arith.cmpi ne, %convert_element_type3A_34, %cond3A : i32
    scf.if %cond3A_35 {
      %convert_element_type3A_41 = arith.extui %and3A : i1 to i32
      %cond3A_42 = arith.constant 0 : i32
      %cond3A_43 = arith.cmpi ne, %convert_element_type3A_41, %cond3A_42 : i32
      scf.if %cond3A_43 {
        %broadcast_in_dim3A_62 = arith.constant 0.000000e+00 : f32
        %broadcast_in_dim3A_63 = vector.broadcast %broadcast_in_dim3A_62 : f32 to vector<2x64xf32>
        %swap3A_64 = arith.constant 0 : index
        %swap3A_65 = arith.constant 0 : index
        %swap3A_66 = vector.load %arg11[%swap3A_64, %swap3A_65] : memref<2x64xf32, #tpu.memory_space<vmem>>, vector<2x64xf32>
        tpu.vector_store %arg11[%swap3A_64, %swap3A_65], %broadcast_in_dim3A_63 {strides = array<i32>} : memref<2x64xf32, #tpu.memory_space<vmem>>, vector<2x64xf32>,
      } else {
      }
      %get3A_44 = arith.constant 0 : index
      %get3A_45 = arith.constant 0 : index
      %get3A_46 = vector.load %arg11[%get3A_44, %get3A_45] : memref<2x64xf32, #tpu.memory_space<vmem>>, vector<1x64xf32>
      %reduce_sum3A = arith.constant dense<0.000000e+00> : vector<64xf32>
      %reduce_sum3A_47 = vector.multi_reduction <add>, %add3A, %reduce_sum3A [0] : vector<10240x64xf32> to vector<64xf32>
      %broadcast_in_dim3A_48 = vector.shape_cast %reduce_sum3A_47 : vector<64xf32> to vector<1x64xf32>
      %add3A_49 = arith.addf %get3A_46, %broadcast_in_dim3A_48 : vector<1x64xf32>
      %swap3A = arith.constant 0 : index
      %swap3A_50 = arith.constant 0 : index
      %swap3A_51 = vector.load %arg11[%swap3A, %swap3A_50] : memref<2x64xf32, #tpu.memory_space<vmem>>, vector<1x64xf32>
      tpu.vector_store %arg11[%swap3A, %swap3A_50], %add3A_49 {strides = array<i32>} : memref<2x64xf32, #tpu.memory_space<vmem>>, vector<1x64xf32>,
      %get3A_52 = arith.constant 1 : index
      %get3A_53 = arith.constant 0 : index
      %get3A_54 = vector.load %arg11[%get3A_52, %get3A_53] : memref<2x64xf32, #tpu.memory_space<vmem>>, vector<1x64xf32>
      %mul3A = arith.mulf %add3A, %add3A : vector<10240x64xf32>
      %reduce_sum3A_55 = arith.constant dense<0.000000e+00> : vector<64xf32>
      %reduce_sum3A_56 = vector.multi_reduction <add>, %mul3A, %reduce_sum3A_55 [0] : vector<10240x64xf32> to vector<64xf32>
      %broadcast_in_dim3A_57 = vector.shape_cast %reduce_sum3A_56 : vector<64xf32> to vector<1x64xf32>
      %add3A_58 = arith.addf %get3A_54, %broadcast_in_dim3A_57 : vector<1x64xf32>
      %swap3A_59 = arith.constant 1 : index
      %swap3A_60 = arith.constant 0 : index
      %swap3A_61 = vector.load %arg11[%swap3A_59, %swap3A_60] : memref<2x64xf32, #tpu.memory_space<vmem>>, vector<1x64xf32>
      tpu.vector_store %arg11[%swap3A_59, %swap3A_60], %add3A_58 {strides = array<i32>} : memref<2x64xf32, #tpu.memory_space<vmem>>, vector<1x64xf32>,
    } else {
    }
    %eq3A_36 = arith.constant 1 : i32
    %eq3A_37 = arith.cmpi eq, %arg0, %eq3A_36 : i32
    %convert_element_type3A_38 = arith.extui %eq3A_37 : i1 to i32
    %cond3A_39 = arith.constant 0 : i32
    %cond3A_40 = arith.cmpi ne, %convert_element_type3A_38, %cond3A_39 : i32
    scf.if %cond3A_40 {
      %get3A_41 = arith.constant 0 : index
      %get3A_42 = arith.constant 0 : index
      %get3A_43 = vector.load %arg11[%get3A_41, %get3A_42] : memref<2x64xf32, #tpu.memory_space<vmem>>, vector<2x64xf32>
      %get3A_44 = arith.constant 0 : index
      %get3A_45 = arith.constant 0 : index
      %get3A_46 = vector.load %arg6[%get3A_44, %get3A_45] : memref<1x64xf32, #tpu.memory_space<vmem>>, vector<1x64xf32>
      %get3A_47 = arith.constant 0 : index
      %get3A_48 = arith.constant 0 : index
      %get3A_49 = vector.load %arg7[%get3A_47, %get3A_48] : memref<1x64xf32, #tpu.memory_space<vmem>>, vector<1x64xf32>
      %slice3A = vector.extract_strided_slice %get3A_43 {offsets = [0, 0], sizes = [1, 64], strides = [1, 1]} : vector<2x64xf32> to vector<1x64xf32>
      %div3A = arith.constant 3.276800e+05 : f32
      %div3A_50 = vector.broadcast %div3A : f32 to vector<1x64xf32>
      %div3A_51 = arith.divf %slice3A, %div3A_50 : vector<1x64xf32>
      %slice3A_52 = vector.extract_strided_slice %get3A_43 {offsets = [1, 0], sizes = [1, 64], strides = [1, 1]} : vector<2x64xf32> to vector<1x64xf32>
      %div3A_53 = arith.constant 3.276800e+05 : f32
      %div3A_54 = vector.broadcast %div3A_53 : f32 to vector<1x64xf32>
      %div3A_55 = arith.divf %slice3A_52, %div3A_54 : vector<1x64xf32>
      %mul3A = arith.mulf %div3A_51, %div3A_51 : vector<1x64xf32>
      %sub3A_56 = arith.subf %div3A_55, %mul3A : vector<1x64xf32>
      %add3A_57 = arith.constant 9.99999974E-6 : f32
      %add3A_58 = vector.broadcast %add3A_57 : f32 to vector<1x64xf32>
      %add3A_59 = arith.addf %sub3A_56, %add3A_58 : vector<1x64xf32>
      %rsqrt3A = math.rsqrt %add3A_59 : vector<1x64xf32>
      %mul3A_60 = arith.mulf %get3A_46, %rsqrt3A : vector<1x64xf32>
      %mul3A_61 = arith.mulf %mul3A_60, %div3A_51 : vector<1x64xf32>
      %sub3A_62 = arith.subf %get3A_49, %mul3A_61 : vector<1x64xf32>
      %mul3A_63 = vector.broadcast %mul3A_60 : vector<1x64xf32> to vector<10240x64xf32>
      %mul3A_64 = arith.mulf %add3A, %mul3A_63 : vector<10240x64xf32>
      %add3A_65 = vector.broadcast %sub3A_62 : vector<1x64xf32> to vector<10240x64xf32>
      %add3A_66 = arith.addf %mul3A_64, %add3A_65 : vector<10240x64xf32>
      %max3A = arith.constant 0.000000e+00 : f32
      %max3A_67 = vector.broadcast %max3A : f32 to vector<10240x64xf32>
      %max3A_68 = arith.maximumf %add3A_66, %max3A_67 : vector<10240x64xf32>
      %get3A_69 = arith.constant 0 : index
      %get3A_70 = arith.constant 0 : index
      %get3A_71 = vector.load %arg8[%get3A_69, %get3A_70] : memref<64x64xf32, #tpu.memory_space<vmem>>, vector<64x64xf32>
      %convert_element_type3A_72 = arith.truncf %max3A_68 : vector<10240x64xf32> to vector<10240x64xbf16>
      %convert_element_type3A_73 = arith.truncf %get3A_71 : vector<64x64xf32> to vector<64x64xbf16>
      %dot_general3A_74 = arith.constant dense<0.000000e+00> : vector<10240x64xf32>
      %dot_general3A_75 = tpu.matmul %convert_element_type3A_72, %convert_element_type3A_73, %dot_general3A_74 {dimension_numbers = #tpu.dot_dimension_numbers<[1], [1], [0], [0], [0, 0, 1, 0], [], []>, transpose_lhs_hint = false} : vector<10240x64xbf16>, vector<64x64xbf16>, vector<10240x64xf32> -> vector<10240x64xf32>
      %reshape3A_76 = vector.shape_cast %dot_general3A_75 : vector<10240x64xf32> to vector<20x512x64xf32>
      %reduce_max3A = arith.constant dense<0xFF800000> : vector<512x64xf32>
      %reduce_max3A_77 = vector.multi_reduction <maximumf>, %reshape3A_76, %reduce_max3A [0] : vector<20x512x64xf32> to vector<512x64xf32>
      %swap3A = arith.constant 0 : index
      %swap3A_78 = arith.constant 0 : index
      %swap3A_79 = arith.constant 0 : index
      %swap3A_80 = vector.load %arg9[%swap3A, %swap3A_78, %swap3A_79] : memref<1x512x64xf32, #tpu.memory_space<vmem>>, vector<1x512x64xf32>
      %swap3A_81 = vector.shape_cast %swap3A_80 : vector<1x512x64xf32> to vector<512x64xf32>
      %swap3A_82 = vector.shape_cast %reduce_max3A_77 : vector<512x64xf32> to vector<1x512x64xf32>
      tpu.vector_store %arg9[%swap3A, %swap3A_78, %swap3A_79], %swap3A_82 {strides = array<i32>} : memref<1x512x64xf32, #tpu.memory_space<vmem>>, vector<1x512x64xf32>,
      %reduce_min3A = arith.constant dense<0x7F800000> : vector<512x64xf32>
      %reduce_min3A_83 = vector.multi_reduction <minimumf>, %reshape3A_76, %reduce_min3A [0] : vector<20x512x64xf32> to vector<512x64xf32>
      %swap3A_84 = arith.constant 0 : index
      %swap3A_85 = arith.constant 0 : index
      %swap3A_86 = arith.constant 0 : index
      %swap3A_87 = vector.load %arg10[%swap3A_84, %swap3A_85, %swap3A_86] : memref<1x512x64xf32, #tpu.memory_space<vmem>>, vector<1x512x64xf32>
      %swap3A_88 = vector.shape_cast %swap3A_87 : vector<1x512x64xf32> to vector<512x64xf32>
      %swap3A_89 = vector.shape_cast %reduce_min3A_83 : vector<512x64xf32> to vector<1x512x64xf32>
      tpu.vector_store %arg10[%swap3A_84, %swap3A_85, %swap3A_86], %swap3A_89 {strides = array<i32>} : memref<1x512x64xf32, #tpu.memory_space<vmem>>, vector<1x512x64xf32>,
      %convert_element_type3A_90 = arith.extui %and3A : i1 to i32
      %cond3A_91 = arith.constant 0 : i32
      %cond3A_92 = arith.cmpi ne, %convert_element_type3A_90, %cond3A_91 : i32
      scf.if %cond3A_92 {
        %broadcast_in_dim3A_114 = arith.constant 0.000000e+00 : f32
        %broadcast_in_dim3A_115 = vector.broadcast %broadcast_in_dim3A_114 : f32 to vector<2x64xf32>
        %swap3A_116 = arith.constant 0 : index
        %swap3A_117 = arith.constant 0 : index
        %swap3A_118 = vector.load %arg12[%swap3A_116, %swap3A_117] : memref<2x64xf32, #tpu.memory_space<vmem>>, vector<2x64xf32>
        tpu.vector_store %arg12[%swap3A_116, %swap3A_117], %broadcast_in_dim3A_115 {strides = array<i32>} : memref<2x64xf32, #tpu.memory_space<vmem>>, vector<2x64xf32>,
      } else {
      }
      %reshape3A_93 = vector.shape_cast %reshape3A_76 : vector<20x512x64xf32> to vector<10240x64xf32>
      %get3A_94 = arith.constant 0 : index
      %get3A_95 = arith.constant 0 : index
      %get3A_96 = vector.load %arg12[%get3A_94, %get3A_95] : memref<2x64xf32, #tpu.memory_space<vmem>>, vector<1x64xf32>
      %reduce_sum3A = arith.constant dense<0.000000e+00> : vector<64xf32>
      %reduce_sum3A_97 = vector.multi_reduction <add>, %reshape3A_93, %reduce_sum3A [0] : vector<10240x64xf32> to vector<64xf32>
      %broadcast_in_dim3A_98 = vector.shape_cast %reduce_sum3A_97 : vector<64xf32> to vector<1x64xf32>
      %add3A_99 = arith.addf %get3A_96, %broadcast_in_dim3A_98 : vector<1x64xf32>
      %swap3A_100 = arith.constant 0 : index
      %swap3A_101 = arith.constant 0 : index
      %swap3A_102 = vector.load %arg12[%swap3A_100, %swap3A_101] : memref<2x64xf32, #tpu.memory_space<vmem>>, vector<1x64xf32>
      tpu.vector_store %arg12[%swap3A_100, %swap3A_101], %add3A_99 {strides = array<i32>} : memref<2x64xf32, #tpu.memory_space<vmem>>, vector<1x64xf32>,
      %get3A_103 = arith.constant 1 : index
      %get3A_104 = arith.constant 0 : index
      %get3A_105 = vector.load %arg12[%get3A_103, %get3A_104] : memref<2x64xf32, #tpu.memory_space<vmem>>, vector<1x64xf32>
      %mul3A_106 = arith.mulf %reshape3A_93, %reshape3A_93 : vector<10240x64xf32>
      %reduce_sum3A_107 = arith.constant dense<0.000000e+00> : vector<64xf32>
      %reduce_sum3A_108 = vector.multi_reduction <add>, %mul3A_106, %reduce_sum3A_107 [0] : vector<10240x64xf32> to vector<64xf32>
      %broadcast_in_dim3A_109 = vector.shape_cast %reduce_sum3A_108 : vector<64xf32> to vector<1x64xf32>
      %add3A_110 = arith.addf %get3A_105, %broadcast_in_dim3A_109 : vector<1x64xf32>
      %swap3A_111 = arith.constant 1 : index
      %swap3A_112 = arith.constant 0 : index
      %swap3A_113 = vector.load %arg12[%swap3A_111, %swap3A_112] : memref<2x64xf32, #tpu.memory_space<vmem>>, vector<1x64xf32>
      tpu.vector_store %arg12[%swap3A_111, %swap3A_112], %add3A_110 {strides = array<i32>} : memref<2x64xf32, #tpu.memory_space<vmem>>, vector<1x64xf32>,
    } else {
    }
    return
  }
  func.func @transform_0(%arg0: i32, %arg1: i32, %arg2: i32) -> (i32, i32, i32, i32) {
    %c0_i32 = arith.constant 0 : i32
    %c0_i32_0 = arith.constant 0 : i32
    %c0_i32_1 = arith.constant 0 : i32
    return %arg1, %c0_i32, %arg2, %c0_i32_0 : i32, i32, i32, i32
  }
  func.func @transform_1(%arg0: i32, %arg1: i32, %arg2: i32) -> (i32, i32, i32) {
    %c0_i32 = arith.constant 0 : i32
    %c0_i32_0 = arith.constant 0 : i32
    return %arg1, %arg2, %c0_i32 : i32, i32, i32
  }
  func.func @transform_2(%arg0: i32, %arg1: i32, %arg2: i32) -> (i32, i32) {
    %c0_i32 = arith.constant 0 : i32
    %c0_i32_0 = arith.constant 0 : i32
    %c0_i32_1 = arith.constant 0 : i32
    return %c0_i32, %c0_i32_0 : i32, i32
  }
  func.func @transform_3(%arg0: i32, %arg1: i32, %arg2: i32) -> (i32, i32) {
    %c0_i32 = arith.constant 0 : i32
    %c0_i32_0 = arith.constant 0 : i32
    %c0_i32_1 = arith.constant 0 : i32
    return %c0_i32, %c0_i32_0 : i32, i32
  }
  func.func @transform_4(%arg0: i32, %arg1: i32, %arg2: i32) -> (i32, i32) {
    %c0_i32 = arith.constant 0 : i32
    %c0_i32_0 = arith.constant 0 : i32
    %c0_i32_1 = arith.constant 0 : i32
    return %c0_i32, %c0_i32_0 : i32, i32
  }
  func.func @transform_5(%arg0: i32, %arg1: i32, %arg2: i32) -> (i32, i32) {
    %c0_i32 = arith.constant 0 : i32
    %c0_i32_0 = arith.constant 0 : i32
    %c0_i32_1 = arith.constant 0 : i32
    return %c0_i32, %c0_i32_0 : i32, i32
  }
  func.func @transform_6(%arg0: i32, %arg1: i32, %arg2: i32) -> (i32, i32, i32) {
    %c0_i32 = arith.constant 0 : i32
    %c0_i32_0 = arith.constant 0 : i32
    return %arg1, %arg2, %c0_i32 : i32, i32, i32
  }
  func.func @transform_7(%arg0: i32, %arg1: i32, %arg2: i32) -> (i32, i32, i32) {
    %c0_i32 = arith.constant 0 : i32
    %c0_i32_0 = arith.constant 0 : i32
    return %arg1, %arg2, %c0_i32 : i32, i32, i32
  }
  func.func @transform_8(%arg0: i32, %arg1: i32, %arg2: i32) -> (i32, i32) {
    %c0_i32 = arith.constant 0 : i32
    %c0_i32_0 = arith.constant 0 : i32
    %c0_i32_1 = arith.constant 0 : i32
    return %c0_i32, %c0_i32_0 : i32, i32
  }
  func.func @transform_9(%arg0: i32, %arg1: i32, %arg2: i32) -> (i32, i32) {
    %c0_i32 = arith.constant 0 : i32
    %c0_i32_0 = arith.constant 0 : i32
    %c0_i32_1 = arith.constant 0 : i32
    return %c0_i32, %c0_i32_0 : i32, i32
  }
}

module attributes {stable_mosaic.version = 14 : i64} {
  func.func @_xnext_body(%arg0: i32, %arg1: i32, %arg2: memref<1x512x64xf32, #tpu.memory_space<vmem>>, %arg3: memref<1x512x64xf32, #tpu.memory_space<vmem>>, %arg4: memref<2x64xf32, #tpu.memory_space<vmem>>, %arg5: memref<1x64xf32, #tpu.memory_space<vmem>>, %arg6: memref<1x64xf32, #tpu.memory_space<vmem>>, %arg7: memref<1x512x64xf32, #tpu.memory_space<vmem>>) attributes {dimension_semantics = [#tpu.dimension_semantics<arbitrary>, #tpu.dimension_semantics<arbitrary>], iteration_bounds = array<i64: 4, 8>, scalar_prefetch = 0 : i64, scratch_operands = 0 : i64, tpu.core_type = #tpu.core_type<tc>, window_params = [{transform_indices = @transform_0, window_bounds = array<i64: 1, 512, 64>}, {transform_indices = @transform_1, window_bounds = array<i64: 1, 512, 64>}, {pipeline_mode = #tpu.pipeline_mode<synchronous>, transform_indices = @transform_2, window_bounds = array<i64: 2, 64>}, {pipeline_mode = #tpu.pipeline_mode<synchronous>, transform_indices = @transform_3, window_bounds = array<i64: 1, 64>}, {pipeline_mode = #tpu.pipeline_mode<synchronous>, transform_indices = @transform_4, window_bounds = array<i64: 1, 64>}, {transform_indices = @transform_5, window_bounds = array<i64: 1, 512, 64>}]} {
    %get3A = arith.constant 0 : index
    %get3A_0 = arith.constant 0 : index
    %get3A_1 = vector.load %arg4[%get3A, %get3A_0] : memref<2x64xf32, #tpu.memory_space<vmem>>, vector<2x64xf32>
    %get3A_2 = arith.constant 0 : index
    %get3A_3 = arith.constant 0 : index
    %get3A_4 = vector.load %arg5[%get3A_2, %get3A_3] : memref<1x64xf32, #tpu.memory_space<vmem>>, vector<1x64xf32>
    %get3A_5 = arith.constant 0 : index
    %get3A_6 = arith.constant 0 : index
    %get3A_7 = vector.load %arg6[%get3A_5, %get3A_6] : memref<1x64xf32, #tpu.memory_space<vmem>>, vector<1x64xf32>
    %slice3A = vector.extract_strided_slice %get3A_1 {offsets = [0, 0], sizes = [1, 64], strides = [1, 1]} : vector<2x64xf32> to vector<1x64xf32>
    %div3A = arith.constant 3.276800e+05 : f32
    %div3A_8 = vector.broadcast %div3A : f32 to vector<1x64xf32>
    %div3A_9 = arith.divf %slice3A, %div3A_8 : vector<1x64xf32>
    %slice3A_10 = vector.extract_strided_slice %get3A_1 {offsets = [1, 0], sizes = [1, 64], strides = [1, 1]} : vector<2x64xf32> to vector<1x64xf32>
    %div3A_11 = arith.constant 3.276800e+05 : f32
    %div3A_12 = vector.broadcast %div3A_11 : f32 to vector<1x64xf32>
    %div3A_13 = arith.divf %slice3A_10, %div3A_12 : vector<1x64xf32>
    %mul3A = arith.mulf %div3A_9, %div3A_9 : vector<1x64xf32>
    %sub3A = arith.subf %div3A_13, %mul3A : vector<1x64xf32>
    %add3A = arith.constant 9.99999974E-6 : f32
    %add3A_14 = vector.broadcast %add3A : f32 to vector<1x64xf32>
    %add3A_15 = arith.addf %sub3A, %add3A_14 : vector<1x64xf32>
    %rsqrt3A = math.rsqrt %add3A_15 : vector<1x64xf32>
    %mul3A_16 = arith.mulf %get3A_4, %rsqrt3A : vector<1x64xf32>
    %mul3A_17 = arith.mulf %mul3A_16, %div3A_9 : vector<1x64xf32>
    %sub3A_18 = arith.subf %get3A_7, %mul3A_17 : vector<1x64xf32>
    %ge3A = arith.constant 0.000000e+00 : f32
    %ge3A_19 = vector.broadcast %ge3A : f32 to vector<1x64xf32>
    %ge3A_20 = arith.cmpf oge, %mul3A_16, %ge3A_19 : vector<1x64xf32>
    %get3A_21 = arith.constant 0 : index
    %get3A_22 = arith.constant 0 : index
    %get3A_23 = arith.constant 0 : index
    %get3A_24 = vector.load %arg2[%get3A_21, %get3A_22, %get3A_23] : memref<1x512x64xf32, #tpu.memory_space<vmem>>, vector<1x512x64xf32>
    %get3A_25 = vector.shape_cast %get3A_24 : vector<1x512x64xf32> to vector<512x64xf32>
    %get3A_26 = arith.constant 0 : index
    %get3A_27 = arith.constant 0 : index
    %get3A_28 = arith.constant 0 : index
    %get3A_29 = vector.load %arg3[%get3A_26, %get3A_27, %get3A_28] : memref<1x512x64xf32, #tpu.memory_space<vmem>>, vector<1x512x64xf32>
    %get3A_30 = vector.shape_cast %get3A_29 : vector<1x512x64xf32> to vector<512x64xf32>
    %broadcast_in_dim3A = vector.shape_cast %ge3A_20 : vector<1x64xi1> to vector<1x64xi1>
    %broadcast_in_dim3A_31 = vector.broadcast %broadcast_in_dim3A : vector<1x64xi1> to vector<512x64xi1>
    %select_n3A = arith.select %broadcast_in_dim3A_31, %get3A_25, %get3A_30 : vector<512x64xi1>, vector<512x64xf32>
    %mul3A_32 = vector.broadcast %mul3A_16 : vector<1x64xf32> to vector<512x64xf32>
    %mul3A_33 = arith.mulf %select_n3A, %mul3A_32 : vector<512x64xf32>
    %add3A_34 = vector.broadcast %sub3A_18 : vector<1x64xf32> to vector<512x64xf32>
    %add3A_35 = arith.addf %mul3A_33, %add3A_34 : vector<512x64xf32>
    %max3A = arith.constant 0.000000e+00 : f32
    %max3A_36 = vector.broadcast %max3A : f32 to vector<512x64xf32>
    %max3A_37 = arith.maximumf %add3A_35, %max3A_36 : vector<512x64xf32>
    %swap3A = arith.constant 0 : index
    %swap3A_38 = arith.constant 0 : index
    %swap3A_39 = arith.constant 0 : index
    %swap3A_40 = vector.load %arg7[%swap3A, %swap3A_38, %swap3A_39] : memref<1x512x64xf32, #tpu.memory_space<vmem>>, vector<1x512x64xf32>
    %swap3A_41 = vector.shape_cast %swap3A_40 : vector<1x512x64xf32> to vector<512x64xf32>
    %swap3A_42 = vector.shape_cast %max3A_37 : vector<512x64xf32> to vector<1x512x64xf32>
    tpu.vector_store %arg7[%swap3A, %swap3A_38, %swap3A_39], %swap3A_42 {strides = array<i32>} : memref<1x512x64xf32, #tpu.memory_space<vmem>>, vector<1x512x64xf32>,
    return
  }
  func.func @transform_0(%arg0: i32, %arg1: i32) -> (i32, i32, i32) {
    %c0_i32 = arith.constant 0 : i32
    %c0_i32_0 = arith.constant 0 : i32
    return %arg0, %arg1, %c0_i32 : i32, i32, i32
  }
  func.func @transform_1(%arg0: i32, %arg1: i32) -> (i32, i32, i32) {
    %c0_i32 = arith.constant 0 : i32
    %c0_i32_0 = arith.constant 0 : i32
    return %arg0, %arg1, %c0_i32 : i32, i32, i32
  }
  func.func @transform_2(%arg0: i32, %arg1: i32) -> (i32, i32) {
    %c0_i32 = arith.constant 0 : i32
    %c0_i32_0 = arith.constant 0 : i32
    %c0_i32_1 = arith.constant 0 : i32
    return %c0_i32, %c0_i32_0 : i32, i32
  }
  func.func @transform_3(%arg0: i32, %arg1: i32) -> (i32, i32) {
    %c0_i32 = arith.constant 0 : i32
    %c0_i32_0 = arith.constant 0 : i32
    %c0_i32_1 = arith.constant 0 : i32
    return %c0_i32, %c0_i32_0 : i32, i32
  }
  func.func @transform_4(%arg0: i32, %arg1: i32) -> (i32, i32) {
    %c0_i32 = arith.constant 0 : i32
    %c0_i32_0 = arith.constant 0 : i32
    %c0_i32_1 = arith.constant 0 : i32
    return %c0_i32, %c0_i32_0 : i32, i32
  }
  func.func @transform_5(%arg0: i32, %arg1: i32) -> (i32, i32, i32) {
    %c0_i32 = arith.constant 0 : i32
    %c0_i32_0 = arith.constant 0 : i32
    return %arg0, %arg1, %c0_i32 : i32, i32, i32
  }
}

module attributes {stable_mosaic.version = 14 : i64} {
  func.func @_ec_body(%arg0: i32, %arg1: i32, %arg2: i32, %arg3: memref<1x20x512x64xf32, #tpu.memory_space<vmem>>, %arg4: memref<1x512x64xf32, #tpu.memory_space<vmem>>, %arg5: memref<64x128xf32, #tpu.memory_space<vmem>>, %arg6: memref<1x64xf32, #tpu.memory_space<vmem>>, %arg7: memref<1x64xf32, #tpu.memory_space<vmem>>, %arg8: memref<64x64xf32, #tpu.memory_space<vmem>>, %arg9: memref<1x512x64xf32, #tpu.memory_space<vmem>>, %arg10: memref<1x512x64xf32, #tpu.memory_space<vmem>>, %arg11: memref<2x64xf32, #tpu.memory_space<vmem>>, %arg12: memref<2x64xf32, #tpu.memory_space<vmem>>) attributes {dimension_semantics = [#tpu.dimension_semantics<arbitrary>, #tpu.dimension_semantics<arbitrary>, #tpu.dimension_semantics<arbitrary>], iteration_bounds = array<i64: 2, 4, 8>, scalar_prefetch = 0 : i64, scratch_operands = 0 : i64, tpu.core_type = #tpu.core_type<tc>, window_params = [{transform_indices = @transform_0, window_bounds = array<i64: 1, 20, 512, 64>}, {transform_indices = @transform_1, window_bounds = array<i64: 1, 512, 64>}, {pipeline_mode = #tpu.pipeline_mode<synchronous>, transform_indices = @transform_2, window_bounds = array<i64: 64, 128>}, {pipeline_mode = #tpu.pipeline_mode<synchronous>, transform_indices = @transform_3, window_bounds = array<i64: 1, 64>}, {pipeline_mode = #tpu.pipeline_mode<synchronous>, transform_indices = @transform_4, window_bounds = array<i64: 1, 64>}, {pipeline_mode = #tpu.pipeline_mode<synchronous>, transform_indices = @transform_5, window_bounds = array<i64: 64, 64>}, {transform_indices = @transform_6, window_bounds = array<i64: 1, 512, 64>}, {transform_indices = @transform_7, window_bounds = array<i64: 1, 512, 64>}, {pipeline_mode = #tpu.pipeline_mode<synchronous>, transform_indices = @transform_8, window_bounds = array<i64: 2, 64>}, {pipeline_mode = #tpu.pipeline_mode<synchronous>, transform_indices = @transform_9, window_bounds = array<i64: 2, 64>}]} {
    %eq3A = arith.constant 0 : i32
    %eq3A_0 = arith.cmpi eq, %arg1, %eq3A : i32
    %eq3A_1 = arith.constant 0 : i32
    %eq3A_2 = arith.cmpi eq, %arg2, %eq3A_1 : i32
    %and3A = arith.andi %eq3A_0, %eq3A_2 : i1
    %get3A = arith.constant 0 : index
    %get3A_3 = arith.constant 0 : index
    %get3A_4 = arith.constant 0 : index
    %get3A_5 = vector.load %arg4[%get3A, %get3A_3, %get3A_4] : memref<1x512x64xf32, #tpu.memory_space<vmem>>, vector<1x512x64xf32>
    %get3A_6 = vector.shape_cast %get3A_5 : vector<1x512x64xf32> to vector<512x64xf32>
    %get3A_7 = arith.constant 0 : index
    %get3A_8 = arith.constant 0 : index
    %get3A_9 = vector.load %arg5[%get3A_7, %get3A_8] : memref<64x128xf32, #tpu.memory_space<vmem>>, vector<64x64xf32>
    %get3A_10 = arith.constant 0 : index
    %get3A_11 = arith.constant 64 : index
    %get3A_12 = vector.load %arg5[%get3A_10, %get3A_11] : memref<64x128xf32, #tpu.memory_space<vmem>>, vector<64x64xf32>
    %convert_element_type3A = arith.truncf %get3A_6 : vector<512x64xf32> to vector<512x64xbf16>
    %convert_element_type3A_13 = arith.truncf %get3A_9 : vector<64x64xf32> to vector<64x64xbf16>
    %dot_general3A = arith.constant dense<0.000000e+00> : vector<512x64xf32>
    %dot_general3A_14 = tpu.matmul %convert_element_type3A, %convert_element_type3A_13, %dot_general3A {dimension_numbers = #tpu.dot_dimension_numbers<[1], [1], [0], [0], [0, 0, 1, 0], [], []>, transpose_lhs_hint = false} : vector<512x64xbf16>, vector<64x64xbf16>, vector<512x64xf32> -> vector<512x64xf32>
    %get3A_15 = arith.constant 0 : index
    %get3A_16 = arith.constant 0 : index
    %get3A_17 = arith.constant 0 : index
    %get3A_18 = arith.constant 0 : index
    %get3A_19 = vector.load %arg3[%get3A_15, %get3A_16, %get3A_17, %get3A_18] : memref<1x20x512x64xf32, #tpu.memory_space<vmem>>, vector<1x20x512x64xf32>
    %get3A_20 = vector.shape_cast %get3A_19 : vector<1x20x512x64xf32> to vector<20x512x64xf32>
    %reshape3A = vector.shape_cast %get3A_20 : vector<20x512x64xf32> to vector<10240x64xf32>
    %broadcast_in_dim3A = vector.shape_cast %get3A_6 : vector<512x64xf32> to vector<1x512x64xf32>
    %broadcast_in_dim3A_21 = vector.shape_cast %broadcast_in_dim3A : vector<1x512x64xf32> to vector<1x512x64xf32>
    %broadcast_in_dim3A_22 = vector.broadcast %broadcast_in_dim3A_21 : vector<1x512x64xf32> to vector<20x512x64xf32>
    %reshape3A_23 = vector.shape_cast %broadcast_in_dim3A_22 : vector<20x512x64xf32> to vector<10240x64xf32>
    %broadcast_in_dim3A_24 = vector.shape_cast %dot_general3A_14 : vector<512x64xf32> to vector<1x512x64xf32>
    %broadcast_in_dim3A_25 = vector.shape_cast %broadcast_in_dim3A_24 : vector<1x512x64xf32> to vector<1x512x64xf32>
    %broadcast_in_dim3A_26 = vector.broadcast %broadcast_in_dim3A_25 : vector<1x512x64xf32> to vector<20x512x64xf32>
    %reshape3A_27 = vector.shape_cast %broadcast_in_dim3A_26 : vector<20x512x64xf32> to vector<10240x64xf32>
    %sub3A = arith.subf %reshape3A, %reshape3A_23 : vector<10240x64xf32>
    %convert_element_type3A_28 = arith.truncf %sub3A : vector<10240x64xf32> to vector<10240x64xbf16>
    %convert_element_type3A_29 = arith.truncf %get3A_12 : vector<64x64xf32> to vector<64x64xbf16>
    %dot_general3A_30 = arith.constant dense<0.000000e+00> : vector<10240x64xf32>
    %dot_general3A_31 = tpu.matmul %convert_element_type3A_28, %convert_element_type3A_29, %dot_general3A_30 {dimension_numbers = #tpu.dot_dimension_numbers<[1], [1], [0], [0], [0, 0, 1, 0], [], []>, transpose_lhs_hint = false} : vector<10240x64xbf16>, vector<64x64xbf16>, vector<10240x64xf32> -> vector<10240x64xf32>
    %add3A = arith.addf %reshape3A_27, %dot_general3A_31 : vector<10240x64xf32>
    %eq3A_32 = arith.constant 0 : i32
    %eq3A_33 = arith.cmpi eq, %arg0, %eq3A_32 : i32
    %convert_element_type3A_34 = arith.extui %eq3A_33 : i1 to i32
    %cond3A = arith.constant 0 : i32
    %cond3A_35 = arith.cmpi ne, %convert_element_type3A_34, %cond3A : i32
    scf.if %cond3A_35 {
      %convert_element_type3A_41 = arith.extui %and3A : i1 to i32
      %cond3A_42 = arith.constant 0 : i32
      %cond3A_43 = arith.cmpi ne, %convert_element_type3A_41, %cond3A_42 : i32
      scf.if %cond3A_43 {
        %broadcast_in_dim3A_62 = arith.constant 0.000000e+00 : f32
        %broadcast_in_dim3A_63 = vector.broadcast %broadcast_in_dim3A_62 : f32 to vector<2x64xf32>
        %swap3A_64 = arith.constant 0 : index
        %swap3A_65 = arith.constant 0 : index
        %swap3A_66 = vector.load %arg11[%swap3A_64, %swap3A_65] : memref<2x64xf32, #tpu.memory_space<vmem>>, vector<2x64xf32>
        tpu.vector_store %arg11[%swap3A_64, %swap3A_65], %broadcast_in_dim3A_63 {strides = array<i32>} : memref<2x64xf32, #tpu.memory_space<vmem>>, vector<2x64xf32>,
      } else {
      }
      %get3A_44 = arith.constant 0 : index
      %get3A_45 = arith.constant 0 : index
      %get3A_46 = vector.load %arg11[%get3A_44, %get3A_45] : memref<2x64xf32, #tpu.memory_space<vmem>>, vector<1x64xf32>
      %reduce_sum3A = arith.constant dense<0.000000e+00> : vector<64xf32>
      %reduce_sum3A_47 = vector.multi_reduction <add>, %add3A, %reduce_sum3A [0] : vector<10240x64xf32> to vector<64xf32>
      %broadcast_in_dim3A_48 = vector.shape_cast %reduce_sum3A_47 : vector<64xf32> to vector<1x64xf32>
      %add3A_49 = arith.addf %get3A_46, %broadcast_in_dim3A_48 : vector<1x64xf32>
      %swap3A = arith.constant 0 : index
      %swap3A_50 = arith.constant 0 : index
      %swap3A_51 = vector.load %arg11[%swap3A, %swap3A_50] : memref<2x64xf32, #tpu.memory_space<vmem>>, vector<1x64xf32>
      tpu.vector_store %arg11[%swap3A, %swap3A_50], %add3A_49 {strides = array<i32>} : memref<2x64xf32, #tpu.memory_space<vmem>>, vector<1x64xf32>,
      %get3A_52 = arith.constant 1 : index
      %get3A_53 = arith.constant 0 : index
      %get3A_54 = vector.load %arg11[%get3A_52, %get3A_53] : memref<2x64xf32, #tpu.memory_space<vmem>>, vector<1x64xf32>
      %mul3A = arith.mulf %add3A, %add3A : vector<10240x64xf32>
      %reduce_sum3A_55 = arith.constant dense<0.000000e+00> : vector<64xf32>
      %reduce_sum3A_56 = vector.multi_reduction <add>, %mul3A, %reduce_sum3A_55 [0] : vector<10240x64xf32> to vector<64xf32>
      %broadcast_in_dim3A_57 = vector.shape_cast %reduce_sum3A_56 : vector<64xf32> to vector<1x64xf32>
      %add3A_58 = arith.addf %get3A_54, %broadcast_in_dim3A_57 : vector<1x64xf32>
      %swap3A_59 = arith.constant 1 : index
      %swap3A_60 = arith.constant 0 : index
      %swap3A_61 = vector.load %arg11[%swap3A_59, %swap3A_60] : memref<2x64xf32, #tpu.memory_space<vmem>>, vector<1x64xf32>
      tpu.vector_store %arg11[%swap3A_59, %swap3A_60], %add3A_58 {strides = array<i32>} : memref<2x64xf32, #tpu.memory_space<vmem>>, vector<1x64xf32>,
    } else {
    }
    %eq3A_36 = arith.constant 1 : i32
    %eq3A_37 = arith.cmpi eq, %arg0, %eq3A_36 : i32
    %convert_element_type3A_38 = arith.extui %eq3A_37 : i1 to i32
    %cond3A_39 = arith.constant 0 : i32
    %cond3A_40 = arith.cmpi ne, %convert_element_type3A_38, %cond3A_39 : i32
    scf.if %cond3A_40 {
      %get3A_41 = arith.constant 0 : index
      %get3A_42 = arith.constant 0 : index
      %get3A_43 = vector.load %arg11[%get3A_41, %get3A_42] : memref<2x64xf32, #tpu.memory_space<vmem>>, vector<2x64xf32>
      %get3A_44 = arith.constant 0 : index
      %get3A_45 = arith.constant 0 : index
      %get3A_46 = vector.load %arg6[%get3A_44, %get3A_45] : memref<1x64xf32, #tpu.memory_space<vmem>>, vector<1x64xf32>
      %get3A_47 = arith.constant 0 : index
      %get3A_48 = arith.constant 0 : index
      %get3A_49 = vector.load %arg7[%get3A_47, %get3A_48] : memref<1x64xf32, #tpu.memory_space<vmem>>, vector<1x64xf32>
      %slice3A = vector.extract_strided_slice %get3A_43 {offsets = [0, 0], sizes = [1, 64], strides = [1, 1]} : vector<2x64xf32> to vector<1x64xf32>
      %div3A = arith.constant 3.276800e+05 : f32
      %div3A_50 = vector.broadcast %div3A : f32 to vector<1x64xf32>
      %div3A_51 = arith.divf %slice3A, %div3A_50 : vector<1x64xf32>
      %slice3A_52 = vector.extract_strided_slice %get3A_43 {offsets = [1, 0], sizes = [1, 64], strides = [1, 1]} : vector<2x64xf32> to vector<1x64xf32>
      %div3A_53 = arith.constant 3.276800e+05 : f32
      %div3A_54 = vector.broadcast %div3A_53 : f32 to vector<1x64xf32>
      %div3A_55 = arith.divf %slice3A_52, %div3A_54 : vector<1x64xf32>
      %mul3A = arith.mulf %div3A_51, %div3A_51 : vector<1x64xf32>
      %sub3A_56 = arith.subf %div3A_55, %mul3A : vector<1x64xf32>
      %add3A_57 = arith.constant 9.99999974E-6 : f32
      %add3A_58 = vector.broadcast %add3A_57 : f32 to vector<1x64xf32>
      %add3A_59 = arith.addf %sub3A_56, %add3A_58 : vector<1x64xf32>
      %rsqrt3A = math.rsqrt %add3A_59 : vector<1x64xf32>
      %mul3A_60 = arith.mulf %get3A_46, %rsqrt3A : vector<1x64xf32>
      %mul3A_61 = arith.mulf %mul3A_60, %div3A_51 : vector<1x64xf32>
      %sub3A_62 = arith.subf %get3A_49, %mul3A_61 : vector<1x64xf32>
      %mul3A_63 = vector.broadcast %mul3A_60 : vector<1x64xf32> to vector<10240x64xf32>
      %mul3A_64 = arith.mulf %add3A, %mul3A_63 : vector<10240x64xf32>
      %add3A_65 = vector.broadcast %sub3A_62 : vector<1x64xf32> to vector<10240x64xf32>
      %add3A_66 = arith.addf %mul3A_64, %add3A_65 : vector<10240x64xf32>
      %max3A = arith.constant 0.000000e+00 : f32
      %max3A_67 = vector.broadcast %max3A : f32 to vector<10240x64xf32>
      %max3A_68 = arith.maximumf %add3A_66, %max3A_67 : vector<10240x64xf32>
      %get3A_69 = arith.constant 0 : index
      %get3A_70 = arith.constant 0 : index
      %get3A_71 = vector.load %arg8[%get3A_69, %get3A_70] : memref<64x64xf32, #tpu.memory_space<vmem>>, vector<64x64xf32>
      %convert_element_type3A_72 = arith.truncf %max3A_68 : vector<10240x64xf32> to vector<10240x64xbf16>
      %convert_element_type3A_73 = arith.truncf %get3A_71 : vector<64x64xf32> to vector<64x64xbf16>
      %dot_general3A_74 = arith.constant dense<0.000000e+00> : vector<10240x64xf32>
      %dot_general3A_75 = tpu.matmul %convert_element_type3A_72, %convert_element_type3A_73, %dot_general3A_74 {dimension_numbers = #tpu.dot_dimension_numbers<[1], [1], [0], [0], [0, 0, 1, 0], [], []>, transpose_lhs_hint = false} : vector<10240x64xbf16>, vector<64x64xbf16>, vector<10240x64xf32> -> vector<10240x64xf32>
      %reshape3A_76 = vector.shape_cast %dot_general3A_75 : vector<10240x64xf32> to vector<20x512x64xf32>
      %reduce_max3A = arith.constant dense<0xFF800000> : vector<512x64xf32>
      %reduce_max3A_77 = vector.multi_reduction <maximumf>, %reshape3A_76, %reduce_max3A [0] : vector<20x512x64xf32> to vector<512x64xf32>
      %swap3A = arith.constant 0 : index
      %swap3A_78 = arith.constant 0 : index
      %swap3A_79 = arith.constant 0 : index
      %swap3A_80 = vector.load %arg9[%swap3A, %swap3A_78, %swap3A_79] : memref<1x512x64xf32, #tpu.memory_space<vmem>>, vector<1x512x64xf32>
      %swap3A_81 = vector.shape_cast %swap3A_80 : vector<1x512x64xf32> to vector<512x64xf32>
      %swap3A_82 = vector.shape_cast %reduce_max3A_77 : vector<512x64xf32> to vector<1x512x64xf32>
      tpu.vector_store %arg9[%swap3A, %swap3A_78, %swap3A_79], %swap3A_82 {strides = array<i32>} : memref<1x512x64xf32, #tpu.memory_space<vmem>>, vector<1x512x64xf32>,
      %reduce_min3A = arith.constant dense<0x7F800000> : vector<512x64xf32>
      %reduce_min3A_83 = vector.multi_reduction <minimumf>, %reshape3A_76, %reduce_min3A [0] : vector<20x512x64xf32> to vector<512x64xf32>
      %swap3A_84 = arith.constant 0 : index
      %swap3A_85 = arith.constant 0 : index
      %swap3A_86 = arith.constant 0 : index
      %swap3A_87 = vector.load %arg10[%swap3A_84, %swap3A_85, %swap3A_86] : memref<1x512x64xf32, #tpu.memory_space<vmem>>, vector<1x512x64xf32>
      %swap3A_88 = vector.shape_cast %swap3A_87 : vector<1x512x64xf32> to vector<512x64xf32>
      %swap3A_89 = vector.shape_cast %reduce_min3A_83 : vector<512x64xf32> to vector<1x512x64xf32>
      tpu.vector_store %arg10[%swap3A_84, %swap3A_85, %swap3A_86], %swap3A_89 {strides = array<i32>} : memref<1x512x64xf32, #tpu.memory_space<vmem>>, vector<1x512x64xf32>,
      %convert_element_type3A_90 = arith.extui %and3A : i1 to i32
      %cond3A_91 = arith.constant 0 : i32
      %cond3A_92 = arith.cmpi ne, %convert_element_type3A_90, %cond3A_91 : i32
      scf.if %cond3A_92 {
        %broadcast_in_dim3A_114 = arith.constant 0.000000e+00 : f32
        %broadcast_in_dim3A_115 = vector.broadcast %broadcast_in_dim3A_114 : f32 to vector<2x64xf32>
        %swap3A_116 = arith.constant 0 : index
        %swap3A_117 = arith.constant 0 : index
        %swap3A_118 = vector.load %arg12[%swap3A_116, %swap3A_117] : memref<2x64xf32, #tpu.memory_space<vmem>>, vector<2x64xf32>
        tpu.vector_store %arg12[%swap3A_116, %swap3A_117], %broadcast_in_dim3A_115 {strides = array<i32>} : memref<2x64xf32, #tpu.memory_space<vmem>>, vector<2x64xf32>,
      } else {
      }
      %reshape3A_93 = vector.shape_cast %reshape3A_76 : vector<20x512x64xf32> to vector<10240x64xf32>
      %get3A_94 = arith.constant 0 : index
      %get3A_95 = arith.constant 0 : index
      %get3A_96 = vector.load %arg12[%get3A_94, %get3A_95] : memref<2x64xf32, #tpu.memory_space<vmem>>, vector<1x64xf32>
      %reduce_sum3A = arith.constant dense<0.000000e+00> : vector<64xf32>
      %reduce_sum3A_97 = vector.multi_reduction <add>, %reshape3A_93, %reduce_sum3A [0] : vector<10240x64xf32> to vector<64xf32>
      %broadcast_in_dim3A_98 = vector.shape_cast %reduce_sum3A_97 : vector<64xf32> to vector<1x64xf32>
      %add3A_99 = arith.addf %get3A_96, %broadcast_in_dim3A_98 : vector<1x64xf32>
      %swap3A_100 = arith.constant 0 : index
      %swap3A_101 = arith.constant 0 : index
      %swap3A_102 = vector.load %arg12[%swap3A_100, %swap3A_101] : memref<2x64xf32, #tpu.memory_space<vmem>>, vector<1x64xf32>
      tpu.vector_store %arg12[%swap3A_100, %swap3A_101], %add3A_99 {strides = array<i32>} : memref<2x64xf32, #tpu.memory_space<vmem>>, vector<1x64xf32>,
      %get3A_103 = arith.constant 1 : index
      %get3A_104 = arith.constant 0 : index
      %get3A_105 = vector.load %arg12[%get3A_103, %get3A_104] : memref<2x64xf32, #tpu.memory_space<vmem>>, vector<1x64xf32>
      %mul3A_106 = arith.mulf %reshape3A_93, %reshape3A_93 : vector<10240x64xf32>
      %reduce_sum3A_107 = arith.constant dense<0.000000e+00> : vector<64xf32>
      %reduce_sum3A_108 = vector.multi_reduction <add>, %mul3A_106, %reduce_sum3A_107 [0] : vector<10240x64xf32> to vector<64xf32>
      %broadcast_in_dim3A_109 = vector.shape_cast %reduce_sum3A_108 : vector<64xf32> to vector<1x64xf32>
      %add3A_110 = arith.addf %get3A_105, %broadcast_in_dim3A_109 : vector<1x64xf32>
      %swap3A_111 = arith.constant 1 : index
      %swap3A_112 = arith.constant 0 : index
      %swap3A_113 = vector.load %arg12[%swap3A_111, %swap3A_112] : memref<2x64xf32, #tpu.memory_space<vmem>>, vector<1x64xf32>
      tpu.vector_store %arg12[%swap3A_111, %swap3A_112], %add3A_110 {strides = array<i32>} : memref<2x64xf32, #tpu.memory_space<vmem>>, vector<1x64xf32>,
    } else {
    }
    return
  }
  func.func @transform_0(%arg0: i32, %arg1: i32, %arg2: i32) -> (i32, i32, i32, i32) {
    %c0_i32 = arith.constant 0 : i32
    %c0_i32_0 = arith.constant 0 : i32
    %c0_i32_1 = arith.constant 0 : i32
    return %arg1, %c0_i32, %arg2, %c0_i32_0 : i32, i32, i32, i32
  }
  func.func @transform_1(%arg0: i32, %arg1: i32, %arg2: i32) -> (i32, i32, i32) {
    %c0_i32 = arith.constant 0 : i32
    %c0_i32_0 = arith.constant 0 : i32
    return %arg1, %arg2, %c0_i32 : i32, i32, i32
  }
  func.func @transform_2(%arg0: i32, %arg1: i32, %arg2: i32) -> (i32, i32) {
    %c0_i32 = arith.constant 0 : i32
    %c0_i32_0 = arith.constant 0 : i32
    %c0_i32_1 = arith.constant 0 : i32
    return %c0_i32, %c0_i32_0 : i32, i32
  }
  func.func @transform_3(%arg0: i32, %arg1: i32, %arg2: i32) -> (i32, i32) {
    %c0_i32 = arith.constant 0 : i32
    %c0_i32_0 = arith.constant 0 : i32
    %c0_i32_1 = arith.constant 0 : i32
    return %c0_i32, %c0_i32_0 : i32, i32
  }
  func.func @transform_4(%arg0: i32, %arg1: i32, %arg2: i32) -> (i32, i32) {
    %c0_i32 = arith.constant 0 : i32
    %c0_i32_0 = arith.constant 0 : i32
    %c0_i32_1 = arith.constant 0 : i32
    return %c0_i32, %c0_i32_0 : i32, i32
  }
  func.func @transform_5(%arg0: i32, %arg1: i32, %arg2: i32) -> (i32, i32) {
    %c0_i32 = arith.constant 0 : i32
    %c0_i32_0 = arith.constant 0 : i32
    %c0_i32_1 = arith.constant 0 : i32
    return %c0_i32, %c0_i32_0 : i32, i32
  }
  func.func @transform_6(%arg0: i32, %arg1: i32, %arg2: i32) -> (i32, i32, i32) {
    %c0_i32 = arith.constant 0 : i32
    %c0_i32_0 = arith.constant 0 : i32
    return %arg1, %arg2, %c0_i32 : i32, i32, i32
  }
  func.func @transform_7(%arg0: i32, %arg1: i32, %arg2: i32) -> (i32, i32, i32) {
    %c0_i32 = arith.constant 0 : i32
    %c0_i32_0 = arith.constant 0 : i32
    return %arg1, %arg2, %c0_i32 : i32, i32, i32
  }
  func.func @transform_8(%arg0: i32, %arg1: i32, %arg2: i32) -> (i32, i32) {
    %c0_i32 = arith.constant 0 : i32
    %c0_i32_0 = arith.constant 0 : i32
    %c0_i32_1 = arith.constant 0 : i32
    return %c0_i32, %c0_i32_0 : i32, i32
  }
  func.func @transform_9(%arg0: i32, %arg1: i32, %arg2: i32) -> (i32, i32) {
    %c0_i32 = arith.constant 0 : i32
    %c0_i32_0 = arith.constant 0 : i32
    %c0_i32_1 = arith.constant 0 : i32
    return %c0_i32, %c0_i32_0 : i32, i32
  }
}

module attributes {stable_mosaic.version = 14 : i64} {
  func.func @_local_body(%arg0: i32, %arg1: i32, %arg2: memref<1x512x64xf32, #tpu.memory_space<vmem>>, %arg3: memref<1x512x64xf32, #tpu.memory_space<vmem>>, %arg4: memref<2x64xf32, #tpu.memory_space<vmem>>, %arg5: memref<1x64xf32, #tpu.memory_space<vmem>>, %arg6: memref<1x64xf32, #tpu.memory_space<vmem>>, %arg7: memref<1x512x64xf32, #tpu.memory_space<vmem>>, %arg8: memref<1x512x64xf32, #tpu.memory_space<vmem>>, %arg9: memref<1024x192xf32, #tpu.memory_space<vmem>>, %arg10: memref<1x512x64xf32, #tpu.memory_space<vmem>>, %arg11: memref<1x2x1024xf32, #tpu.memory_space<vmem>>, %arg12: memref<2x1024xf32, #tpu.memory_space<vmem>>) attributes {dimension_semantics = [#tpu.dimension_semantics<arbitrary>, #tpu.dimension_semantics<arbitrary>], iteration_bounds = array<i64: 4, 8>, scalar_prefetch = 0 : i64, scratch_operands = 0 : i64, tpu.core_type = #tpu.core_type<tc>, window_params = [{transform_indices = @transform_0, window_bounds = array<i64: 1, 512, 64>}, {transform_indices = @transform_1, window_bounds = array<i64: 1, 512, 64>}, {pipeline_mode = #tpu.pipeline_mode<synchronous>, transform_indices = @transform_2, window_bounds = array<i64: 2, 64>}, {pipeline_mode = #tpu.pipeline_mode<synchronous>, transform_indices = @transform_3, window_bounds = array<i64: 1, 64>}, {pipeline_mode = #tpu.pipeline_mode<synchronous>, transform_indices = @transform_4, window_bounds = array<i64: 1, 64>}, {transform_indices = @transform_5, window_bounds = array<i64: 1, 512, 64>}, {transform_indices = @transform_6, window_bounds = array<i64: 1, 512, 64>}, {pipeline_mode = #tpu.pipeline_mode<synchronous>, transform_indices = @transform_7, window_bounds = array<i64: 1024, 192>}, {transform_indices = @transform_8, window_bounds = array<i64: 1, 512, 64>}, {transform_indices = @transform_9, window_bounds = array<i64: 1, 2, 1024>}, {pipeline_mode = #tpu.pipeline_mode<synchronous>, transform_indices = @transform_10, window_bounds = array<i64: 2, 1024>}]} {
    %get3A = arith.constant 0 : index
    %get3A_0 = arith.constant 0 : index
    %get3A_1 = vector.load %arg4[%get3A, %get3A_0] : memref<2x64xf32, #tpu.memory_space<vmem>>, vector<2x64xf32>
    %get3A_2 = arith.constant 0 : index
    %get3A_3 = arith.constant 0 : index
    %get3A_4 = vector.load %arg5[%get3A_2, %get3A_3] : memref<1x64xf32, #tpu.memory_space<vmem>>, vector<1x64xf32>
    %get3A_5 = arith.constant 0 : index
    %get3A_6 = arith.constant 0 : index
    %get3A_7 = vector.load %arg6[%get3A_5, %get3A_6] : memref<1x64xf32, #tpu.memory_space<vmem>>, vector<1x64xf32>
    %slice3A = vector.extract_strided_slice %get3A_1 {offsets = [0, 0], sizes = [1, 64], strides = [1, 1]} : vector<2x64xf32> to vector<1x64xf32>
    %div3A = arith.constant 3.276800e+05 : f32
    %div3A_8 = vector.broadcast %div3A : f32 to vector<1x64xf32>
    %div3A_9 = arith.divf %slice3A, %div3A_8 : vector<1x64xf32>
    %slice3A_10 = vector.extract_strided_slice %get3A_1 {offsets = [1, 0], sizes = [1, 64], strides = [1, 1]} : vector<2x64xf32> to vector<1x64xf32>
    %div3A_11 = arith.constant 3.276800e+05 : f32
    %div3A_12 = vector.broadcast %div3A_11 : f32 to vector<1x64xf32>
    %div3A_13 = arith.divf %slice3A_10, %div3A_12 : vector<1x64xf32>
    %mul3A = arith.mulf %div3A_9, %div3A_9 : vector<1x64xf32>
    %sub3A = arith.subf %div3A_13, %mul3A : vector<1x64xf32>
    %add3A = arith.constant 9.99999974E-6 : f32
    %add3A_14 = vector.broadcast %add3A : f32 to vector<1x64xf32>
    %add3A_15 = arith.addf %sub3A, %add3A_14 : vector<1x64xf32>
    %rsqrt3A = math.rsqrt %add3A_15 : vector<1x64xf32>
    %mul3A_16 = arith.mulf %get3A_4, %rsqrt3A : vector<1x64xf32>
    %mul3A_17 = arith.mulf %mul3A_16, %div3A_9 : vector<1x64xf32>
    %sub3A_18 = arith.subf %get3A_7, %mul3A_17 : vector<1x64xf32>
    %ge3A = arith.constant 0.000000e+00 : f32
    %ge3A_19 = vector.broadcast %ge3A : f32 to vector<1x64xf32>
    %ge3A_20 = arith.cmpf oge, %mul3A_16, %ge3A_19 : vector<1x64xf32>
    %get3A_21 = arith.constant 0 : index
    %get3A_22 = arith.constant 0 : index
    %get3A_23 = arith.constant 0 : index
    %get3A_24 = vector.load %arg2[%get3A_21, %get3A_22, %get3A_23] : memref<1x512x64xf32, #tpu.memory_space<vmem>>, vector<1x512x64xf32>
    %get3A_25 = vector.shape_cast %get3A_24 : vector<1x512x64xf32> to vector<512x64xf32>
    %get3A_26 = arith.constant 0 : index
    %get3A_27 = arith.constant 0 : index
    %get3A_28 = arith.constant 0 : index
    %get3A_29 = vector.load %arg3[%get3A_26, %get3A_27, %get3A_28] : memref<1x512x64xf32, #tpu.memory_space<vmem>>, vector<1x512x64xf32>
    %get3A_30 = vector.shape_cast %get3A_29 : vector<1x512x64xf32> to vector<512x64xf32>
    %broadcast_in_dim3A = vector.shape_cast %ge3A_20 : vector<1x64xi1> to vector<1x64xi1>
    %broadcast_in_dim3A_31 = vector.broadcast %broadcast_in_dim3A : vector<1x64xi1> to vector<512x64xi1>
    %select_n3A = arith.select %broadcast_in_dim3A_31, %get3A_25, %get3A_30 : vector<512x64xi1>, vector<512x64xf32>
    %mul3A_32 = vector.broadcast %mul3A_16 : vector<1x64xf32> to vector<512x64xf32>
    %mul3A_33 = arith.mulf %select_n3A, %mul3A_32 : vector<512x64xf32>
    %add3A_34 = vector.broadcast %sub3A_18 : vector<1x64xf32> to vector<512x64xf32>
    %add3A_35 = arith.addf %mul3A_33, %add3A_34 : vector<512x64xf32>
    %max3A = arith.constant 0.000000e+00 : f32
    %max3A_36 = vector.broadcast %max3A : f32 to vector<512x64xf32>
    %max3A_37 = arith.maximumf %add3A_35, %max3A_36 : vector<512x64xf32>
    %swap3A = arith.constant 0 : index
    %swap3A_38 = arith.constant 0 : index
    %swap3A_39 = arith.constant 0 : index
    %swap3A_40 = vector.load %arg10[%swap3A, %swap3A_38, %swap3A_39] : memref<1x512x64xf32, #tpu.memory_space<vmem>>, vector<1x512x64xf32>
    %swap3A_41 = vector.shape_cast %swap3A_40 : vector<1x512x64xf32> to vector<512x64xf32>
    %swap3A_42 = vector.shape_cast %max3A_37 : vector<512x64xf32> to vector<1x512x64xf32>
    tpu.vector_store %arg10[%swap3A, %swap3A_38, %swap3A_39], %swap3A_42 {strides = array<i32>} : memref<1x512x64xf32, #tpu.memory_space<vmem>>, vector<1x512x64xf32>,
    %get3A_43 = arith.constant 0 : index
    %get3A_44 = arith.constant 0 : index
    %get3A_45 = arith.constant 0 : index
    %get3A_46 = vector.load %arg7[%get3A_43, %get3A_44, %get3A_45] : memref<1x512x64xf32, #tpu.memory_space<vmem>>, vector<1x512x64xf32>
    %get3A_47 = vector.shape_cast %get3A_46 : vector<1x512x64xf32> to vector<512x64xf32>
    %get3A_48 = arith.constant 0 : index
    %get3A_49 = arith.constant 0 : index
    %get3A_50 = vector.load %arg9[%get3A_48, %get3A_49] : memref<1024x192xf32, #tpu.memory_space<vmem>>, vector<1024x64xf32>
    %convert_element_type3A = arith.truncf %get3A_47 : vector<512x64xf32> to vector<512x64xbf16>
    %convert_element_type3A_51 = arith.truncf %get3A_50 : vector<1024x64xf32> to vector<1024x64xbf16>
    %dot_general3A = arith.constant dense<0.000000e+00> : vector<512x1024xf32>
    %dot_general3A_52 = tpu.matmul %convert_element_type3A, %convert_element_type3A_51, %dot_general3A {dimension_numbers = #tpu.dot_dimension_numbers<[1], [1], [0], [0], [0, 0, 1, 0], [], []>, transpose_lhs_hint = false} : vector<512x64xbf16>, vector<1024x64xbf16>, vector<512x1024xf32> -> vector<512x1024xf32>
    %get3A_53 = arith.constant 0 : index
    %get3A_54 = arith.constant 0 : index
    %get3A_55 = arith.constant 0 : index
    %get3A_56 = vector.load %arg8[%get3A_53, %get3A_54, %get3A_55] : memref<1x512x64xf32, #tpu.memory_space<vmem>>, vector<1x512x64xf32>
    %get3A_57 = vector.shape_cast %get3A_56 : vector<1x512x64xf32> to vector<512x64xf32>
    %get3A_58 = arith.constant 0 : index
    %get3A_59 = arith.constant 64 : index
    %get3A_60 = vector.load %arg9[%get3A_58, %get3A_59] : memref<1024x192xf32, #tpu.memory_space<vmem>>, vector<1024x64xf32>
    %convert_element_type3A_61 = arith.truncf %get3A_57 : vector<512x64xf32> to vector<512x64xbf16>
    %convert_element_type3A_62 = arith.truncf %get3A_60 : vector<1024x64xf32> to vector<1024x64xbf16>
    %dot_general3A_63 = arith.constant dense<0.000000e+00> : vector<512x1024xf32>
    %dot_general3A_64 = tpu.matmul %convert_element_type3A_61, %convert_element_type3A_62, %dot_general3A_63 {dimension_numbers = #tpu.dot_dimension_numbers<[1], [1], [0], [0], [0, 0, 1, 0], [], []>, transpose_lhs_hint = false} : vector<512x64xbf16>, vector<1024x64xbf16>, vector<512x1024xf32> -> vector<512x1024xf32>
    %add3A_65 = arith.addf %dot_general3A_52, %dot_general3A_64 : vector<512x1024xf32>
    %get3A_66 = arith.constant 0 : index
    %get3A_67 = arith.constant 128 : index
    %get3A_68 = vector.load %arg9[%get3A_66, %get3A_67] : memref<1024x192xf32, #tpu.memory_space<vmem>>, vector<1024x64xf32>
    %convert_element_type3A_69 = arith.truncf %max3A_37 : vector<512x64xf32> to vector<512x64xbf16>
    %convert_element_type3A_70 = arith.truncf %get3A_68 : vector<1024x64xf32> to vector<1024x64xbf16>
    %dot_general3A_71 = arith.constant dense<0.000000e+00> : vector<512x1024xf32>
    %dot_general3A_72 = tpu.matmul %convert_element_type3A_69, %convert_element_type3A_70, %dot_general3A_71 {dimension_numbers = #tpu.dot_dimension_numbers<[1], [1], [0], [0], [0, 0, 1, 0], [], []>, transpose_lhs_hint = false} : vector<512x64xbf16>, vector<1024x64xbf16>, vector<512x1024xf32> -> vector<512x1024xf32>
    %add3A_73 = arith.addf %add3A_65, %dot_general3A_72 : vector<512x1024xf32>
    %reduce_max3A = arith.constant dense<0xFF800000> : vector<1024xf32>
    %reduce_max3A_74 = vector.multi_reduction <maximumf>, %add3A_73, %reduce_max3A [0] : vector<512x1024xf32> to vector<1024xf32>
    %broadcast_in_dim3A_75 = vector.shape_cast %reduce_max3A_74 : vector<1024xf32> to vector<1x1024xf32>
    %reduce_min3A = arith.constant dense<0x7F800000> : vector<1024xf32>
    %reduce_min3A_76 = vector.multi_reduction <minimumf>, %add3A_73, %reduce_min3A [0] : vector<512x1024xf32> to vector<1024xf32>
    %broadcast_in_dim3A_77 = vector.shape_cast %reduce_min3A_76 : vector<1024xf32> to vector<1x1024xf32>
    %eq3A = arith.constant 0 : i32
    %eq3A_78 = arith.cmpi eq, %arg1, %eq3A : i32
    %convert_element_type3A_79 = arith.extui %eq3A_78 : i1 to i32
    %cond3A = arith.constant 0 : i32
    %cond3A_80 = arith.cmpi ne, %convert_element_type3A_79, %cond3A : i32
    scf.if %cond3A_80 {
      %swap3A_112 = arith.constant 0 : index
      %swap3A_113 = arith.constant 0 : index
      %swap3A_114 = arith.constant 0 : index
      %swap3A_115 = vector.load %arg11[%swap3A_112, %swap3A_113, %swap3A_114] : memref<1x2x1024xf32, #tpu.memory_space<vmem>>, vector<1x1x1024xf32>
      %swap3A_116 = vector.shape_cast %swap3A_115 : vector<1x1x1024xf32> to vector<1x1024xf32>
      %swap3A_117 = vector.shape_cast %broadcast_in_dim3A_75 : vector<1x1024xf32> to vector<1x1x1024xf32>
      tpu.vector_store %arg11[%swap3A_112, %swap3A_113, %swap3A_114], %swap3A_117 {strides = array<i32>} : memref<1x2x1024xf32, #tpu.memory_space<vmem>>, vector<1x1x1024xf32>,
      %swap3A_118 = arith.constant 0 : index
      %swap3A_119 = arith.constant 1 : index
      %swap3A_120 = arith.constant 0 : index
      %swap3A_121 = vector.load %arg11[%swap3A_118, %swap3A_119, %swap3A_120] : memref<1x2x1024xf32, #tpu.memory_space<vmem>>, vector<1x1x1024xf32>
      %swap3A_122 = vector.shape_cast %swap3A_121 : vector<1x1x1024xf32> to vector<1x1024xf32>
      %swap3A_123 = vector.shape_cast %broadcast_in_dim3A_77 : vector<1x1024xf32> to vector<1x1x1024xf32>
      tpu.vector_store %arg11[%swap3A_118, %swap3A_119, %swap3A_120], %swap3A_123 {strides = array<i32>} : memref<1x2x1024xf32, #tpu.memory_space<vmem>>, vector<1x1x1024xf32>,
    } else {
    }
    %ne3A = arith.constant 0 : i32
    %ne3A_81 = arith.cmpi ne, %arg1, %ne3A : i32
    %convert_element_type3A_82 = arith.extui %ne3A_81 : i1 to i32
    %cond3A_83 = arith.constant 0 : i32
    %cond3A_84 = arith.cmpi ne, %convert_element_type3A_82, %cond3A_83 : i32
    scf.if %cond3A_84 {
      %get3A_112 = arith.constant 0 : index
      %get3A_113 = arith.constant 0 : index
      %get3A_114 = arith.constant 0 : index
      %get3A_115 = vector.load %arg11[%get3A_112, %get3A_113, %get3A_114] : memref<1x2x1024xf32, #tpu.memory_space<vmem>>, vector<1x1x1024xf32>
      %get3A_116 = vector.shape_cast %get3A_115 : vector<1x1x1024xf32> to vector<1x1024xf32>
      %max3A_117 = arith.maximumf %get3A_116, %broadcast_in_dim3A_75 : vector<1x1024xf32>
      %swap3A_118 = arith.constant 0 : index
      %swap3A_119 = arith.constant 0 : index
      %swap3A_120 = arith.constant 0 : index
      %swap3A_121 = vector.load %arg11[%swap3A_118, %swap3A_119, %swap3A_120] : memref<1x2x1024xf32, #tpu.memory_space<vmem>>, vector<1x1x1024xf32>
      %swap3A_122 = vector.shape_cast %swap3A_121 : vector<1x1x1024xf32> to vector<1x1024xf32>
      %swap3A_123 = vector.shape_cast %max3A_117 : vector<1x1024xf32> to vector<1x1x1024xf32>
      tpu.vector_store %arg11[%swap3A_118, %swap3A_119, %swap3A_120], %swap3A_123 {strides = array<i32>} : memref<1x2x1024xf32, #tpu.memory_space<vmem>>, vector<1x1x1024xf32>,
      %get3A_124 = arith.constant 0 : index
      %get3A_125 = arith.constant 1 : index
      %get3A_126 = arith.constant 0 : index
      %get3A_127 = vector.load %arg11[%get3A_124, %get3A_125, %get3A_126] : memref<1x2x1024xf32, #tpu.memory_space<vmem>>, vector<1x1x1024xf32>
      %get3A_128 = vector.shape_cast %get3A_127 : vector<1x1x1024xf32> to vector<1x1024xf32>
      %min3A = arith.minimumf %get3A_128, %broadcast_in_dim3A_77 : vector<1x1024xf32>
      %swap3A_129 = arith.constant 0 : index
      %swap3A_130 = arith.constant 1 : index
      %swap3A_131 = arith.constant 0 : index
      %swap3A_132 = vector.load %arg11[%swap3A_129, %swap3A_130, %swap3A_131] : memref<1x2x1024xf32, #tpu.memory_space<vmem>>, vector<1x1x1024xf32>
      %swap3A_133 = vector.shape_cast %swap3A_132 : vector<1x1x1024xf32> to vector<1x1024xf32>
      %swap3A_134 = vector.shape_cast %min3A : vector<1x1024xf32> to vector<1x1x1024xf32>
      tpu.vector_store %arg11[%swap3A_129, %swap3A_130, %swap3A_131], %swap3A_134 {strides = array<i32>} : memref<1x2x1024xf32, #tpu.memory_space<vmem>>, vector<1x1x1024xf32>,
    } else {
    }
    %eq3A_85 = arith.constant 0 : i32
    %eq3A_86 = arith.cmpi eq, %arg0, %eq3A_85 : i32
    %eq3A_87 = arith.constant 0 : i32
    %eq3A_88 = arith.cmpi eq, %arg1, %eq3A_87 : i32
    %and3A = arith.andi %eq3A_86, %eq3A_88 : i1
    %convert_element_type3A_89 = arith.extui %and3A : i1 to i32
    %cond3A_90 = arith.constant 0 : i32
    %cond3A_91 = arith.cmpi ne, %convert_element_type3A_89, %cond3A_90 : i32
    scf.if %cond3A_91 {
      %broadcast_in_dim3A_112 = arith.constant 0.000000e+00 : f32
      %broadcast_in_dim3A_113 = vector.broadcast %broadcast_in_dim3A_112 : f32 to vector<2x1024xf32>
      %swap3A_114 = arith.constant 0 : index
      %swap3A_115 = arith.constant 0 : index
      %swap3A_116 = vector.load %arg12[%swap3A_114, %swap3A_115] : memref<2x1024xf32, #tpu.memory_space<vmem>>, vector<2x1024xf32>
      tpu.vector_store %arg12[%swap3A_114, %swap3A_115], %broadcast_in_dim3A_113 {strides = array<i32>} : memref<2x1024xf32, #tpu.memory_space<vmem>>, vector<2x1024xf32>,
    } else {
    }
    %get3A_92 = arith.constant 0 : index
    %get3A_93 = arith.constant 0 : index
    %get3A_94 = vector.load %arg12[%get3A_92, %get3A_93] : memref<2x1024xf32, #tpu.memory_space<vmem>>, vector<1x1024xf32>
    %reduce_sum3A = arith.constant dense<0.000000e+00> : vector<1024xf32>
    %reduce_sum3A_95 = vector.multi_reduction <add>, %add3A_73, %reduce_sum3A [0] : vector<512x1024xf32> to vector<1024xf32>
    %broadcast_in_dim3A_96 = vector.shape_cast %reduce_sum3A_95 : vector<1024xf32> to vector<1x1024xf32>
    %add3A_97 = arith.addf %get3A_94, %broadcast_in_dim3A_96 : vector<1x1024xf32>
    %swap3A_98 = arith.constant 0 : index
    %swap3A_99 = arith.constant 0 : index
    %swap3A_100 = vector.load %arg12[%swap3A_98, %swap3A_99] : memref<2x1024xf32, #tpu.memory_space<vmem>>, vector<1x1024xf32>
    tpu.vector_store %arg12[%swap3A_98, %swap3A_99], %add3A_97 {strides = array<i32>} : memref<2x1024xf32, #tpu.memory_space<vmem>>, vector<1x1024xf32>,
    %get3A_101 = arith.constant 1 : index
    %get3A_102 = arith.constant 0 : index
    %get3A_103 = vector.load %arg12[%get3A_101, %get3A_102] : memref<2x1024xf32, #tpu.memory_space<vmem>>, vector<1x1024xf32>
    %mul3A_104 = arith.mulf %add3A_73, %add3A_73 : vector<512x1024xf32>
    %reduce_sum3A_105 = arith.constant dense<0.000000e+00> : vector<1024xf32>
    %reduce_sum3A_106 = vector.multi_reduction <add>, %mul3A_104, %reduce_sum3A_105 [0] : vector<512x1024xf32> to vector<1024xf32>
    %broadcast_in_dim3A_107 = vector.shape_cast %reduce_sum3A_106 : vector<1024xf32> to vector<1x1024xf32>
    %add3A_108 = arith.addf %get3A_103, %broadcast_in_dim3A_107 : vector<1x1024xf32>
    %swap3A_109 = arith.constant 1 : index
    %swap3A_110 = arith.constant 0 : index
    %swap3A_111 = vector.load %arg12[%swap3A_109, %swap3A_110] : memref<2x1024xf32, #tpu.memory_space<vmem>>, vector<1x1024xf32>
    tpu.vector_store %arg12[%swap3A_109, %swap3A_110], %add3A_108 {strides = array<i32>} : memref<2x1024xf32, #tpu.memory_space<vmem>>, vector<1x1024xf32>,
    return
  }
  func.func @transform_0(%arg0: i32, %arg1: i32) -> (i32, i32, i32) {
    %c0_i32 = arith.constant 0 : i32
    %c0_i32_0 = arith.constant 0 : i32
    return %arg0, %arg1, %c0_i32 : i32, i32, i32
  }
  func.func @transform_1(%arg0: i32, %arg1: i32) -> (i32, i32, i32) {
    %c0_i32 = arith.constant 0 : i32
    %c0_i32_0 = arith.constant 0 : i32
    return %arg0, %arg1, %c0_i32 : i32, i32, i32
  }
  func.func @transform_2(%arg0: i32, %arg1: i32) -> (i32, i32) {
    %c0_i32 = arith.constant 0 : i32
    %c0_i32_0 = arith.constant 0 : i32
    %c0_i32_1 = arith.constant 0 : i32
    return %c0_i32, %c0_i32_0 : i32, i32
  }
  func.func @transform_3(%arg0: i32, %arg1: i32) -> (i32, i32) {
    %c0_i32 = arith.constant 0 : i32
    %c0_i32_0 = arith.constant 0 : i32
    %c0_i32_1 = arith.constant 0 : i32
    return %c0_i32, %c0_i32_0 : i32, i32
  }
  func.func @transform_4(%arg0: i32, %arg1: i32) -> (i32, i32) {
    %c0_i32 = arith.constant 0 : i32
    %c0_i32_0 = arith.constant 0 : i32
    %c0_i32_1 = arith.constant 0 : i32
    return %c0_i32, %c0_i32_0 : i32, i32
  }
  func.func @transform_5(%arg0: i32, %arg1: i32) -> (i32, i32, i32) {
    %c0_i32 = arith.constant 0 : i32
    %c0_i32_0 = arith.constant 0 : i32
    return %arg0, %arg1, %c0_i32 : i32, i32, i32
  }
  func.func @transform_6(%arg0: i32, %arg1: i32) -> (i32, i32, i32) {
    %c0_i32 = arith.constant 0 : i32
    %c0_i32_0 = arith.constant 0 : i32
    return %arg0, %arg1, %c0_i32 : i32, i32, i32
  }
  func.func @transform_7(%arg0: i32, %arg1: i32) -> (i32, i32) {
    %c0_i32 = arith.constant 0 : i32
    %c0_i32_0 = arith.constant 0 : i32
    %c0_i32_1 = arith.constant 0 : i32
    return %c0_i32, %c0_i32_0 : i32, i32
  }
  func.func @transform_8(%arg0: i32, %arg1: i32) -> (i32, i32, i32) {
    %c0_i32 = arith.constant 0 : i32
    %c0_i32_0 = arith.constant 0 : i32
    return %arg0, %arg1, %c0_i32 : i32, i32, i32
  }
  func.func @transform_9(%arg0: i32, %arg1: i32) -> (i32, i32, i32) {
    %c0_i32 = arith.constant 0 : i32
    %c0_i32_0 = arith.constant 0 : i32
    %c0_i32_1 = arith.constant 0 : i32
    return %arg0, %c0_i32, %c0_i32_0 : i32, i32, i32
  }
  func.func @transform_10(%arg0: i32, %arg1: i32) -> (i32, i32) {
    %c0_i32 = arith.constant 0 : i32
    %c0_i32_0 = arith.constant 0 : i32
    %c0_i32_1 = arith.constant 0 : i32
    return %c0_i32, %c0_i32_0 : i32, i32
  }
}

module attributes {stable_mosaic.version = 14 : i64} {
  func.func @_zvec_body(%arg0: i32, %arg1: memref<1x2x1024xf32, #tpu.memory_space<vmem>>, %arg2: memref<2x1024xf32, #tpu.memory_space<vmem>>, %arg3: memref<1x1024xf32, #tpu.memory_space<vmem>>, %arg4: memref<1x1024xf32, #tpu.memory_space<vmem>>, %arg5: memref<512x1216xf32, #tpu.memory_space<vmem>>, %arg6: memref<1x1x512xf32, #tpu.memory_space<vmem>>) attributes {dimension_semantics = [#tpu.dimension_semantics<arbitrary>], iteration_bounds = array<i64: 4>, scalar_prefetch = 0 : i64, scratch_operands = 0 : i64, tpu.core_type = #tpu.core_type<tc>, window_params = [{transform_indices = @transform_0, window_bounds = array<i64: 1, 2, 1024>}, {pipeline_mode = #tpu.pipeline_mode<synchronous>, transform_indices = @transform_1, window_bounds = array<i64: 2, 1024>}, {pipeline_mode = #tpu.pipeline_mode<synchronous>, transform_indices = @transform_2, window_bounds = array<i64: 1, 1024>}, {pipeline_mode = #tpu.pipeline_mode<synchronous>, transform_indices = @transform_3, window_bounds = array<i64: 1, 1024>}, {pipeline_mode = #tpu.pipeline_mode<synchronous>, transform_indices = @transform_4, window_bounds = array<i64: 512, 1216>}, {transform_indices = @transform_5, window_bounds = array<i64: 1, 1, 512>}]} {
    %get3A = arith.constant 0 : index
    %get3A_0 = arith.constant 0 : index
    %get3A_1 = vector.load %arg2[%get3A, %get3A_0] : memref<2x1024xf32, #tpu.memory_space<vmem>>, vector<2x1024xf32>
    %get3A_2 = arith.constant 0 : index
    %get3A_3 = arith.constant 0 : index
    %get3A_4 = vector.load %arg3[%get3A_2, %get3A_3] : memref<1x1024xf32, #tpu.memory_space<vmem>>, vector<1x1024xf32>
    %get3A_5 = arith.constant 0 : index
    %get3A_6 = arith.constant 0 : index
    %get3A_7 = vector.load %arg4[%get3A_5, %get3A_6] : memref<1x1024xf32, #tpu.memory_space<vmem>>, vector<1x1024xf32>
    %slice3A = vector.extract_strided_slice %get3A_1 {offsets = [0, 0], sizes = [1, 1024], strides = [1, 1]} : vector<2x1024xf32> to vector<1x1024xf32>
    %div3A = arith.constant 1.638400e+04 : f32
    %div3A_8 = vector.broadcast %div3A : f32 to vector<1x1024xf32>
    %div3A_9 = arith.divf %slice3A, %div3A_8 : vector<1x1024xf32>
    %slice3A_10 = vector.extract_strided_slice %get3A_1 {offsets = [1, 0], sizes = [1, 1024], strides = [1, 1]} : vector<2x1024xf32> to vector<1x1024xf32>
    %div3A_11 = arith.constant 1.638400e+04 : f32
    %div3A_12 = vector.broadcast %div3A_11 : f32 to vector<1x1024xf32>
    %div3A_13 = arith.divf %slice3A_10, %div3A_12 : vector<1x1024xf32>
    %mul3A = arith.mulf %div3A_9, %div3A_9 : vector<1x1024xf32>
    %sub3A = arith.subf %div3A_13, %mul3A : vector<1x1024xf32>
    %add3A = arith.constant 9.99999974E-6 : f32
    %add3A_14 = vector.broadcast %add3A : f32 to vector<1x1024xf32>
    %add3A_15 = arith.addf %sub3A, %add3A_14 : vector<1x1024xf32>
    %rsqrt3A = math.rsqrt %add3A_15 : vector<1x1024xf32>
    %mul3A_16 = arith.mulf %get3A_4, %rsqrt3A : vector<1x1024xf32>
    %mul3A_17 = arith.mulf %mul3A_16, %div3A_9 : vector<1x1024xf32>
    %sub3A_18 = arith.subf %get3A_7, %mul3A_17 : vector<1x1024xf32>
    %ge3A = arith.constant 0.000000e+00 : f32
    %ge3A_19 = vector.broadcast %ge3A : f32 to vector<1x1024xf32>
    %ge3A_20 = arith.cmpf oge, %mul3A_16, %ge3A_19 : vector<1x1024xf32>
    %get3A_21 = arith.constant 0 : index
    %get3A_22 = arith.constant 0 : index
    %get3A_23 = arith.constant 0 : index
    %get3A_24 = vector.load %arg1[%get3A_21, %get3A_22, %get3A_23] : memref<1x2x1024xf32, #tpu.memory_space<vmem>>, vector<1x1x1024xf32>
    %get3A_25 = vector.shape_cast %get3A_24 : vector<1x1x1024xf32> to vector<1x1024xf32>
    %get3A_26 = arith.constant 0 : index
    %get3A_27 = arith.constant 1 : index
    %get3A_28 = arith.constant 0 : index
    %get3A_29 = vector.load %arg1[%get3A_26, %get3A_27, %get3A_28] : memref<1x2x1024xf32, #tpu.memory_space<vmem>>, vector<1x1x1024xf32>
    %get3A_30 = vector.shape_cast %get3A_29 : vector<1x1x1024xf32> to vector<1x1024xf32>
    %select_n3A = arith.select %ge3A_20, %get3A_25, %get3A_30 : vector<1x1024xi1>, vector<1x1024xf32>
    %mul3A_31 = arith.mulf %select_n3A, %mul3A_16 : vector<1x1024xf32>
    %add3A_32 = arith.addf %mul3A_31, %sub3A_18 : vector<1x1024xf32>
    %max3A = arith.constant 0.000000e+00 : f32
    %max3A_33 = vector.broadcast %max3A : f32 to vector<1x1024xf32>
    %max3A_34 = arith.maximumf %add3A_32, %max3A_33 : vector<1x1024xf32>
    %get3A_35 = arith.constant 0 : index
    %get3A_36 = arith.constant 0 : index
    %get3A_37 = vector.load %arg5[%get3A_35, %get3A_36] : memref<512x1216xf32, #tpu.memory_space<vmem>>, vector<512x1024xf32>
    %convert_element_type3A = arith.truncf %max3A_34 : vector<1x1024xf32> to vector<1x1024xbf16>
    %convert_element_type3A_38 = arith.truncf %get3A_37 : vector<512x1024xf32> to vector<512x1024xbf16>
    %dot_general3A = arith.constant dense<0.000000e+00> : vector<1x512xf32>
    %dot_general3A_39 = tpu.matmul %convert_element_type3A, %convert_element_type3A_38, %dot_general3A {dimension_numbers = #tpu.dot_dimension_numbers<[1], [1], [0], [0], [0, 0, 1, 0], [], []>, transpose_lhs_hint = false} : vector<1x1024xbf16>, vector<512x1024xbf16>, vector<1x512xf32> -> vector<1x512xf32>
    %swap3A = arith.constant 0 : index
    %swap3A_40 = arith.constant 0 : index
    %swap3A_41 = arith.constant 0 : index
    %swap3A_42 = vector.load %arg6[%swap3A, %swap3A_40, %swap3A_41] : memref<1x1x512xf32, #tpu.memory_space<vmem>>, vector<1x1x512xf32>
    %swap3A_43 = vector.shape_cast %swap3A_42 : vector<1x1x512xf32> to vector<1x512xf32>
    %swap3A_44 = vector.shape_cast %dot_general3A_39 : vector<1x512xf32> to vector<1x1x512xf32>
    tpu.vector_store %arg6[%swap3A, %swap3A_40, %swap3A_41], %swap3A_44 {strides = array<i32>} : memref<1x1x512xf32, #tpu.memory_space<vmem>>, vector<1x1x512xf32>,
    return
  }
  func.func @transform_0(%arg0: i32) -> (i32, i32, i32) {
    %c0_i32 = arith.constant 0 : i32
    %c0_i32_0 = arith.constant 0 : i32
    %c0_i32_1 = arith.constant 0 : i32
    return %arg0, %c0_i32, %c0_i32_0 : i32, i32, i32
  }
  func.func @transform_1(%arg0: i32) -> (i32, i32) {
    %c0_i32 = arith.constant 0 : i32
    %c0_i32_0 = arith.constant 0 : i32
    %c0_i32_1 = arith.constant 0 : i32
    return %c0_i32, %c0_i32_0 : i32, i32
  }
  func.func @transform_2(%arg0: i32) -> (i32, i32) {
    %c0_i32 = arith.constant 0 : i32
    %c0_i32_0 = arith.constant 0 : i32
    %c0_i32_1 = arith.constant 0 : i32
    return %c0_i32, %c0_i32_0 : i32, i32
  }
  func.func @transform_3(%arg0: i32) -> (i32, i32) {
    %c0_i32 = arith.constant 0 : i32
    %c0_i32_0 = arith.constant 0 : i32
    %c0_i32_1 = arith.constant 0 : i32
    return %c0_i32, %c0_i32_0 : i32, i32
  }
  func.func @transform_4(%arg0: i32) -> (i32, i32) {
    %c0_i32 = arith.constant 0 : i32
    %c0_i32_0 = arith.constant 0 : i32
    %c0_i32_1 = arith.constant 0 : i32
    return %c0_i32, %c0_i32_0 : i32, i32
  }
  func.func @transform_5(%arg0: i32) -> (i32, i32, i32) {
    %c0_i32 = arith.constant 0 : i32
    %c0_i32_0 = arith.constant 0 : i32
    %c0_i32_1 = arith.constant 0 : i32
    return %arg0, %c0_i32, %c0_i32_0 : i32, i32, i32
  }
}

module attributes {stable_mosaic.version = 14 : i64} {
  func.func @_y0_body(%arg0: i32, %arg1: i32, %arg2: memref<1x512x64xf32, #tpu.memory_space<vmem>>, %arg3: memref<1x512x64xf32, #tpu.memory_space<vmem>>, %arg4: memref<1x512x64xf32, #tpu.memory_space<vmem>>, %arg5: memref<1x1x512xf32, #tpu.memory_space<vmem>>, %arg6: memref<512x1216xf32, #tpu.memory_space<vmem>>, %arg7: memref<1x512x512xf32, #tpu.memory_space<vmem>>, %arg8: memref<2x512xf32, #tpu.memory_space<vmem>>) attributes {dimension_semantics = [#tpu.dimension_semantics<arbitrary>, #tpu.dimension_semantics<arbitrary>], iteration_bounds = array<i64: 4, 8>, scalar_prefetch = 0 : i64, scratch_operands = 0 : i64, tpu.core_type = #tpu.core_type<tc>, window_params = [{transform_indices = @transform_0, window_bounds = array<i64: 1, 512, 64>}, {transform_indices = @transform_1, window_bounds = array<i64: 1, 512, 64>}, {transform_indices = @transform_2, window_bounds = array<i64: 1, 512, 64>}, {transform_indices = @transform_3, window_bounds = array<i64: 1, 1, 512>}, {pipeline_mode = #tpu.pipeline_mode<synchronous>, transform_indices = @transform_4, window_bounds = array<i64: 512, 1216>}, {transform_indices = @transform_5, window_bounds = array<i64: 1, 512, 512>}, {pipeline_mode = #tpu.pipeline_mode<synchronous>, transform_indices = @transform_6, window_bounds = array<i64: 2, 512>}]} {
    %get3A = arith.constant 0 : index
    %get3A_0 = arith.constant 0 : index
    %get3A_1 = arith.constant 0 : index
    %get3A_2 = vector.load %arg2[%get3A, %get3A_0, %get3A_1] : memref<1x512x64xf32, #tpu.memory_space<vmem>>, vector<1x512x64xf32>
    %get3A_3 = vector.shape_cast %get3A_2 : vector<1x512x64xf32> to vector<512x64xf32>
    %get3A_4 = arith.constant 0 : index
    %get3A_5 = arith.constant 1024 : index
    %get3A_6 = vector.load %arg6[%get3A_4, %get3A_5] : memref<512x1216xf32, #tpu.memory_space<vmem>>, vector<512x64xf32>
    %convert_element_type3A = arith.truncf %get3A_3 : vector<512x64xf32> to vector<512x64xbf16>
    %convert_element_type3A_7 = arith.truncf %get3A_6 : vector<512x64xf32> to vector<512x64xbf16>
    %dot_general3A = arith.constant dense<0.000000e+00> : vector<512x512xf32>
    %dot_general3A_8 = tpu.matmul %convert_element_type3A, %convert_element_type3A_7, %dot_general3A {dimension_numbers = #tpu.dot_dimension_numbers<[1], [1], [0], [0], [0, 0, 1, 0], [], []>, transpose_lhs_hint = false} : vector<512x64xbf16>, vector<512x64xbf16>, vector<512x512xf32> -> vector<512x512xf32>
    %get3A_9 = arith.constant 0 : index
    %get3A_10 = arith.constant 0 : index
    %get3A_11 = arith.constant 0 : index
    %get3A_12 = vector.load %arg3[%get3A_9, %get3A_10, %get3A_11] : memref<1x512x64xf32, #tpu.memory_space<vmem>>, vector<1x512x64xf32>
    %get3A_13 = vector.shape_cast %get3A_12 : vector<1x512x64xf32> to vector<512x64xf32>
    %get3A_14 = arith.constant 0 : index
    %get3A_15 = arith.constant 1088 : index
    %get3A_16 = vector.load %arg6[%get3A_14, %get3A_15] : memref<512x1216xf32, #tpu.memory_space<vmem>>, vector<512x64xf32>
    %convert_element_type3A_17 = arith.truncf %get3A_13 : vector<512x64xf32> to vector<512x64xbf16>
    %convert_element_type3A_18 = arith.truncf %get3A_16 : vector<512x64xf32> to vector<512x64xbf16>
    %dot_general3A_19 = arith.constant dense<0.000000e+00> : vector<512x512xf32>
    %dot_general3A_20 = tpu.matmul %convert_element_type3A_17, %convert_element_type3A_18, %dot_general3A_19 {dimension_numbers = #tpu.dot_dimension_numbers<[1], [1], [0], [0], [0, 0, 1, 0], [], []>, transpose_lhs_hint = false} : vector<512x64xbf16>, vector<512x64xbf16>, vector<512x512xf32> -> vector<512x512xf32>
    %add3A = arith.addf %dot_general3A_8, %dot_general3A_20 : vector<512x512xf32>
    %get3A_21 = arith.constant 0 : index
    %get3A_22 = arith.constant 0 : index
    %get3A_23 = arith.constant 0 : index
    %get3A_24 = vector.load %arg4[%get3A_21, %get3A_22, %get3A_23] : memref<1x512x64xf32, #tpu.memory_space<vmem>>, vector<1x512x64xf32>
    %get3A_25 = vector.shape_cast %get3A_24 : vector<1x512x64xf32> to vector<512x64xf32>
    %get3A_26 = arith.constant 0 : index
    %get3A_27 = arith.constant 1152 : index
    %get3A_28 = vector.load %arg6[%get3A_26, %get3A_27] : memref<512x1216xf32, #tpu.memory_space<vmem>>, vector<512x64xf32>
    %convert_element_type3A_29 = arith.truncf %get3A_25 : vector<512x64xf32> to vector<512x64xbf16>
    %convert_element_type3A_30 = arith.truncf %get3A_28 : vector<512x64xf32> to vector<512x64xbf16>
    %dot_general3A_31 = arith.constant dense<0.000000e+00> : vector<512x512xf32>
    %dot_general3A_32 = tpu.matmul %convert_element_type3A_29, %convert_element_type3A_30, %dot_general3A_31 {dimension_numbers = #tpu.dot_dimension_numbers<[1], [1], [0], [0], [0, 0, 1, 0], [], []>, transpose_lhs_hint = false} : vector<512x64xbf16>, vector<512x64xbf16>, vector<512x512xf32> -> vector<512x512xf32>
    %add3A_33 = arith.addf %add3A, %dot_general3A_32 : vector<512x512xf32>
    %get3A_34 = arith.constant 0 : index
    %get3A_35 = arith.constant 0 : index
    %get3A_36 = arith.constant 0 : index
    %get3A_37 = vector.load %arg5[%get3A_34, %get3A_35, %get3A_36] : memref<1x1x512xf32, #tpu.memory_space<vmem>>, vector<1x1x512xf32>
    %get3A_38 = vector.shape_cast %get3A_37 : vector<1x1x512xf32> to vector<1x512xf32>
    %add3A_39 = vector.broadcast %get3A_38 : vector<1x512xf32> to vector<512x512xf32>
    %add3A_40 = arith.addf %add3A_33, %add3A_39 : vector<512x512xf32>
    %swap3A = arith.constant 0 : index
    %swap3A_41 = arith.constant 0 : index
    %swap3A_42 = arith.constant 0 : index
    %swap3A_43 = vector.load %arg7[%swap3A, %swap3A_41, %swap3A_42] : memref<1x512x512xf32, #tpu.memory_space<vmem>>, vector<1x512x512xf32>
    %swap3A_44 = vector.shape_cast %swap3A_43 : vector<1x512x512xf32> to vector<512x512xf32>
    %swap3A_45 = vector.shape_cast %add3A_40 : vector<512x512xf32> to vector<1x512x512xf32>
    tpu.vector_store %arg7[%swap3A, %swap3A_41, %swap3A_42], %swap3A_45 {strides = array<i32>} : memref<1x512x512xf32, #tpu.memory_space<vmem>>, vector<1x512x512xf32>,
    %eq3A = arith.constant 0 : i32
    %eq3A_46 = arith.cmpi eq, %arg0, %eq3A : i32
    %eq3A_47 = arith.constant 0 : i32
    %eq3A_48 = arith.cmpi eq, %arg1, %eq3A_47 : i32
    %and3A = arith.andi %eq3A_46, %eq3A_48 : i1
    %convert_element_type3A_49 = arith.extui %and3A : i1 to i32
    %cond3A = arith.constant 0 : i32
    %cond3A_50 = arith.cmpi ne, %convert_element_type3A_49, %cond3A : i32
    scf.if %cond3A_50 {
      %broadcast_in_dim3A_69 = arith.constant 0.000000e+00 : f32
      %broadcast_in_dim3A_70 = vector.broadcast %broadcast_in_dim3A_69 : f32 to vector<2x512xf32>
      %swap3A_71 = arith.constant 0 : index
      %swap3A_72 = arith.constant 0 : index
      %swap3A_73 = vector.load %arg8[%swap3A_71, %swap3A_72] : memref<2x512xf32, #tpu.memory_space<vmem>>, vector<2x512xf32>
      tpu.vector_store %arg8[%swap3A_71, %swap3A_72], %broadcast_in_dim3A_70 {strides = array<i32>} : memref<2x512xf32, #tpu.memory_space<vmem>>, vector<2x512xf32>,
    } else {
    }
    %get3A_51 = arith.constant 0 : index
    %get3A_52 = arith.constant 0 : index
    %get3A_53 = vector.load %arg8[%get3A_51, %get3A_52] : memref<2x512xf32, #tpu.memory_space<vmem>>, vector<1x512xf32>
    %reduce_sum3A = arith.constant dense<0.000000e+00> : vector<512xf32>
    %reduce_sum3A_54 = vector.multi_reduction <add>, %add3A_40, %reduce_sum3A [0] : vector<512x512xf32> to vector<512xf32>
    %broadcast_in_dim3A = vector.shape_cast %reduce_sum3A_54 : vector<512xf32> to vector<1x512xf32>
    %add3A_55 = arith.addf %get3A_53, %broadcast_in_dim3A : vector<1x512xf32>
    %swap3A_56 = arith.constant 0 : index
    %swap3A_57 = arith.constant 0 : index
    %swap3A_58 = vector.load %arg8[%swap3A_56, %swap3A_57] : memref<2x512xf32, #tpu.memory_space<vmem>>, vector<1x512xf32>
    tpu.vector_store %arg8[%swap3A_56, %swap3A_57], %add3A_55 {strides = array<i32>} : memref<2x512xf32, #tpu.memory_space<vmem>>, vector<1x512xf32>,
    %get3A_59 = arith.constant 1 : index
    %get3A_60 = arith.constant 0 : index
    %get3A_61 = vector.load %arg8[%get3A_59, %get3A_60] : memref<2x512xf32, #tpu.memory_space<vmem>>, vector<1x512xf32>
    %mul3A = arith.mulf %add3A_40, %add3A_40 : vector<512x512xf32>
    %reduce_sum3A_62 = arith.constant dense<0.000000e+00> : vector<512xf32>
    %reduce_sum3A_63 = vector.multi_reduction <add>, %mul3A, %reduce_sum3A_62 [0] : vector<512x512xf32> to vector<512xf32>
    %broadcast_in_dim3A_64 = vector.shape_cast %reduce_sum3A_63 : vector<512xf32> to vector<1x512xf32>
    %add3A_65 = arith.addf %get3A_61, %broadcast_in_dim3A_64 : vector<1x512xf32>
    %swap3A_66 = arith.constant 1 : index
    %swap3A_67 = arith.constant 0 : index
    %swap3A_68 = vector.load %arg8[%swap3A_66, %swap3A_67] : memref<2x512xf32, #tpu.memory_space<vmem>>, vector<1x512xf32>
    tpu.vector_store %arg8[%swap3A_66, %swap3A_67], %add3A_65 {strides = array<i32>} : memref<2x512xf32, #tpu.memory_space<vmem>>, vector<1x512xf32>,
    return
  }
  func.func @transform_0(%arg0: i32, %arg1: i32) -> (i32, i32, i32) {
    %c0_i32 = arith.constant 0 : i32
    %c0_i32_0 = arith.constant 0 : i32
    return %arg0, %arg1, %c0_i32 : i32, i32, i32
  }
  func.func @transform_1(%arg0: i32, %arg1: i32) -> (i32, i32, i32) {
    %c0_i32 = arith.constant 0 : i32
    %c0_i32_0 = arith.constant 0 : i32
    return %arg0, %arg1, %c0_i32 : i32, i32, i32
  }
  func.func @transform_2(%arg0: i32, %arg1: i32) -> (i32, i32, i32) {
    %c0_i32 = arith.constant 0 : i32
    %c0_i32_0 = arith.constant 0 : i32
    return %arg0, %arg1, %c0_i32 : i32, i32, i32
  }
  func.func @transform_3(%arg0: i32, %arg1: i32) -> (i32, i32, i32) {
    %c0_i32 = arith.constant 0 : i32
    %c0_i32_0 = arith.constant 0 : i32
    %c0_i32_1 = arith.constant 0 : i32
    return %arg0, %c0_i32, %c0_i32_0 : i32, i32, i32
  }
  func.func @transform_4(%arg0: i32, %arg1: i32) -> (i32, i32) {
    %c0_i32 = arith.constant 0 : i32
    %c0_i32_0 = arith.constant 0 : i32
    %c0_i32_1 = arith.constant 0 : i32
    return %c0_i32, %c0_i32_0 : i32, i32
  }
  func.func @transform_5(%arg0: i32, %arg1: i32) -> (i32, i32, i32) {
    %c0_i32 = arith.constant 0 : i32
    %c0_i32_0 = arith.constant 0 : i32
    return %arg0, %arg1, %c0_i32 : i32, i32, i32
  }
  func.func @transform_6(%arg0: i32, %arg1: i32) -> (i32, i32) {
    %c0_i32 = arith.constant 0 : i32
    %c0_i32_0 = arith.constant 0 : i32
    %c0_i32_1 = arith.constant 0 : i32
    return %c0_i32, %c0_i32_0 : i32, i32
  }
}

module attributes {stable_mosaic.version = 14 : i64} {
  func.func @_y1_body(%arg0: i32, %arg1: i32, %arg2: memref<1x512x512xf32, #tpu.memory_space<vmem>>, %arg3: memref<2x512xf32, #tpu.memory_space<vmem>>, %arg4: memref<1x512xf32, #tpu.memory_space<vmem>>, %arg5: memref<1x512xf32, #tpu.memory_space<vmem>>, %arg6: memref<256x512xf32, #tpu.memory_space<vmem>>, %arg7: memref<1x512x256xf32, #tpu.memory_space<vmem>>, %arg8: memref<2x256xf32, #tpu.memory_space<vmem>>) attributes {dimension_semantics = [#tpu.dimension_semantics<arbitrary>, #tpu.dimension_semantics<arbitrary>], iteration_bounds = array<i64: 4, 8>, scalar_prefetch = 0 : i64, scratch_operands = 0 : i64, tpu.core_type = #tpu.core_type<tc>, window_params = [{transform_indices = @transform_0, window_bounds = array<i64: 1, 512, 512>}, {pipeline_mode = #tpu.pipeline_mode<synchronous>, transform_indices = @transform_1, window_bounds = array<i64: 2, 512>}, {pipeline_mode = #tpu.pipeline_mode<synchronous>, transform_indices = @transform_2, window_bounds = array<i64: 1, 512>}, {pipeline_mode = #tpu.pipeline_mode<synchronous>, transform_indices = @transform_3, window_bounds = array<i64: 1, 512>}, {pipeline_mode = #tpu.pipeline_mode<synchronous>, transform_indices = @transform_4, window_bounds = array<i64: 256, 512>}, {transform_indices = @transform_5, window_bounds = array<i64: 1, 512, 256>}, {pipeline_mode = #tpu.pipeline_mode<synchronous>, transform_indices = @transform_6, window_bounds = array<i64: 2, 256>}]} {
    %get3A = arith.constant 0 : index
    %get3A_0 = arith.constant 0 : index
    %get3A_1 = vector.load %arg3[%get3A, %get3A_0] : memref<2x512xf32, #tpu.memory_space<vmem>>, vector<2x512xf32>
    %get3A_2 = arith.constant 0 : index
    %get3A_3 = arith.constant 0 : index
    %get3A_4 = vector.load %arg4[%get3A_2, %get3A_3] : memref<1x512xf32, #tpu.memory_space<vmem>>, vector<1x512xf32>
    %get3A_5 = arith.constant 0 : index
    %get3A_6 = arith.constant 0 : index
    %get3A_7 = vector.load %arg5[%get3A_5, %get3A_6] : memref<1x512xf32, #tpu.memory_space<vmem>>, vector<1x512xf32>
    %slice3A = vector.extract_strided_slice %get3A_1 {offsets = [0, 0], sizes = [1, 512], strides = [1, 1]} : vector<2x512xf32> to vector<1x512xf32>
    %div3A = arith.constant 1.638400e+04 : f32
    %div3A_8 = vector.broadcast %div3A : f32 to vector<1x512xf32>
    %div3A_9 = arith.divf %slice3A, %div3A_8 : vector<1x512xf32>
    %slice3A_10 = vector.extract_strided_slice %get3A_1 {offsets = [1, 0], sizes = [1, 512], strides = [1, 1]} : vector<2x512xf32> to vector<1x512xf32>
    %div3A_11 = arith.constant 1.638400e+04 : f32
    %div3A_12 = vector.broadcast %div3A_11 : f32 to vector<1x512xf32>
    %div3A_13 = arith.divf %slice3A_10, %div3A_12 : vector<1x512xf32>
    %mul3A = arith.mulf %div3A_9, %div3A_9 : vector<1x512xf32>
    %sub3A = arith.subf %div3A_13, %mul3A : vector<1x512xf32>
    %add3A = arith.constant 9.99999974E-6 : f32
    %add3A_14 = vector.broadcast %add3A : f32 to vector<1x512xf32>
    %add3A_15 = arith.addf %sub3A, %add3A_14 : vector<1x512xf32>
    %rsqrt3A = math.rsqrt %add3A_15 : vector<1x512xf32>
    %mul3A_16 = arith.mulf %get3A_4, %rsqrt3A : vector<1x512xf32>
    %mul3A_17 = arith.mulf %mul3A_16, %div3A_9 : vector<1x512xf32>
    %sub3A_18 = arith.subf %get3A_7, %mul3A_17 : vector<1x512xf32>
    %get3A_19 = arith.constant 0 : index
    %get3A_20 = arith.constant 0 : index
    %get3A_21 = arith.constant 0 : index
    %get3A_22 = vector.load %arg2[%get3A_19, %get3A_20, %get3A_21] : memref<1x512x512xf32, #tpu.memory_space<vmem>>, vector<1x512x512xf32>
    %get3A_23 = vector.shape_cast %get3A_22 : vector<1x512x512xf32> to vector<512x512xf32>
    %mul3A_24 = vector.broadcast %mul3A_16 : vector<1x512xf32> to vector<512x512xf32>
    %mul3A_25 = arith.mulf %get3A_23, %mul3A_24 : vector<512x512xf32>
    %add3A_26 = vector.broadcast %sub3A_18 : vector<1x512xf32> to vector<512x512xf32>
    %add3A_27 = arith.addf %mul3A_25, %add3A_26 : vector<512x512xf32>
    %max3A = arith.constant 0.000000e+00 : f32
    %max3A_28 = vector.broadcast %max3A : f32 to vector<512x512xf32>
    %max3A_29 = arith.maximumf %add3A_27, %max3A_28 : vector<512x512xf32>
    %get3A_30 = arith.constant 0 : index
    %get3A_31 = arith.constant 0 : index
    %get3A_32 = vector.load %arg6[%get3A_30, %get3A_31] : memref<256x512xf32, #tpu.memory_space<vmem>>, vector<256x512xf32>
    %convert_element_type3A = arith.truncf %max3A_29 : vector<512x512xf32> to vector<512x512xbf16>
    %convert_element_type3A_33 = arith.truncf %get3A_32 : vector<256x512xf32> to vector<256x512xbf16>
    %dot_general3A = arith.constant dense<0.000000e+00> : vector<512x256xf32>
    %dot_general3A_34 = tpu.matmul %convert_element_type3A, %convert_element_type3A_33, %dot_general3A {dimension_numbers = #tpu.dot_dimension_numbers<[1], [1], [0], [0], [0, 0, 1, 0], [], []>, transpose_lhs_hint = false} : vector<512x512xbf16>, vector<256x512xbf16>, vector<512x256xf32> -> vector<512x256xf32>
    %swap3A = arith.constant 0 : index
    %swap3A_35 = arith.constant 0 : index
    %swap3A_36 = arith.constant 0 : index
    %swap3A_37 = vector.load %arg7[%swap3A, %swap3A_35, %swap3A_36] : memref<1x512x256xf32, #tpu.memory_space<vmem>>, vector<1x512x256xf32>
    %swap3A_38 = vector.shape_cast %swap3A_37 : vector<1x512x256xf32> to vector<512x256xf32>
    %swap3A_39 = vector.shape_cast %dot_general3A_34 : vector<512x256xf32> to vector<1x512x256xf32>
    tpu.vector_store %arg7[%swap3A, %swap3A_35, %swap3A_36], %swap3A_39 {strides = array<i32>} : memref<1x512x256xf32, #tpu.memory_space<vmem>>, vector<1x512x256xf32>,
    %eq3A = arith.constant 0 : i32
    %eq3A_40 = arith.cmpi eq, %arg0, %eq3A : i32
    %eq3A_41 = arith.constant 0 : i32
    %eq3A_42 = arith.cmpi eq, %arg1, %eq3A_41 : i32
    %and3A = arith.andi %eq3A_40, %eq3A_42 : i1
    %convert_element_type3A_43 = arith.extui %and3A : i1 to i32
    %cond3A = arith.constant 0 : i32
    %cond3A_44 = arith.cmpi ne, %convert_element_type3A_43, %cond3A : i32
    scf.if %cond3A_44 {
      %broadcast_in_dim3A_64 = arith.constant 0.000000e+00 : f32
      %broadcast_in_dim3A_65 = vector.broadcast %broadcast_in_dim3A_64 : f32 to vector<2x256xf32>
      %swap3A_66 = arith.constant 0 : index
      %swap3A_67 = arith.constant 0 : index
      %swap3A_68 = vector.load %arg8[%swap3A_66, %swap3A_67] : memref<2x256xf32, #tpu.memory_space<vmem>>, vector<2x256xf32>
      tpu.vector_store %arg8[%swap3A_66, %swap3A_67], %broadcast_in_dim3A_65 {strides = array<i32>} : memref<2x256xf32, #tpu.memory_space<vmem>>, vector<2x256xf32>,
    } else {
    }
    %get3A_45 = arith.constant 0 : index
    %get3A_46 = arith.constant 0 : index
    %get3A_47 = vector.load %arg8[%get3A_45, %get3A_46] : memref<2x256xf32, #tpu.memory_space<vmem>>, vector<1x256xf32>
    %reduce_sum3A = arith.constant dense<0.000000e+00> : vector<256xf32>
    %reduce_sum3A_48 = vector.multi_reduction <add>, %dot_general3A_34, %reduce_sum3A [0] : vector<512x256xf32> to vector<256xf32>
    %broadcast_in_dim3A = vector.shape_cast %reduce_sum3A_48 : vector<256xf32> to vector<1x256xf32>
    %add3A_49 = arith.addf %get3A_47, %broadcast_in_dim3A : vector<1x256xf32>
    %swap3A_50 = arith.constant 0 : index
    %swap3A_51 = arith.constant 0 : index
    %swap3A_52 = vector.load %arg8[%swap3A_50, %swap3A_51] : memref<2x256xf32, #tpu.memory_space<vmem>>, vector<1x256xf32>
    tpu.vector_store %arg8[%swap3A_50, %swap3A_51], %add3A_49 {strides = array<i32>} : memref<2x256xf32, #tpu.memory_space<vmem>>, vector<1x256xf32>,
    %get3A_53 = arith.constant 1 : index
    %get3A_54 = arith.constant 0 : index
    %get3A_55 = vector.load %arg8[%get3A_53, %get3A_54] : memref<2x256xf32, #tpu.memory_space<vmem>>, vector<1x256xf32>
    %mul3A_56 = arith.mulf %dot_general3A_34, %dot_general3A_34 : vector<512x256xf32>
    %reduce_sum3A_57 = arith.constant dense<0.000000e+00> : vector<256xf32>
    %reduce_sum3A_58 = vector.multi_reduction <add>, %mul3A_56, %reduce_sum3A_57 [0] : vector<512x256xf32> to vector<256xf32>
    %broadcast_in_dim3A_59 = vector.shape_cast %reduce_sum3A_58 : vector<256xf32> to vector<1x256xf32>
    %add3A_60 = arith.addf %get3A_55, %broadcast_in_dim3A_59 : vector<1x256xf32>
    %swap3A_61 = arith.constant 1 : index
    %swap3A_62 = arith.constant 0 : index
    %swap3A_63 = vector.load %arg8[%swap3A_61, %swap3A_62] : memref<2x256xf32, #tpu.memory_space<vmem>>, vector<1x256xf32>
    tpu.vector_store %arg8[%swap3A_61, %swap3A_62], %add3A_60 {strides = array<i32>} : memref<2x256xf32, #tpu.memory_space<vmem>>, vector<1x256xf32>,
    return
  }
  func.func @transform_0(%arg0: i32, %arg1: i32) -> (i32, i32, i32) {
    %c0_i32 = arith.constant 0 : i32
    %c0_i32_0 = arith.constant 0 : i32
    return %arg0, %arg1, %c0_i32 : i32, i32, i32
  }
  func.func @transform_1(%arg0: i32, %arg1: i32) -> (i32, i32) {
    %c0_i32 = arith.constant 0 : i32
    %c0_i32_0 = arith.constant 0 : i32
    %c0_i32_1 = arith.constant 0 : i32
    return %c0_i32, %c0_i32_0 : i32, i32
  }
  func.func @transform_2(%arg0: i32, %arg1: i32) -> (i32, i32) {
    %c0_i32 = arith.constant 0 : i32
    %c0_i32_0 = arith.constant 0 : i32
    %c0_i32_1 = arith.constant 0 : i32
    return %c0_i32, %c0_i32_0 : i32, i32
  }
  func.func @transform_3(%arg0: i32, %arg1: i32) -> (i32, i32) {
    %c0_i32 = arith.constant 0 : i32
    %c0_i32_0 = arith.constant 0 : i32
    %c0_i32_1 = arith.constant 0 : i32
    return %c0_i32, %c0_i32_0 : i32, i32
  }
  func.func @transform_4(%arg0: i32, %arg1: i32) -> (i32, i32) {
    %c0_i32 = arith.constant 0 : i32
    %c0_i32_0 = arith.constant 0 : i32
    %c0_i32_1 = arith.constant 0 : i32
    return %c0_i32, %c0_i32_0 : i32, i32
  }
  func.func @transform_5(%arg0: i32, %arg1: i32) -> (i32, i32, i32) {
    %c0_i32 = arith.constant 0 : i32
    %c0_i32_0 = arith.constant 0 : i32
    return %arg0, %arg1, %c0_i32 : i32, i32, i32
  }
  func.func @transform_6(%arg0: i32, %arg1: i32) -> (i32, i32) {
    %c0_i32 = arith.constant 0 : i32
    %c0_i32_0 = arith.constant 0 : i32
    %c0_i32_1 = arith.constant 0 : i32
    return %c0_i32, %c0_i32_0 : i32, i32
  }
}

module attributes {stable_mosaic.version = 14 : i64} {
  func.func @_logit_body(%arg0: i32, %arg1: i32, %arg2: memref<1x512x256xf32, #tpu.memory_space<vmem>>, %arg3: memref<2x256xf32, #tpu.memory_space<vmem>>, %arg4: memref<1x256xf32, #tpu.memory_space<vmem>>, %arg5: memref<1x256xf32, #tpu.memory_space<vmem>>, %arg6: memref<13x256xf32, #tpu.memory_space<vmem>>, %arg7: memref<1x13xf32, #tpu.memory_space<vmem>>, %arg8: memref<1x13x512xf32, #tpu.memory_space<vmem>>) attributes {dimension_semantics = [#tpu.dimension_semantics<arbitrary>, #tpu.dimension_semantics<arbitrary>], iteration_bounds = array<i64: 4, 8>, scalar_prefetch = 0 : i64, scratch_operands = 0 : i64, tpu.core_type = #tpu.core_type<tc>, window_params = [{transform_indices = @transform_0, window_bounds = array<i64: 1, 512, 256>}, {pipeline_mode = #tpu.pipeline_mode<synchronous>, transform_indices = @transform_1, window_bounds = array<i64: 2, 256>}, {pipeline_mode = #tpu.pipeline_mode<synchronous>, transform_indices = @transform_2, window_bounds = array<i64: 1, 256>}, {pipeline_mode = #tpu.pipeline_mode<synchronous>, transform_indices = @transform_3, window_bounds = array<i64: 1, 256>}, {pipeline_mode = #tpu.pipeline_mode<synchronous>, transform_indices = @transform_4, window_bounds = array<i64: 13, 256>}, {pipeline_mode = #tpu.pipeline_mode<synchronous>, transform_indices = @transform_5, window_bounds = array<i64: 1, 13>}, {transform_indices = @transform_6, window_bounds = array<i64: 1, 13, 512>}]} {
    %get3A = arith.constant 0 : index
    %get3A_0 = arith.constant 0 : index
    %get3A_1 = vector.load %arg3[%get3A, %get3A_0] : memref<2x256xf32, #tpu.memory_space<vmem>>, vector<2x256xf32>
    %get3A_2 = arith.constant 0 : index
    %get3A_3 = arith.constant 0 : index
    %get3A_4 = vector.load %arg4[%get3A_2, %get3A_3] : memref<1x256xf32, #tpu.memory_space<vmem>>, vector<1x256xf32>
    %get3A_5 = arith.constant 0 : index
    %get3A_6 = arith.constant 0 : index
    %get3A_7 = vector.load %arg5[%get3A_5, %get3A_6] : memref<1x256xf32, #tpu.memory_space<vmem>>, vector<1x256xf32>
    %slice3A = vector.extract_strided_slice %get3A_1 {offsets = [0, 0], sizes = [1, 256], strides = [1, 1]} : vector<2x256xf32> to vector<1x256xf32>
    %div3A = arith.constant 1.638400e+04 : f32
    %div3A_8 = vector.broadcast %div3A : f32 to vector<1x256xf32>
    %div3A_9 = arith.divf %slice3A, %div3A_8 : vector<1x256xf32>
    %slice3A_10 = vector.extract_strided_slice %get3A_1 {offsets = [1, 0], sizes = [1, 256], strides = [1, 1]} : vector<2x256xf32> to vector<1x256xf32>
    %div3A_11 = arith.constant 1.638400e+04 : f32
    %div3A_12 = vector.broadcast %div3A_11 : f32 to vector<1x256xf32>
    %div3A_13 = arith.divf %slice3A_10, %div3A_12 : vector<1x256xf32>
    %mul3A = arith.mulf %div3A_9, %div3A_9 : vector<1x256xf32>
    %sub3A = arith.subf %div3A_13, %mul3A : vector<1x256xf32>
    %add3A = arith.constant 9.99999974E-6 : f32
    %add3A_14 = vector.broadcast %add3A : f32 to vector<1x256xf32>
    %add3A_15 = arith.addf %sub3A, %add3A_14 : vector<1x256xf32>
    %rsqrt3A = math.rsqrt %add3A_15 : vector<1x256xf32>
    %mul3A_16 = arith.mulf %get3A_4, %rsqrt3A : vector<1x256xf32>
    %mul3A_17 = arith.mulf %mul3A_16, %div3A_9 : vector<1x256xf32>
    %sub3A_18 = arith.subf %get3A_7, %mul3A_17 : vector<1x256xf32>
    %get3A_19 = arith.constant 0 : index
    %get3A_20 = arith.constant 0 : index
    %get3A_21 = arith.constant 0 : index
    %get3A_22 = vector.load %arg2[%get3A_19, %get3A_20, %get3A_21] : memref<1x512x256xf32, #tpu.memory_space<vmem>>, vector<1x512x256xf32>
    %get3A_23 = vector.shape_cast %get3A_22 : vector<1x512x256xf32> to vector<512x256xf32>
    %mul3A_24 = vector.broadcast %mul3A_16 : vector<1x256xf32> to vector<512x256xf32>
    %mul3A_25 = arith.mulf %get3A_23, %mul3A_24 : vector<512x256xf32>
    %add3A_26 = vector.broadcast %sub3A_18 : vector<1x256xf32> to vector<512x256xf32>
    %add3A_27 = arith.addf %mul3A_25, %add3A_26 : vector<512x256xf32>
    %max3A = arith.constant 0.000000e+00 : f32
    %max3A_28 = vector.broadcast %max3A : f32 to vector<512x256xf32>
    %max3A_29 = arith.maximumf %add3A_27, %max3A_28 : vector<512x256xf32>
    %get3A_30 = arith.constant 0 : index
    %get3A_31 = arith.constant 0 : index
    %get3A_32 = vector.load %arg6[%get3A_30, %get3A_31] : memref<13x256xf32, #tpu.memory_space<vmem>>, vector<13x256xf32>
    %convert_element_type3A = arith.truncf %max3A_29 : vector<512x256xf32> to vector<512x256xbf16>
    %convert_element_type3A_33 = arith.truncf %get3A_32 : vector<13x256xf32> to vector<13x256xbf16>
    %dot_general3A = arith.constant dense<0.000000e+00> : vector<512x13xf32>
    %dot_general3A_34 = tpu.matmul %convert_element_type3A, %convert_element_type3A_33, %dot_general3A {dimension_numbers = #tpu.dot_dimension_numbers<[1], [1], [0], [0], [0, 0, 1, 0], [], []>, transpose_lhs_hint = false} : vector<512x256xbf16>, vector<13x256xbf16>, vector<512x13xf32> -> vector<512x13xf32>
    %get3A_35 = arith.constant 0 : index
    %get3A_36 = arith.constant 0 : index
    %get3A_37 = vector.load %arg7[%get3A_35, %get3A_36] : memref<1x13xf32, #tpu.memory_space<vmem>>, vector<1x13xf32>
    %add3A_38 = vector.broadcast %get3A_37 : vector<1x13xf32> to vector<512x13xf32>
    %add3A_39 = arith.addf %dot_general3A_34, %add3A_38 : vector<512x13xf32>
    %transpose3A = tpu.transpose %add3A_39, [1, 0] : vector<512x13xf32> -> vector<13x512xf32>
    %swap3A = arith.constant 0 : index
    %swap3A_40 = arith.constant 0 : index
    %swap3A_41 = arith.constant 0 : index
    %swap3A_42 = vector.load %arg8[%swap3A, %swap3A_40, %swap3A_41] : memref<1x13x512xf32, #tpu.memory_space<vmem>>, vector<1x13x512xf32>
    %swap3A_43 = vector.shape_cast %swap3A_42 : vector<1x13x512xf32> to vector<13x512xf32>
    %swap3A_44 = vector.shape_cast %transpose3A : vector<13x512xf32> to vector<1x13x512xf32>
    tpu.vector_store %arg8[%swap3A, %swap3A_40, %swap3A_41], %swap3A_44 {strides = array<i32>} : memref<1x13x512xf32, #tpu.memory_space<vmem>>, vector<1x13x512xf32>,
    return
  }
  func.func @transform_0(%arg0: i32, %arg1: i32) -> (i32, i32, i32) {
    %c0_i32 = arith.constant 0 : i32
    %c0_i32_0 = arith.constant 0 : i32
    return %arg0, %arg1, %c0_i32 : i32, i32, i32
  }
  func.func @transform_1(%arg0: i32, %arg1: i32) -> (i32, i32) {
    %c0_i32 = arith.constant 0 : i32
    %c0_i32_0 = arith.constant 0 : i32
    %c0_i32_1 = arith.constant 0 : i32
    return %c0_i32, %c0_i32_0 : i32, i32
  }
  func.func @transform_2(%arg0: i32, %arg1: i32) -> (i32, i32) {
    %c0_i32 = arith.constant 0 : i32
    %c0_i32_0 = arith.constant 0 : i32
    %c0_i32_1 = arith.constant 0 : i32
    return %c0_i32, %c0_i32_0 : i32, i32
  }
  func.func @transform_3(%arg0: i32, %arg1: i32) -> (i32, i32) {
    %c0_i32 = arith.constant 0 : i32
    %c0_i32_0 = arith.constant 0 : i32
    %c0_i32_1 = arith.constant 0 : i32
    return %c0_i32, %c0_i32_0 : i32, i32
  }
  func.func @transform_4(%arg0: i32, %arg1: i32) -> (i32, i32) {
    %c0_i32 = arith.constant 0 : i32
    %c0_i32_0 = arith.constant 0 : i32
    %c0_i32_1 = arith.constant 0 : i32
    return %c0_i32, %c0_i32_0 : i32, i32
  }
  func.func @transform_5(%arg0: i32, %arg1: i32) -> (i32, i32) {
    %c0_i32 = arith.constant 0 : i32
    %c0_i32_0 = arith.constant 0 : i32
    %c0_i32_1 = arith.constant 0 : i32
    return %c0_i32, %c0_i32_0 : i32, i32
  }
  func.func @transform_6(%arg0: i32, %arg1: i32) -> (i32, i32, i32) {
    %c0_i32 = arith.constant 0 : i32
    %c0_i32_0 = arith.constant 0 : i32
    return %arg0, %c0_i32, %arg1 : i32, i32, i32
  }
}

</mosaic_0001>

<sc_bundles>
// kernel: kernel.15.cloned.1.call-start
scs
__scs_entry_jumppad:
0x0: {  	(pc) =	sbr.rel $0x88, $3  }
0x1: {  	(tag) =	ssettag $0x0;
	lr =	simm.s32 $0x1  }
0x2: {  	[smem:$0x3F82] =	sst lr;
	_ =	strace $0xD0000000  }
0x3: {  	_ = 	snop  }
0x4: {  	_ = 	snop  }
0x5: {  	_ = 	snop  }
0x6: {  	_ = 	snop  }
0x7: {  	_ = 	snop  }
__scs_overlays_trampoline_lowered:
0x8: {  	[smem:$0x3F91] =	sst s0  }
0x9: {  	[smem:$0x3F92] =	sst s1  }
0xa: {  	[smem:$0x3F93] =	sst s2  }
0xb: {  	[smem:$0x3F94] =	sst s3  }
0xc: {  	[smem:$0x3F95] =	sst s4  }
0xd: {  	[smem:$0x3F96] =	sst s5  }
0xe: {  	[smem:$0x3F97] =	sst s6  }
0xf: {  	[smem:$0x3F98] =	sst s7  }
0x10: {  	[smem:$0x3F99] =	sst s8  }
0x11: {  	[smem:$0x3F9A] =	sst s9;
	s0 =	simm.s32 @!p0 $0x0  }
0x12: {  	s1 =	sld [smem:$0x3F80];
	s0 =	simm.s32 @p0 $0x1  }
0x13: {  	[smem:$0x3F9B] =	sst s0;
	s0 =	simm.s32 @!p1 $0x0  }
0x14: {  	s2 =	sld [smem:$0x3F7F];
	s0 =	simm.s32 @p1 $0x1  }
0x15: {  	[smem:$0x3F9C] =	sst s0;
	s0 =	simm.s32 @!p2 $0x0  }
0x16: {  	s3 =	sld [smem:$0x3FDB];
	s0 =	simm.s32 @p2 $0x1  }
0x17: {  	s4 =	simm.s32 $0x1BF5;
	[smem:$0x3F9E] =	sst s0  }
0x18: {  	s0 =	sld [smem:$0x3F81];
	_ =	swait.ge [sflag:s4], $0x0  }
0x19: {  	s7 =	sld [smem:$0x3F82]  }
0x1a: {  	s8 =	sadd.s32 $0xFFFFE003, lr  }
0x1b: {  	s9 =	sadd.s32 $0xFFFFFEF7, lr;
	s5 =	simm.s32 $0xFFFFFFFF;
	p2 =	slt.u32 s8, $0xFFFFF086  }
0x1c: {  	p1 =	slt.u32 s9, $0xF7A;
	s5 =	simm.s32 @!p2 $0x0  }
0x1d: {  	s5 =	simm.s32 @p1 $0x1;
	p0 =	seq.s32 s7, s2  }
0x1e: {  	s7 =	smul.u32 @!p0 $0xF7A, s2;
	p2 =	seq.s32 @!p0 s5, $0x0  }
0x1f: {  	s9 =	smul.u32 $0xF7A, s1;
	s8 =	simm.s32 @!p0 $0x1BF5;
	p2 =	por !p2, p0  }
0x20: {  	[sflag:s8] =	ssyncset.s32 @!p0 $0xFFFFF086;
	s6 =	sadd.s32 @!p0 s3, s7;
	s7 =	simm.s32 @!p0 $0x108  }
0x21: {  	s3 =	sadd.s32 s3, s9;
	s6 =	sadd.s32 @!p0 $0x88, s6;
	s7 =	simm.s32 @p2 $0x1082  }
0x22: {  	[simem:s7], [sflag:s8] =	dma.local @!p0 [hbm:s6], $0xF7A  }
0x23: {  	s9 =	sor.u32 $0xD0000000, s2;
	s6 =	simm.s32 $0x108;
	_ =	swait.ge @!p0 [sflag:s8], $0x0  }
0x24: {  	s3 =	sadd.s32 $0x88, s3;
	s6 =	simm.s32 @!p1 $0x1082;
	[sflag:s4] =	ssyncset.s32 $0xFFFFF086  }
0x25: {  	[simem:s6], [sflag:s4] =	dma.local [hbm:s3], $0xF7A  }
0x26: {  	[smem:$0x3F82] =	sst s1;
	(tag) =	ssettag s2;
	_ =	strace s9  }
0x27: {  	s1 =	sld [smem:$0x3F92]  }
0x28: {  	s2 =	sld [smem:$0x3F93]  }
0x29: {  	s4 =	sld [smem:$0x3F95]  }
0x2a: {  	p0 =	seq.s32 s5, $0x0;
	s5 =	sld [smem:$0x3F96]  }
0x2b: {  	s6 =	sld [smem:$0x3F97]  }
0x2c: {  	s7 =	sld [smem:$0x3F98]  }
0x2d: {  	s3 =	simm.s32 $0x108;
	s8 =	sld [smem:$0x3F99]  }
0x2e: {  	s3 =	simm.s32 @!p0 $0x1082;
	s9 =	sld [smem:$0x3F9A]  }
0x2f: {  	lr =	sadd.s32 s0, s3;
	s0 =	sld [smem:$0x3F91]  }
0x30: {  	s3 =	sld [smem:$0x3F94]  }
0x31: {  	[smem:$0x3F9D] =	sst s10  }
0x32: {  	s10 =	sld [smem:$0x3F9B];
	_ =	sdelay $0x3  }
0x33: {  	p0 =	seq.s32 s10, $0x1;
	s10 =	sld [smem:$0x3F9D];
	_ =	sdelay $0x3  }
0x34: {  	[smem:$0x3F9D] =	sst s10  }
0x35: {  	s10 =	sld [smem:$0x3F9C];
	_ =	sdelay $0x3  }
0x36: {  	p1 =	seq.s32 s10, $0x1;
	s10 =	sld [smem:$0x3F9D];
	_ =	sdelay $0x3  }
0x37: {  	[smem:$0x3F9D] =	sst s10  }
0x38: {  	s10 =	sld [smem:$0x3F9E]  }
0x39: {  	_ = 	snop;
	(pc) =	sbr.ind lr, $3  }
0x3a: {  	_ = 	snop  }
0x3b: {  	_ = 	snop  }
0x3c: {  	p2 =	seq.s32 s10, $0x1;
	s10 =	sld [smem:$0x3F9D]  }
0x3d: {  	_ =	shalt  }
0x3e: {  	_ =	shalt  }
0x3f: {  	_ =	shalt  }
0x40: {  	_ =	shalt  }
0x41: {  	_ =	shalt  }
0x42: {  	_ =	shalt  }
0x43: {  	_ =	shalt  }
0x44: {  	_ =	shalt  }
0x45: {  	_ =	shalt  }
0x46: {  	_ =	shalt  }
0x47: {  	_ =	shalt  }
0x48: {  	_ =	shalt  }
0x49: {  	_ =	shalt  }
0x4a: {  	_ =	shalt  }
0x4b: {  	_ =	shalt  }
0x4c: {  	_ =	shalt  }
0x4d: {  	_ =	shalt  }
0x4e: {  	_ =	shalt  }
0x4f: {  	_ =	shalt  }
0x50: {  	_ =	shalt  }
0x51: {  	_ =	shalt  }
0x52: {  	_ =	shalt  }
0x53: {  	_ =	shalt  }
0x54: {  	_ =	shalt  }
0x55: {  	_ =	shalt  }
0x56: {  	_ =	shalt  }
0x57: {  	_ =	shalt  }
0x58: {  	_ =	shalt  }
0x59: {  	_ =	shalt  }
0x5a: {  	_ =	shalt  }
0x5b: {  	_ =	shalt  }
0x5c: {  	_ =	shalt  }
0x5d: {  	_ =	shalt  }
0x5e: {  	_ =	shalt  }
0x5f: {  	_ =	shalt  }
0x60: {  	_ =	shalt  }
0x61: {  	_ =	shalt  }
0x62: {  	_ =	shalt  }
0x63: {  	_ =	shalt  }
0x64: {  	_ =	shalt  }
0x65: {  	_ =	shalt  }
0x66: {  	_ =	shalt  }
0x67: {  	_ =	shalt  }
0x68: {  	_ =	shalt  }
0x69: {  	_ =	shalt  }
0x6a: {  	_ =	shalt  }
0x6b: {  	_ =	shalt  }
0x6c: {  	_ =	shalt  }
0x6d: {  	_ =	shalt  }
0x6e: {  	_ =	shalt  }
0x6f: {  	_ =	shalt  }
0x70: {  	_ =	shalt  }
0x71: {  	_ =	shalt  }
0x72: {  	_ =	shalt  }
0x73: {  	_ =	shalt  }
0x74: {  	_ =	shalt  }
0x75: {  	_ =	shalt  }
0x76: {  	_ =	shalt  }
0x77: {  	_ =	shalt  }
0x78: {  	_ =	shalt  }
0x79: {  	_ =	shalt  }
0x7a: {  	_ =	shalt  }
0x7b: {  	_ =	shalt  }
0x7c: {  	_ =	shalt  }
0x7d: {  	_ =	shalt  }
0x7e: {  	_ =	shalt  }
0x7f: {  	_ =	shalt  }
0x80: {  	_ =	shalt  }
0x81: {  	_ =	shalt  }
0x82: {  	_ =	shalt  }
0x83: {  	_ =	shalt  }
0x84: {  	_ =	shalt  }
0x85: {  	_ =	shalt  }
0x86: {  	_ =	shalt  }
0x87: {  	_ =	shalt  }
.Lfunc_end0:
.L_simem_size_0:
called_computation_lowered:
.L_overlay_start_0:
0x88: {  	s2 =	sld [smem:$0x3FD9]  }
0x89: {  	s3 =	sld [smem:$0x3FFE];
	_ =	sdelay $0x1  }
0x8a: {  	s1 =	srdreg.scid  }
0x8b: {  	s0 =	sand.u32 $0x1, s1  }
0x8c: {  	s16 =	sshll.u32 s0, $0xA;
	s2 =	sadd.s32 s3, s2  }
0x8d: {  	s2 =	sadd.s32 s2, s16  }
0x8e: {  	[smem:$0x3FA9] =	sst s2  }
0x8f: {  	_ = 	snop  }
0x90: {  	(tm) =	ssettm $0x1  }
0x91: {  	s17 =	sld [smem:$0x3FFB];
	_ =	sdelay $0x3  }
0x92: {  	_ =	strace s17  }
0x93: {  	s2 =	sld [smem:$0x3FFC];
	_ =	sdelay $0x3  }
0x94: {  	_ =	strace s2  }
0x95: {  	s2 =	sld [smem:$0x3FFD];
	_ =	sdelay $0x3  }
0x96: {  	_ =	strace s2  }
0x97: {  	_ =	strace $0x8FFFFFFF  }
0x98: {  	s18 =	sld [smem:$0x3FDB];
	_ =	sdelay $0x1  }
0x99: {  	s19 =	simm.s32 $_scs_section_size  }
0x9a: {  	s4 =	simm.s32 $_size__tile_overlayer_lowered;
	s5 =	simm.s32 $_tile_overlayer_lowered  }
0x9b: {  	s22 =	simm.s32 $0x1BFF;
	s21 =	sshll.u32 s5, $0x1;
	s2 =	sadd.s32 s19, s18  }
0x9c: {  	s6 =	simm.s32 $0x0;
	s20 =	sshll.u32 s4, $0x1;
	s4 =	sadd.s32 s21, s2  }
0x9d: {  	[timem:s6], [sflag:s22] =	dma.local [hbm:s4], s20  }
0x9e: {  	_ =	swait.ge [sflag:s22], s20  }
0x9f: {  	s3 =	ssub.s32 $0x0, s20;
	[sflag:s22] =	ssyncset.done $0x0  }
0xa0: {  	[sflag:s22] =	ssyncadd.s32 s3;
	_ =	sdelay $0x1  }
0xa1: {  	s23 =	simm.s32 $0x1B8B  }
0xa2: {  	_ =	swait.ge [sflag:s23], $0x1  }
0xa3: {  	[sflag:s23] =	ssyncset.done $0x0  }
0xa4: {  	s25 =	simm.s32 $0x1B8E;
	s24 =	sld [smem:$0x3FFE];
	[sflag:s23] =	ssyncadd.s32 $0xFFFFFFFF  }
0xa5: {  	s26 =	simm.s32 $execute0_lowered;
	[smem:$0x3FD2] =	sst s25  }
0xa6: {  	s4 =	sshll.u32 s26, $0x1;
	_ =	strace $0x80000046;
	[dreg:$0x1] =	wrdreg $0xFFFFFFFF  }
0xa7: {  	s28 =	simm.s32 $_size_execute0_lowered;
	s2 =	sadd.s32 s2, s4;
	[dreg:$0x0] =	wrdreg $0x0  }
0xa8: {  	s4 =	sshll.u32 s28, $0x1;
	[dreg:$0x2] =	wrdreg s2  }
0xa9: {  	[dreg:$0x3] =	wrdreg s4  }
0xaa: {  	[dreg:$0x4] =	wrdreg $0xC0  }
0xab: {  	_ =	task [dreg:s6], $0x5FFFF  }
0xac: {  	[dreg:$0x1] =	wrdreg $0xFFFFFFFF  }
0xad: {  	[dreg:$0x0] =	wrdreg $0x60  }
0xae: {  	[dreg:$0x2] =	wrdreg s24  }
0xaf: {  	[dreg:$0x3] =	wrdreg $0x9  }
0xb0: {  	_ =	task.clear_ibuf [dreg:s6], $0x4FFFF;
	_ =	strace $0x90000046  }
0xb1: {  	s29 =	simm.s32 $0x9;
	_ =	strace $0x80000048  }
0xb2: {  	_ =	swait.ge [sflag:s29], $0x1  }
0xb3: {  	[sflag:s29] =	ssyncadd.s32 $0xFFFFFFFF  }
0xb4: {  	_ =	strace $0x90000048  }
0xb5: {  	_ =	sfence  }
0xb6: {  	s30 =	sld [smem:$0x0];
	_ =	sdelay $0x2  }
0xb7: {  	s31 =	sshll.u32 s1, $0xD;
	s1 =	sshrl.u32 s1, $0x2  }
0xb8: {  	s3 =	sand.u32 $0x4000, s31;
	s1 =	sadd.s32 s1, s30  }
0xb9: {  	s0 =	sor.u32 s3, s0;
	s1 =	sshll.u32 s1, $0x11  }
0xba: {  	s0 =	sor.u32 s1, s0  }
0xbb: {  	s0 =	sadd.s32 $0x8F2B, s0  }
0xbc: {  	[sflag:s0] =	ssyncadd.remote.s32 $0x1  }
0xbd: {  	_ =	sfence.sel $0xFFFF  }
0xbe: {  	[dreg:$0x0] =	wrdreg $0xFFFFFFFF;
	(pc) =	sbr.abs _section_cstart, $3  }
0xbf: {  	[dreg:$0x1] =	wrdreg $0xFFFFFFFF  }
0xc0: {  	_ =	task.clear_ibuf [dreg:s6], $0x2FFFF;
	_ =	strace $0x9FFFFFFF  }
0xc1: {  	(tm) =	ssettm $0x7FFFFFFF  }
tec
execute0_lowered:
.L_overlay_start_1:
0x0: {  	(tag) =	ssettag $0x1  }
0x1: {  	s0 =	srdreg.scid;
	s11 =	stileid.u32  }
0x2: {  	s1 =	rddreg [dreg:$0x0];
	s2 =	simm.s32 $0x0;
	s13 =	simm.s32 $0x3  }
0x3: {  	s14 =	simm.s32 $0x80;
	s28 =	simm.s32 $0x380;
	s17 =	smul.u32 $0xA00, s11  }
0x4: {  	s29 =	simm.s32 $0x3C00;
	s30 =	simm.s32 $0x1;
	s10 =	smul.u32 $0x5000, s11  }
0x5: {  	s0 =	sand.u32 $0x1, s0;
	s3 =	sshll.u32 s11, $0x1;
	s11 =	smul.u32 $0xA000, s11  }
0x6: {  	s31 =	simm.s32 $0x2;
	[smem:$0x7FF] =	sst s2;
	s18 =	smul.u32 $0x500, s0  }
0x7: {  	s6 =	sadd.s32 $0x7A00, s1;
	s4 =	sor.u32 s0, s3;
	s21 =	smul.u32 $0x2800, s0  }
0x8: {  	_ =	strace $0x80000047;
	s7 =	ssub.s32 $0x2, s0;
	s0 =	smul.u32 $0x5000, s0  }
0x9: {  	s3 =	sadd.s32 $0x51A00, s1;
	s1 =	sadd.s32 $0x59A00, s1;
	s5 =	smul.u32 $0x14, s4  }
0xa: {  	s8 =	sshrl.u32 s7, $0x1;
	s4 =	smul.u32 $0x500, s4;
	s22 =	sadd.s32 s17, s6  }
0xb: {  	s24 =	sadd.s32 s11, s1;
	s17 =	simm.s32 $0x100;
	s7 =	ssub.s32 s7, s8  }
0xc: {  	s23 =	sadd.s32 s21, s10;
	s0 =	sadd.s32 s0, s24;
	s21 =	simm.s32 $0x200  }
0xd: {  	s24 =	simm.s32 $0x2C00;
	s5 =	sadd.s32 $0x12, s5;
	s4 =	sadd.s32 s6, s4  }
0xe: {  	s7 =	smax.u32 s7, $0x1;
	[dreg:$0x7] =	wrdreg s0;
	s9 =	sshll.u32 s5, $0x9  }
0xf: {  	[dreg:$0x2] =	wrdreg s4;
	s5 =	sshll.u32 s5, $0xA;
	s15 =	sor.u32 $0x200, s9  }
0x10: {  	[dreg:$0x3] =	wrdreg s7;
	s5 =	sadd.s32 s1, s5;
	s16 =	sshrl.u32 s15, $0x3  }
0x11: {  	s19 =	sshll.u32 s15, $0x1;
	[dreg:$0x5] =	wrdreg s5;
	s15 =	simm.s32 $0x400  }
0x12: {  	s4 =	sadd.s32 s6, s16;
	s20 =	sand.u32 $0x1FFFFC00, s19;
	s16 =	simm.s32 $0xC00  }
0x13: {  	s19 =	simm.s32 $0x180;
	[dreg:$0x4] =	wrdreg s4;
	s5 =	sadd.s32 s1, s20  }
0x14: {  	s4 =	sadd.s32 s18, s22;
	s18 =	simm.s32 $0x1400;
	s20 =	simm.s32 $0x1C00  }
0x15: {  	s22 =	simm.s32 $0x2400;
	[dreg:$0x6] =	wrdreg s5;
	s5 =	sor.u32 $0x200, s23  }
0x16: {  	s9 =	sadd.s32 $0x80, s4;
	s25 =	sshll.u32 s5, $0x1;
	s26 =	sshrl.u32 s5, $0x3  }
0x17: {  	s23 =	simm.s32 $0x280;
	s11 =	sadd.s32 s25, s1;
	s12 =	sadd.s32 s26, s6  }
0x18: {  	s25 =	simm.s32 $0x300;
	s26 =	simm.s32 $0x3400;
	s1 =	simm.s32 $0x0  }
.LBB2_1:
0x19: {  	s0 =	rddreg [dreg:$0x2]  }
0x1a: {  	[tilespmem:s2], [sflag:$0x3] =	stream.linear.gather [hbm4b:s0+s2], $0x200, $0x38;
	[tilespmem:$0x4400] =	vst v63  }
0x1b: {  	_ =	swait.ge [sflag:s13], $0x200  }
0x1c: {  	[sflag:s13] =	ssyncset.done $0x0  }
0x1d: {  	[sflag:s13] =	ssyncadd.s32 $0xFFFFFE00  }
0x1e: {  	[tilespmem:s15], [sflag:$0x1] =	stream.indirect.gather [hbm4b:s3+s14], $0x10, s2, s14, $0xb8;
	[tilespmem:$0x4400] =	vst v63  }
0x1f: {  	_ = 	snop  }
0x20: {  	[tilespmem:s16], [sflag:$0x1] =	stream.indirect.gather [hbm4b:s3+s14], $0x10, s14, s14, $0xb8;
	[tilespmem:$0x4400] =	vst v63  }
0x21: {  	_ = 	snop  }
0x22: {  	[tilespmem:s18], [sflag:$0x1] =	stream.indirect.gather [hbm4b:s3+s14], $0x10, s17, s14, $0xb8;
	[tilespmem:$0x4400] =	vst v63  }
0x23: {  	_ = 	snop  }
0x24: {  	[tilespmem:s20], [sflag:$0x1] =	stream.indirect.gather [hbm4b:s3+s14], $0x10, s19, s14, $0xb8;
	[tilespmem:$0x4400] =	vst v63  }
0x25: {  	s8 =	sadd.s32 $0x0, s12  }
0x26: {  	[tilespmem:s21], [sflag:$0x3] =	stream.linear.gather [hbm4b:s8+s2], $0x200, $0x38;
	[tilespmem:$0x4400] =	vst v63  }
0x27: {  	_ =	swait.ge [sflag:s13], $0x200  }
0x28: {  	[sflag:s13] =	ssyncset.done $0x0  }
0x29: {  	[sflag:s13] =	ssyncadd.s32 $0xFFFFFE00  }
0x2a: {  	[tilespmem:s22], [sflag:$0x2] =	stream.indirect.gather [hbm4b:s3+s14], $0x10, s21, s14, $0xb8;
	[tilespmem:$0x4400] =	vst v63  }
0x2b: {  	_ = 	snop  }
0x2c: {  	[tilespmem:s24], [sflag:$0x2] =	stream.indirect.gather [hbm4b:s3+s14], $0x10, s23, s14, $0xb8;
	[tilespmem:$0x4400] =	vst v63  }
0x2d: {  	_ = 	snop  }
0x2e: {  	[tilespmem:s26], [sflag:$0x2] =	stream.indirect.gather [hbm4b:s3+s14], $0x10, s25, s14, $0xb8;
	[tilespmem:$0x4400] =	vst v63  }
0x2f: {  	_ = 	snop  }
0x30: {  	[tilespmem:s29], [sflag:$0x2] =	stream.indirect.gather [hbm4b:s3+s14], $0x10, s28, s14, $0xb8;
	[tilespmem:$0x4400] =	vst v63  }
0x31: {  	_ =	swait.ge [sflag:s30], $0x2000  }
0x32: {  	[sflag:s30] =	ssyncset.done $0x0  }
0x33: {  	s5 =	rddreg [dreg:$0x7];
	[sflag:s30] =	ssyncadd.s32 $0xFFFFE000  }
0x34: {  	[hbm4b:s5+s2] =	stream.linear.scatter [tilespmem:s15], [sflag:$0x3], $0x2000, $0x38;
	[tilespmem:$0x4400] =	vst v63  }
0x35: {  	_ =	swait.ge [sflag:s13], $0x2000  }
0x36: {  	[sflag:s13] =	ssyncset.done $0x0  }
0x37: {  	s10 =	sadd.s32 $0x0, s9;
	[sflag:s13] =	ssyncadd.s32 $0xFFFFE000  }
0x38: {  	[tilespmem:s2], [sflag:$0x3] =	stream.linear.gather [hbm4b:s10+s2], $0x200, $0x38;
	[tilespmem:$0x4400] =	vst v63  }
0x39: {  	_ =	swait.ge [sflag:s13], $0x200  }
0x3a: {  	[sflag:s13] =	ssyncset.done $0x0  }
0x3b: {  	[sflag:s13] =	ssyncadd.s32 $0xFFFFFE00  }
0x3c: {  	[tilespmem:s15], [sflag:$0x1] =	stream.indirect.gather [hbm4b:s3+s14], $0x10, s2, s14, $0xb8;
	[tilespmem:$0x4400] =	vst v63  }
0x3d: {  	_ = 	snop  }
0x3e: {  	[tilespmem:s16], [sflag:$0x1] =	stream.indirect.gather [hbm4b:s3+s14], $0x10, s14, s14, $0xb8;
	[tilespmem:$0x4400] =	vst v63  }
0x3f: {  	_ = 	snop  }
0x40: {  	[tilespmem:s18], [sflag:$0x1] =	stream.indirect.gather [hbm4b:s3+s14], $0x10, s17, s14, $0xb8;
	[tilespmem:$0x4400] =	vst v63  }
0x41: {  	_ = 	snop  }
0x42: {  	[tilespmem:s20], [sflag:$0x1] =	stream.indirect.gather [hbm4b:s3+s14], $0x10, s19, s14, $0xb8;
	[tilespmem:$0x4400] =	vst v63  }
0x43: {  	_ =	swait.ge [sflag:s31], $0x2000  }
0x44: {  	[sflag:s31] =	ssyncset.done $0x0  }
0x45: {  	[sflag:s31] =	ssyncadd.s32 $0xFFFFE000  }
0x46: {  	[hbm4b:s11+s2] =	stream.linear.scatter [tilespmem:s22], [sflag:$0x3], $0x2000, $0x38;
	[tilespmem:$0x4400] =	vst v63  }
0x47: {  	s4 =	simm.s32 $0x80;
	s6 =	simm.s32 $0x100;
	_ =	swait.ge [sflag:s13], $0x2000  }
0x48: {  	s0 =	sadd.s32 $0x800, s11;
	s5 =	sadd.s32 $0x800, s5;
	[sflag:s13] =	ssyncset.done $0x0  }
.LBB2_2:
0x49: {  	s8 =	sadd.s32 s4, s12  }
0x4a: {  	[sflag:s13] =	ssyncadd.s32 $0xFFFFE000;
	s10 =	smov.u32 s6;
	s7 =	sadd.s32 $0x80, s6  }
0x4b: {  	[tilespmem:s21], [sflag:$0x3] =	stream.linear.gather [hbm4b:s8+s2], $0x200, $0x38;
	[tilespmem:$0x4400] =	vst v63  }
0x4c: {  	p0 =	sne.s32 s6, $0x400;
	_ =	swait.ge [sflag:s13], $0x200  }
0x4d: {  	[sflag:s13] =	ssyncset.done $0x0  }
0x4e: {  	[sflag:s13] =	ssyncadd.s32 $0xFFFFFE00  }
0x4f: {  	[tilespmem:s22], [sflag:$0x2] =	stream.indirect.gather [hbm4b:s3+s14], $0x10, s21, s14, $0xb8;
	[tilespmem:$0x4400] =	vst v63  }
0x50: {  	_ = 	snop  }
0x51: {  	[tilespmem:s24], [sflag:$0x2] =	stream.indirect.gather [hbm4b:s3+s14], $0x10, s23, s14, $0xb8;
	[tilespmem:$0x4400] =	vst v63  }
0x52: {  	_ = 	snop  }
0x53: {  	[tilespmem:s26], [sflag:$0x2] =	stream.indirect.gather [hbm4b:s3+s14], $0x10, s25, s14, $0xb8;
	[tilespmem:$0x4400] =	vst v63  }
0x54: {  	_ = 	snop  }
0x55: {  	[tilespmem:s29], [sflag:$0x2] =	stream.indirect.gather [hbm4b:s3+s14], $0x10, s28, s14, $0xb8;
	[tilespmem:$0x4400] =	vst v63  }
0x56: {  	_ =	swait.ge [sflag:s30], $0x2000  }
0x57: {  	[sflag:s30] =	ssyncset.done $0x0  }
0x58: {  	[sflag:s30] =	ssyncadd.s32 $0xFFFFE000  }
0x59: {  	[hbm4b:s5+s2] =	stream.linear.scatter [tilespmem:s15], [sflag:$0x3], $0x2000, $0x38;
	[tilespmem:$0x4400] =	vst v63  }
0x5a: {  	_ =	swait.ge [sflag:s13], $0x2000  }
0x5b: {  	[sflag:s13] =	ssyncset.done $0x0  }
0x5c: {  	s6 =	sadd.s32 s4, s9;
	s4 =	smov.u32 s10;
	[sflag:s13] =	ssyncadd.s32 $0xFFFFE000  }
0x5d: {  	[tilespmem:s2], [sflag:$0x3] =	stream.linear.gather [hbm4b:s6+s2], $0x200, $0x38;
	[tilespmem:$0x4400] =	vst v63  }
0x5e: {  	_ =	swait.ge [sflag:s13], $0x200  }
0x5f: {  	[sflag:s13] =	ssyncset.done $0x0  }
0x60: {  	[sflag:s13] =	ssyncadd.s32 $0xFFFFFE00  }
0x61: {  	[tilespmem:s15], [sflag:$0x1] =	stream.indirect.gather [hbm4b:s3+s14], $0x10, s2, s14, $0xb8;
	[tilespmem:$0x4400] =	vst v63  }
0x62: {  	_ = 	snop  }
0x63: {  	[tilespmem:s16], [sflag:$0x1] =	stream.indirect.gather [hbm4b:s3+s14], $0x10, s14, s14, $0xb8;
	[tilespmem:$0x4400] =	vst v63  }
0x64: {  	_ = 	snop  }
0x65: {  	[tilespmem:s18], [sflag:$0x1] =	stream.indirect.gather [hbm4b:s3+s14], $0x10, s17, s14, $0xb8;
	[tilespmem:$0x4400] =	vst v63  }
0x66: {  	_ = 	snop  }
0x67: {  	[tilespmem:s20], [sflag:$0x1] =	stream.indirect.gather [hbm4b:s3+s14], $0x10, s19, s14, $0xb8;
	[tilespmem:$0x4400] =	vst v63  }
0x68: {  	_ =	swait.ge [sflag:s31], $0x2000  }
.Ltmp0:
0x69: {  	[sflag:s31] =	ssyncset.done $0x0;
	(pc) =	sbr.rel @p0 .LBB2_2-.Ltmp0, $4  }
0x6a: {  	[sflag:s31] =	ssyncadd.s32 $0xFFFFE000  }
0x6b: {  	[hbm4b:s0+s2] =	stream.linear.scatter [tilespmem:s22], [sflag:$0x3], $0x2000, $0x38;
	[tilespmem:$0x4400] =	vst v63  }
0x6c: {  	s5 =	sadd.s32 $0x800, s5;
	_ =	swait.ge [sflag:s13], $0x2000  }
0x6d: {  	s6 =	smov.u32 s7;
	s0 =	sadd.s32 $0x800, s0;
	[sflag:s13] =	ssyncset.done $0x0  }
0x6e: {  	s6 =	sadd.s32 s4, s12;
	[sflag:s13] =	ssyncadd.s32 $0xFFFFE000  }
0x6f: {  	[tilespmem:s21], [sflag:$0x3] =	stream.linear.gather [hbm4b:s6+s2], $0x200, $0x38;
	[tilespmem:$0x4400] =	vst v63  }
0x70: {  	_ =	swait.ge [sflag:s13], $0x200  }
0x71: {  	[sflag:s13] =	ssyncset.done $0x0  }
0x72: {  	[sflag:s13] =	ssyncadd.s32 $0xFFFFFE00  }
0x73: {  	[tilespmem:s22], [sflag:$0x2] =	stream.indirect.gather [hbm4b:s3+s14], $0x10, s21, s14, $0xb8;
	[tilespmem:$0x4400] =	vst v63  }
0x74: {  	_ = 	snop  }
0x75: {  	[tilespmem:s24], [sflag:$0x2] =	stream.indirect.gather [hbm4b:s3+s14], $0x10, s23, s14, $0xb8;
	[tilespmem:$0x4400] =	vst v63  }
0x76: {  	_ = 	snop  }
0x77: {  	[tilespmem:s26], [sflag:$0x2] =	stream.indirect.gather [hbm4b:s3+s14], $0x10, s25, s14, $0xb8;
	[tilespmem:$0x4400] =	vst v63  }
0x78: {  	_ = 	snop  }
0x79: {  	[tilespmem:s29], [sflag:$0x2] =	stream.indirect.gather [hbm4b:s3+s14], $0x10, s28, s14, $0xb8;
	[tilespmem:$0x4400] =	vst v63  }
0x7a: {  	_ =	swait.ge [sflag:s30], $0x2000  }
0x7b: {  	[sflag:s30] =	ssyncset.done $0x0  }
0x7c: {  	[sflag:s30] =	ssyncadd.s32 $0xFFFFE000  }
0x7d: {  	[hbm4b:s5+s2] =	stream.linear.scatter [tilespmem:s15], [sflag:$0x3], $0x2000, $0x38;
	[tilespmem:$0x4400] =	vst v63  }
0x7e: {  	_ =	swait.ge [sflag:s13], $0x2000  }
0x7f: {  	[sflag:s13] =	ssyncset.done $0x0  }
0x80: {  	s5 =	sadd.s32 s4, s9;
	[sflag:s13] =	ssyncadd.s32 $0xFFFFE000  }
0x81: {  	[tilespmem:s2], [sflag:$0x3] =	stream.linear.gather [hbm4b:s5+s2], $0x200, $0x38;
	[tilespmem:$0x4400] =	vst v63  }
0x82: {  	_ =	swait.ge [sflag:s13], $0x200  }
0x83: {  	[sflag:s13] =	ssyncset.done $0x0  }
0x84: {  	[sflag:s13] =	ssyncadd.s32 $0xFFFFFE00  }
0x85: {  	[tilespmem:s15], [sflag:$0x1] =	stream.indirect.gather [hbm4b:s3+s14], $0x10, s2, s14, $0xb8;
	[tilespmem:$0x4400] =	vst v63  }
0x86: {  	_ = 	snop  }
0x87: {  	[tilespmem:s16], [sflag:$0x1] =	stream.indirect.gather [hbm4b:s3+s14], $0x10, s14, s14, $0xb8;
	[tilespmem:$0x4400] =	vst v63  }
0x88: {  	_ = 	snop  }
0x89: {  	[tilespmem:s18], [sflag:$0x1] =	stream.indirect.gather [hbm4b:s3+s14], $0x10, s17, s14, $0xb8;
	[tilespmem:$0x4400] =	vst v63  }
0x8a: {  	_ = 	snop  }
0x8b: {  	[tilespmem:s20], [sflag:$0x1] =	stream.indirect.gather [hbm4b:s3+s14], $0x10, s19, s14, $0xb8;
	[tilespmem:$0x4400] =	vst v63  }
0x8c: {  	_ =	swait.ge [sflag:s31], $0x2000  }
0x8d: {  	[sflag:s31] =	ssyncset.done $0x0  }
0x8e: {  	[sflag:s31] =	ssyncadd.s32 $0xFFFFE000  }
0x8f: {  	[hbm4b:s0+s2] =	stream.linear.scatter [tilespmem:s22], [sflag:$0x3], $0x2000, $0x38;
	[tilespmem:$0x4400] =	vst v63  }
0x90: {  	_ =	swait.ge [sflag:s13], $0x2000  }
0x91: {  	[sflag:s13] =	ssyncset.done $0x0  }
0x92: {  	s6 =	rddreg [dreg:$0x4];
	[sflag:s13] =	ssyncadd.s32 $0xFFFFE000  }
0x93: {  	[tilespmem:s21], [sflag:$0x3] =	stream.linear.gather [hbm4b:s6+s2], $0x200, $0x38;
	[tilespmem:$0x4400] =	vst v63  }
0x94: {  	_ =	swait.ge [sflag:s13], $0x200  }
0x95: {  	[sflag:s13] =	ssyncset.done $0x0  }
0x96: {  	[sflag:s13] =	ssyncadd.s32 $0xFFFFFE00  }
0x97: {  	[tilespmem:s22], [sflag:$0x2] =	stream.indirect.gather [hbm4b:s3+s14], $0x10, s21, s14, $0xb8;
	[tilespmem:$0x4400] =	vst v63  }
0x98: {  	_ = 	snop  }
0x99: {  	[tilespmem:s24], [sflag:$0x2] =	stream.indirect.gather [hbm4b:s3+s14], $0x10, s23, s14, $0xb8;
	[tilespmem:$0x4400] =	vst v63  }
0x9a: {  	_ = 	snop  }
0x9b: {  	[tilespmem:s26], [sflag:$0x2] =	stream.indirect.gather [hbm4b:s3+s14], $0x10, s25, s14, $0xb8;
	[tilespmem:$0x4400] =	vst v63  }
0x9c: {  	_ = 	snop  }
0x9d: {  	[tilespmem:s29], [sflag:$0x2] =	stream.indirect.gather [hbm4b:s3+s14], $0x10, s28, s14, $0xb8;
	[tilespmem:$0x4400] =	vst v63  }
0x9e: {  	_ =	swait.ge [sflag:s30], $0x2000  }
0x9f: {  	[sflag:s30] =	ssyncset.done $0x0  }
0xa0: {  	s7 =	rddreg [dreg:$0x5];
	[sflag:s30] =	ssyncadd.s32 $0xFFFFE000  }
0xa1: {  	[hbm4b:s7+s2] =	stream.linear.scatter [tilespmem:s15], [sflag:$0x3], $0x2000, $0x38;
	[tilespmem:$0x4400] =	vst v63  }
0xa2: {  	_ =	swait.ge [sflag:s13], $0x2000  }
0xa3: {  	[sflag:s13] =	ssyncset.done $0x0  }
0xa4: {  	[sflag:s13] =	ssyncadd.s32 $0xFFFFE000  }
0xa5: {  	_ =	swait.ge [sflag:s31], $0x2000  }
0xa6: {  	[sflag:s31] =	ssyncset.done $0x0  }
0xa7: {  	s8 =	rddreg [dreg:$0x6];
	[sflag:s31] =	ssyncadd.s32 $0xFFFFE000  }
0xa8: {  	[hbm4b:s8+s2] =	stream.linear.scatter [tilespmem:s22], [sflag:$0x3], $0x2000, $0x38;
	[tilespmem:$0x4400] =	vst v63  }
0xa9: {  	_ =	swait.ge [sflag:s13], $0x2000  }
0xaa: {  	s1 =	sadd.s32 $0x1, s1;
	s10 =	rddreg [dreg:$0x3]  }
0xab: {  	p0 =	sne.s32 s1, s10  }
.Ltmp1:
0xac: {  	_ = 	snop;
	(pc) =	sbr.rel @p0 .LBB2_1-.Ltmp1, $3  }
0xad: {  	_ =	sdelay $0x1  }
0xae: {  	[sflag:s13] =	ssyncset.done $0x0  }
0xaf: {  	[sflag:s13] =	ssyncadd.s32 $0xFFFFE000  }
0xb0: {  	_ =	sfence.sel $0x180000  }
0xb1: {  	[bflag:$0x0] =	sbarrier.arrive $0xFFFF  }
0xb2: {  	_ =	strace $0x90000047  }
0xb3: {  	s0 =	stileid.u32;
	[bflag:$0x2] =	sbarrier.arrive $0xFFFF  }
0xb4: {  	p0 =	sne.s32 s0, $0x0;
	s0 =	rddreg [dreg:$0x1]  }
0xb5: {  	s0 =	sadd.s32 @!p0 $0x100000, s0  }
0xb6: {  	[sflag:s0] =	ssyncadd.tile.s32 @!p0 $0x1;
	_ =	shalt  }
.Lfunc_end2:
_tile_overlayer_lowered:
.L_overlay_start_2:
0xb7: {  	(tag) =	ssettag $0x2  }
0xb8: {  	s0 =	rddreg [dreg:$0x0];
	s2 =	stileid.u32  }
0xb9: {  	s1 =	rddreg [dreg:$0x1];
	p0 =	sne.s32 s2, $0x0  }
0xba: {  	s3 =	rddreg [dreg:$0x2];
	[bflag:$0x3] =	sbarrier.arrive $0xFFFF;
	s2 =	simm.s32 @!p0 $0x1C03  }
0xbb: {  	[timem:s3], [sflag:s2] =	dma.local @!p0 [hbm:s0], s1  }
0xbc: {  	s0 =	simm.s32 @!p0 $0x3  }
0xbd: {  	_ =	swait.ge @!p0 [sflag:s0], s1  }
0xbe: {  	s1 =	ssub.s32 @!p0 $0x0, s1;
	[sflag:s0] =	ssyncset.done @!p0 $0x0  }
0xbf: {  	[sflag:s0] =	ssyncadd.s32 @!p0 s1  }
0xc0: {  	[bflag:$0x3] =	sbarrier.arrive $0xFFFF  }
0xc1: {  	_ =	shalt  }

// kernel: kernel.18.cloned.1.call-start
scs
__scs_entry_jumppad:
0x0: {  	(pc) =	sbr.rel $0x88, $3  }
0x1: {  	(tag) =	ssettag $0x0;
	lr =	simm.s32 $0x1  }
0x2: {  	[smem:$0x3F82] =	sst lr;
	_ =	strace $0xD0000000  }
0x3: {  	_ = 	snop  }
0x4: {  	_ = 	snop  }
0x5: {  	_ = 	snop  }
0x6: {  	_ = 	snop  }
0x7: {  	_ = 	snop  }
__scs_overlays_trampoline_lowered:
0x8: {  	[smem:$0x3F91] =	sst s0  }
0x9: {  	[smem:$0x3F92] =	sst s1  }
0xa: {  	[smem:$0x3F93] =	sst s2  }
0xb: {  	[smem:$0x3F94] =	sst s3  }
0xc: {  	[smem:$0x3F95] =	sst s4  }
0xd: {  	[smem:$0x3F96] =	sst s5  }
0xe: {  	[smem:$0x3F97] =	sst s6  }
0xf: {  	[smem:$0x3F98] =	sst s7  }
0x10: {  	[smem:$0x3F99] =	sst s8  }
0x11: {  	[smem:$0x3F9A] =	sst s9;
	s0 =	simm.s32 @!p0 $0x0  }
0x12: {  	s1 =	sld [smem:$0x3F80];
	s0 =	simm.s32 @p0 $0x1  }
0x13: {  	[smem:$0x3F9B] =	sst s0;
	s0 =	simm.s32 @!p1 $0x0  }
0x14: {  	s2 =	sld [smem:$0x3F7F];
	s0 =	simm.s32 @p1 $0x1  }
0x15: {  	[smem:$0x3F9C] =	sst s0;
	s0 =	simm.s32 @!p2 $0x0  }
0x16: {  	s3 =	sld [smem:$0x3FDB];
	s0 =	simm.s32 @p2 $0x1  }
0x17: {  	s4 =	simm.s32 $0x1BF5;
	[smem:$0x3F9E] =	sst s0  }
0x18: {  	s0 =	sld [smem:$0x3F81];
	_ =	swait.ge [sflag:s4], $0x0  }
0x19: {  	s7 =	sld [smem:$0x3F82]  }
0x1a: {  	s8 =	sadd.s32 $0xFFFFE003, lr  }
0x1b: {  	s9 =	sadd.s32 $0xFFFFFEF7, lr;
	s5 =	simm.s32 $0xFFFFFFFF;
	p2 =	slt.u32 s8, $0xFFFFF086  }
0x1c: {  	p1 =	slt.u32 s9, $0xF7A;
	s5 =	simm.s32 @!p2 $0x0  }
0x1d: {  	s5 =	simm.s32 @p1 $0x1;
	p0 =	seq.s32 s7, s2  }
0x1e: {  	s7 =	smul.u32 @!p0 $0xF7A, s2;
	p2 =	seq.s32 @!p0 s5, $0x0  }
0x1f: {  	s9 =	smul.u32 $0xF7A, s1;
	s8 =	simm.s32 @!p0 $0x1BF5;
	p2 =	por !p2, p0  }
0x20: {  	[sflag:s8] =	ssyncset.s32 @!p0 $0xFFFFF086;
	s6 =	sadd.s32 @!p0 s3, s7;
	s7 =	simm.s32 @!p0 $0x108  }
0x21: {  	s3 =	sadd.s32 s3, s9;
	s6 =	sadd.s32 @!p0 $0x88, s6;
	s7 =	simm.s32 @p2 $0x1082  }
0x22: {  	[simem:s7], [sflag:s8] =	dma.local @!p0 [hbm:s6], $0xF7A  }
0x23: {  	s9 =	sor.u32 $0xD0000000, s2;
	s6 =	simm.s32 $0x108;
	_ =	swait.ge @!p0 [sflag:s8], $0x0  }
0x24: {  	s3 =	sadd.s32 $0x88, s3;
	s6 =	simm.s32 @!p1 $0x1082;
	[sflag:s4] =	ssyncset.s32 $0xFFFFF086  }
0x25: {  	[simem:s6], [sflag:s4] =	dma.local [hbm:s3], $0xF7A  }
0x26: {  	[smem:$0x3F82] =	sst s1;
	(tag) =	ssettag s2;
	_ =	strace s9  }
0x27: {  	s1 =	sld [smem:$0x3F92]  }
0x28: {  	s2 =	sld [smem:$0x3F93]  }
0x29: {  	s4 =	sld [smem:$0x3F95]  }
0x2a: {  	p0 =	seq.s32 s5, $0x0;
	s5 =	sld [smem:$0x3F96]  }
0x2b: {  	s6 =	sld [smem:$0x3F97]  }
0x2c: {  	s7 =	sld [smem:$0x3F98]  }
0x2d: {  	s3 =	simm.s32 $0x108;
	s8 =	sld [smem:$0x3F99]  }
0x2e: {  	s3 =	simm.s32 @!p0 $0x1082;
	s9 =	sld [smem:$0x3F9A]  }
0x2f: {  	lr =	sadd.s32 s0, s3;
	s0 =	sld [smem:$0x3F91]  }
0x30: {  	s3 =	sld [smem:$0x3F94]  }
0x31: {  	[smem:$0x3F9D] =	sst s10  }
0x32: {  	s10 =	sld [smem:$0x3F9B];
	_ =	sdelay $0x3  }
0x33: {  	p0 =	seq.s32 s10, $0x1;
	s10 =	sld [smem:$0x3F9D];
	_ =	sdelay $0x3  }
0x34: {  	[smem:$0x3F9D] =	sst s10  }
0x35: {  	s10 =	sld [smem:$0x3F9C];
	_ =	sdelay $0x3  }
0x36: {  	p1 =	seq.s32 s10, $0x1;
	s10 =	sld [smem:$0x3F9D];
	_ =	sdelay $0x3  }
0x37: {  	[smem:$0x3F9D] =	sst s10  }
0x38: {  	s10 =	sld [smem:$0x3F9E]  }
0x39: {  	_ = 	snop;
	(pc) =	sbr.ind lr, $3  }
0x3a: {  	_ = 	snop  }
0x3b: {  	_ = 	snop  }
0x3c: {  	p2 =	seq.s32 s10, $0x1;
	s10 =	sld [smem:$0x3F9D]  }
0x3d: {  	_ =	shalt  }
0x3e: {  	_ =	shalt  }
0x3f: {  	_ =	shalt  }
0x40: {  	_ =	shalt  }
0x41: {  	_ =	shalt  }
0x42: {  	_ =	shalt  }
0x43: {  	_ =	shalt  }
0x44: {  	_ =	shalt  }
0x45: {  	_ =	shalt  }
0x46: {  	_ =	shalt  }
0x47: {  	_ =	shalt  }
0x48: {  	_ =	shalt  }
0x49: {  	_ =	shalt  }
0x4a: {  	_ =	shalt  }
0x4b: {  	_ =	shalt  }
0x4c: {  	_ =	shalt  }
0x4d: {  	_ =	shalt  }
0x4e: {  	_ =	shalt  }
0x4f: {  	_ =	shalt  }
0x50: {  	_ =	shalt  }
0x51: {  	_ =	shalt  }
0x52: {  	_ =	shalt  }
0x53: {  	_ =	shalt  }
0x54: {  	_ =	shalt  }
0x55: {  	_ =	shalt  }
0x56: {  	_ =	shalt  }
0x57: {  	_ =	shalt  }
0x58: {  	_ =	shalt  }
0x59: {  	_ =	shalt  }
0x5a: {  	_ =	shalt  }
0x5b: {  	_ =	shalt  }
0x5c: {  	_ =	shalt  }
0x5d: {  	_ =	shalt  }
0x5e: {  	_ =	shalt  }
0x5f: {  	_ =	shalt  }
0x60: {  	_ =	shalt  }
0x61: {  	_ =	shalt  }
0x62: {  	_ =	shalt  }
0x63: {  	_ =	shalt  }
0x64: {  	_ =	shalt  }
0x65: {  	_ =	shalt  }
0x66: {  	_ =	shalt  }
0x67: {  	_ =	shalt  }
0x68: {  	_ =	shalt  }
0x69: {  	_ =	shalt  }
0x6a: {  	_ =	shalt  }
0x6b: {  	_ =	shalt  }
0x6c: {  	_ =	shalt  }
0x6d: {  	_ =	shalt  }
0x6e: {  	_ =	shalt  }
0x6f: {  	_ =	shalt  }
0x70: {  	_ =	shalt  }
0x71: {  	_ =	shalt  }
0x72: {  	_ =	shalt  }
0x73: {  	_ =	shalt  }
0x74: {  	_ =	shalt  }
0x75: {  	_ =	shalt  }
0x76: {  	_ =	shalt  }
0x77: {  	_ =	shalt  }
0x78: {  	_ =	shalt  }
0x79: {  	_ =	shalt  }
0x7a: {  	_ =	shalt  }
0x7b: {  	_ =	shalt  }
0x7c: {  	_ =	shalt  }
0x7d: {  	_ =	shalt  }
0x7e: {  	_ =	shalt  }
0x7f: {  	_ =	shalt  }
0x80: {  	_ =	shalt  }
0x81: {  	_ =	shalt  }
0x82: {  	_ =	shalt  }
0x83: {  	_ =	shalt  }
0x84: {  	_ =	shalt  }
0x85: {  	_ =	shalt  }
0x86: {  	_ =	shalt  }
0x87: {  	_ =	shalt  }
.Lfunc_end0:
.L_simem_size_0:
called_computation.1_lowered:
.L_overlay_start_0:
0x88: {  	s2 =	sld [smem:$0x3FD9]  }
0x89: {  	s3 =	sld [smem:$0x3FFE];
	_ =	sdelay $0x1  }
0x8a: {  	s1 =	srdreg.scid  }
0x8b: {  	s0 =	sand.u32 $0x1, s1  }
0x8c: {  	s16 =	sshll.u32 s0, $0xA;
	s2 =	sadd.s32 s3, s2  }
0x8d: {  	s2 =	sadd.s32 s2, s16  }
0x8e: {  	[smem:$0x3FA9] =	sst s2  }
0x8f: {  	_ = 	snop  }
0x90: {  	(tm) =	ssettm $0x1  }
0x91: {  	s17 =	sld [smem:$0x3FFB];
	_ =	sdelay $0x3  }
0x92: {  	_ =	strace s17  }
0x93: {  	s2 =	sld [smem:$0x3FFC];
	_ =	sdelay $0x3  }
0x94: {  	_ =	strace s2  }
0x95: {  	s2 =	sld [smem:$0x3FFD];
	_ =	sdelay $0x3  }
0x96: {  	_ =	strace s2  }
0x97: {  	_ =	strace $0x8FFFFFFF  }
0x98: {  	s18 =	sld [smem:$0x3FDB];
	_ =	sdelay $0x1  }
0x99: {  	s19 =	simm.s32 $_scs_section_size  }
0x9a: {  	s4 =	simm.s32 $_size__tile_overlayer_lowered;
	s5 =	simm.s32 $_tile_overlayer_lowered  }
0x9b: {  	s22 =	simm.s32 $0x1BFF;
	s21 =	sshll.u32 s5, $0x1;
	s2 =	sadd.s32 s19, s18  }
0x9c: {  	s6 =	simm.s32 $0x0;
	s20 =	sshll.u32 s4, $0x1;
	s4 =	sadd.s32 s21, s2  }
0x9d: {  	[timem:s6], [sflag:s22] =	dma.local [hbm:s4], s20  }
0x9e: {  	_ =	swait.ge [sflag:s22], s20  }
0x9f: {  	s3 =	ssub.s32 $0x0, s20;
	[sflag:s22] =	ssyncset.done $0x0  }
0xa0: {  	[sflag:s22] =	ssyncadd.s32 s3;
	_ =	sdelay $0x1  }
0xa1: {  	s23 =	simm.s32 $0x1B8B  }
0xa2: {  	_ =	swait.ge [sflag:s23], $0x1  }
0xa3: {  	[sflag:s23] =	ssyncset.done $0x0  }
0xa4: {  	s25 =	simm.s32 $0x1B8E;
	s24 =	sld [smem:$0x3FFE];
	[sflag:s23] =	ssyncadd.s32 $0xFFFFFFFF  }
0xa5: {  	s26 =	simm.s32 $execute0_lowered;
	[smem:$0x3FD2] =	sst s25  }
0xa6: {  	s4 =	sshll.u32 s26, $0x1;
	_ =	strace $0x80000049;
	[dreg:$0x1] =	wrdreg $0xFFFFFFFF  }
0xa7: {  	s28 =	simm.s32 $_size_execute0_lowered;
	s2 =	sadd.s32 s2, s4;
	[dreg:$0x0] =	wrdreg $0x0  }
0xa8: {  	s4 =	sshll.u32 s28, $0x1;
	[dreg:$0x2] =	wrdreg s2  }
0xa9: {  	[dreg:$0x3] =	wrdreg s4  }
0xaa: {  	[dreg:$0x4] =	wrdreg $0xC0  }
0xab: {  	_ =	task [dreg:s6], $0x5FFFF  }
0xac: {  	[dreg:$0x1] =	wrdreg $0xFFFFFFFF  }
0xad: {  	[dreg:$0x0] =	wrdreg $0x60  }
0xae: {  	[dreg:$0x2] =	wrdreg s24  }
0xaf: {  	[dreg:$0x3] =	wrdreg $0x9  }
0xb0: {  	_ =	task.clear_ibuf [dreg:s6], $0x4FFFF;
	_ =	strace $0x90000049  }
0xb1: {  	s29 =	simm.s32 $0x9;
	_ =	strace $0x8000004B  }
0xb2: {  	_ =	swait.ge [sflag:s29], $0x1  }
0xb3: {  	[sflag:s29] =	ssyncadd.s32 $0xFFFFFFFF  }
0xb4: {  	_ =	strace $0x9000004B  }
0xb5: {  	_ =	sfence  }
0xb6: {  	s30 =	sld [smem:$0x0];
	_ =	sdelay $0x2  }
0xb7: {  	s31 =	sshll.u32 s1, $0xD;
	s1 =	sshrl.u32 s1, $0x2  }
0xb8: {  	s3 =	sand.u32 $0x4000, s31;
	s1 =	sadd.s32 s1, s30  }
0xb9: {  	s0 =	sor.u32 s3, s0;
	s1 =	sshll.u32 s1, $0x11  }
0xba: {  	s0 =	sor.u32 s1, s0  }
0xbb: {  	s0 =	sadd.s32 $0x8F2B, s0  }
0xbc: {  	[sflag:s0] =	ssyncadd.remote.s32 $0x1  }
0xbd: {  	_ =	sfence.sel $0xFFFF  }
0xbe: {  	[dreg:$0x0] =	wrdreg $0xFFFFFFFF;
	(pc) =	sbr.abs _section_cstart, $3  }
0xbf: {  	[dreg:$0x1] =	wrdreg $0xFFFFFFFF  }
0xc0: {  	_ =	task.clear_ibuf [dreg:s6], $0x2FFFF;
	_ =	strace $0x9FFFFFFF  }
0xc1: {  	(tm) =	ssettm $0x7FFFFFFF  }
tec
execute0_lowered:
.L_overlay_start_1:
0x0: {  	(tag) =	ssettag $0x1  }
0x1: {  	s0 =	srdreg.scid;
	s11 =	stileid.u32  }
0x2: {  	s1 =	rddreg [dreg:$0x0];
	s2 =	simm.s32 $0x0;
	s13 =	simm.s32 $0x3  }
0x3: {  	s14 =	simm.s32 $0x80;
	s28 =	simm.s32 $0x380;
	s17 =	smul.u32 $0xA00, s11  }
0x4: {  	s29 =	simm.s32 $0xE400;
	s30 =	simm.s32 $0x1;
	s10 =	smul.u32 $0x5000, s11  }
0x5: {  	s0 =	sand.u32 $0x1, s0;
	s3 =	sshll.u32 s11, $0x1;
	s11 =	smul.u32 $0x28000, s11  }
0x6: {  	s31 =	simm.s32 $0x2;
	[smem:$0x7FF] =	sst s2;
	s18 =	smul.u32 $0x500, s0  }
0x7: {  	s6 =	sadd.s32 $0x7A00, s1;
	s4 =	sor.u32 s0, s3;
	s21 =	smul.u32 $0x2800, s0  }
0x8: {  	_ =	strace $0x8000004A;
	s7 =	ssub.s32 $0x2, s0;
	s0 =	smul.u32 $0x14000, s0  }
0x9: {  	s3 =	sadd.s32 $0x51A00, s1;
	s1 =	sadd.s32 $0x71A00, s1;
	s5 =	smul.u32 $0x14, s4  }
0xa: {  	s8 =	sshrl.u32 s7, $0x1;
	s4 =	smul.u32 $0x500, s4;
	s22 =	sadd.s32 s17, s6  }
0xb: {  	s24 =	sadd.s32 s11, s1;
	s17 =	simm.s32 $0x100;
	s7 =	ssub.s32 s7, s8  }
0xc: {  	s23 =	sadd.s32 s21, s10;
	s0 =	sadd.s32 s0, s24;
	s21 =	simm.s32 $0x200  }
0xd: {  	s24 =	simm.s32 $0xA400;
	s5 =	sadd.s32 $0x12, s5;
	s4 =	sadd.s32 s6, s4  }
0xe: {  	s7 =	smax.u32 s7, $0x1;
	[dreg:$0x7] =	wrdreg s0;
	s9 =	sshll.u32 s5, $0x9  }
0xf: {  	[dreg:$0x2] =	wrdreg s4;
	s5 =	sshll.u32 s5, $0xC;
	s15 =	sor.u32 $0x200, s9  }
0x10: {  	[dreg:$0x3] =	wrdreg s7;
	s5 =	sadd.s32 s1, s5;
	s16 =	sshrl.u32 s15, $0x3  }
0x11: {  	s19 =	sshll.u32 s15, $0x3;
	[dreg:$0x5] =	wrdreg s5;
	s15 =	simm.s32 $0x400  }
0x12: {  	s4 =	sadd.s32 s6, s16;
	s20 =	sand.u32 $0x1FFFF000, s19;
	s16 =	simm.s32 $0x2400  }
0x13: {  	s19 =	simm.s32 $0x180;
	[dreg:$0x4] =	wrdreg s4;
	s5 =	sadd.s32 s1, s20  }
0x14: {  	s4 =	sadd.s32 s18, s22;
	s18 =	simm.s32 $0x4400;
	s20 =	simm.s32 $0x6400  }
0x15: {  	s22 =	simm.s32 $0x8400;
	[dreg:$0x6] =	wrdreg s5;
	s5 =	sor.u32 $0x200, s23  }
0x16: {  	s9 =	sadd.s32 $0x80, s4;
	s25 =	sshll.u32 s5, $0x3;
	s26 =	sshrl.u32 s5, $0x3  }
0x17: {  	s23 =	simm.s32 $0x280;
	s11 =	sadd.s32 s25, s1;
	s12 =	sadd.s32 s26, s6  }
0x18: {  	s25 =	simm.s32 $0x300;
	s26 =	simm.s32 $0xC400;
	s1 =	simm.s32 $0x0  }
.LBB2_1:
0x19: {  	s0 =	rddreg [dreg:$0x2]  }
0x1a: {  	[tilespmem:s2], [sflag:$0x3] =	stream.linear.gather [hbm4b:s0+s2], $0x200, $0x38;
	[tilespmem:$0x10400] =	vst v63  }
0x1b: {  	_ =	swait.ge [sflag:s13], $0x200  }
0x1c: {  	[sflag:s13] =	ssyncset.done $0x0  }
0x1d: {  	[sflag:s13] =	ssyncadd.s32 $0xFFFFFE00  }
0x1e: {  	[tilespmem:s15], [sflag:$0x1] =	stream.indirect.gather [hbm4b:s3+s14], $0x40, s2, s14, $0xb8;
	[tilespmem:$0x10400] =	vst v63  }
0x1f: {  	_ = 	snop  }
0x20: {  	[tilespmem:s16], [sflag:$0x1] =	stream.indirect.gather [hbm4b:s3+s14], $0x40, s14, s14, $0xb8;
	[tilespmem:$0x10400] =	vst v63  }
0x21: {  	_ = 	snop  }
0x22: {  	[tilespmem:s18], [sflag:$0x1] =	stream.indirect.gather [hbm4b:s3+s14], $0x40, s17, s14, $0xb8;
	[tilespmem:$0x10400] =	vst v63  }
0x23: {  	_ = 	snop  }
0x24: {  	[tilespmem:s20], [sflag:$0x1] =	stream.indirect.gather [hbm4b:s3+s14], $0x40, s19, s14, $0xb8;
	[tilespmem:$0x10400] =	vst v63  }
0x25: {  	s8 =	sadd.s32 $0x0, s12  }
0x26: {  	[tilespmem:s21], [sflag:$0x3] =	stream.linear.gather [hbm4b:s8+s2], $0x200, $0x38;
	[tilespmem:$0x10400] =	vst v63  }
0x27: {  	_ =	swait.ge [sflag:s13], $0x200  }
0x28: {  	[sflag:s13] =	ssyncset.done $0x0  }
0x29: {  	[sflag:s13] =	ssyncadd.s32 $0xFFFFFE00  }
0x2a: {  	[tilespmem:s22], [sflag:$0x2] =	stream.indirect.gather [hbm4b:s3+s14], $0x40, s21, s14, $0xb8;
	[tilespmem:$0x10400] =	vst v63  }
0x2b: {  	_ = 	snop  }
0x2c: {  	[tilespmem:s24], [sflag:$0x2] =	stream.indirect.gather [hbm4b:s3+s14], $0x40, s23, s14, $0xb8;
	[tilespmem:$0x10400] =	vst v63  }
0x2d: {  	_ = 	snop  }
0x2e: {  	[tilespmem:s26], [sflag:$0x2] =	stream.indirect.gather [hbm4b:s3+s14], $0x40, s25, s14, $0xb8;
	[tilespmem:$0x10400] =	vst v63  }
0x2f: {  	_ = 	snop  }
0x30: {  	[tilespmem:s29], [sflag:$0x2] =	stream.indirect.gather [hbm4b:s3+s14], $0x40, s28, s14, $0xb8;
	[tilespmem:$0x10400] =	vst v63  }
0x31: {  	_ =	swait.ge [sflag:s30], $0x8000  }
0x32: {  	[sflag:s30] =	ssyncset.done $0x0  }
0x33: {  	s5 =	rddreg [dreg:$0x7];
	[sflag:s30] =	ssyncadd.s32 $0xFFFF8000  }
0x34: {  	[hbm4b:s5+s2] =	stream.linear.scatter [tilespmem:s15], [sflag:$0x3], $0x8000, $0x38;
	[tilespmem:$0x10400] =	vst v63  }
0x35: {  	_ =	swait.ge [sflag:s13], $0x8000  }
0x36: {  	[sflag:s13] =	ssyncset.done $0x0  }
0x37: {  	s10 =	sadd.s32 $0x0, s9;
	[sflag:s13] =	ssyncadd.s32 $0xFFFF8000  }
0x38: {  	[tilespmem:s2], [sflag:$0x3] =	stream.linear.gather [hbm4b:s10+s2], $0x200, $0x38;
	[tilespmem:$0x10400] =	vst v63  }
0x39: {  	_ =	swait.ge [sflag:s13], $0x200  }
0x3a: {  	[sflag:s13] =	ssyncset.done $0x0  }
0x3b: {  	[sflag:s13] =	ssyncadd.s32 $0xFFFFFE00  }
0x3c: {  	[tilespmem:s15], [sflag:$0x1] =	stream.indirect.gather [hbm4b:s3+s14], $0x40, s2, s14, $0xb8;
	[tilespmem:$0x10400] =	vst v63  }
0x3d: {  	_ = 	snop  }
0x3e: {  	[tilespmem:s16], [sflag:$0x1] =	stream.indirect.gather [hbm4b:s3+s14], $0x40, s14, s14, $0xb8;
	[tilespmem:$0x10400] =	vst v63  }
0x3f: {  	_ = 	snop  }
0x40: {  	[tilespmem:s18], [sflag:$0x1] =	stream.indirect.gather [hbm4b:s3+s14], $0x40, s17, s14, $0xb8;
	[tilespmem:$0x10400] =	vst v63  }
0x41: {  	_ = 	snop  }
0x42: {  	[tilespmem:s20], [sflag:$0x1] =	stream.indirect.gather [hbm4b:s3+s14], $0x40, s19, s14, $0xb8;
	[tilespmem:$0x10400] =	vst v63  }
0x43: {  	_ =	swait.ge [sflag:s31], $0x8000  }
0x44: {  	[sflag:s31] =	ssyncset.done $0x0  }
0x45: {  	[sflag:s31] =	ssyncadd.s32 $0xFFFF8000  }
0x46: {  	[hbm4b:s11+s2] =	stream.linear.scatter [tilespmem:s22], [sflag:$0x3], $0x8000, $0x38;
	[tilespmem:$0x10400] =	vst v63  }
0x47: {  	s4 =	simm.s32 $0x80;
	s6 =	simm.s32 $0x100;
	_ =	swait.ge [sflag:s13], $0x8000  }
0x48: {  	s0 =	sadd.s32 $0x2000, s11;
	s5 =	sadd.s32 $0x2000, s5;
	[sflag:s13] =	ssyncset.done $0x0  }
.LBB2_2:
0x49: {  	s8 =	sadd.s32 s4, s12  }
0x4a: {  	[sflag:s13] =	ssyncadd.s32 $0xFFFF8000;
	s10 =	smov.u32 s6;
	s7 =	sadd.s32 $0x80, s6  }
0x4b: {  	[tilespmem:s21], [sflag:$0x3] =	stream.linear.gather [hbm4b:s8+s2], $0x200, $0x38;
	[tilespmem:$0x10400] =	vst v63  }
0x4c: {  	p0 =	sne.s32 s6, $0x400;
	_ =	swait.ge [sflag:s13], $0x200  }
0x4d: {  	[sflag:s13] =	ssyncset.done $0x0  }
0x4e: {  	[sflag:s13] =	ssyncadd.s32 $0xFFFFFE00  }
0x4f: {  	[tilespmem:s22], [sflag:$0x2] =	stream.indirect.gather [hbm4b:s3+s14], $0x40, s21, s14, $0xb8;
	[tilespmem:$0x10400] =	vst v63  }
0x50: {  	_ = 	snop  }
0x51: {  	[tilespmem:s24], [sflag:$0x2] =	stream.indirect.gather [hbm4b:s3+s14], $0x40, s23, s14, $0xb8;
	[tilespmem:$0x10400] =	vst v63  }
0x52: {  	_ = 	snop  }
0x53: {  	[tilespmem:s26], [sflag:$0x2] =	stream.indirect.gather [hbm4b:s3+s14], $0x40, s25, s14, $0xb8;
	[tilespmem:$0x10400] =	vst v63  }
0x54: {  	_ = 	snop  }
0x55: {  	[tilespmem:s29], [sflag:$0x2] =	stream.indirect.gather [hbm4b:s3+s14], $0x40, s28, s14, $0xb8;
	[tilespmem:$0x10400] =	vst v63  }
0x56: {  	_ =	swait.ge [sflag:s30], $0x8000  }
0x57: {  	[sflag:s30] =	ssyncset.done $0x0  }
0x58: {  	[sflag:s30] =	ssyncadd.s32 $0xFFFF8000  }
0x59: {  	[hbm4b:s5+s2] =	stream.linear.scatter [tilespmem:s15], [sflag:$0x3], $0x8000, $0x38;
	[tilespmem:$0x10400] =	vst v63  }
0x5a: {  	_ =	swait.ge [sflag:s13], $0x8000  }
0x5b: {  	[sflag:s13] =	ssyncset.done $0x0  }
0x5c: {  	s6 =	sadd.s32 s4, s9;
	s4 =	smov.u32 s10;
	[sflag:s13] =	ssyncadd.s32 $0xFFFF8000  }
0x5d: {  	[tilespmem:s2], [sflag:$0x3] =	stream.linear.gather [hbm4b:s6+s2], $0x200, $0x38;
	[tilespmem:$0x10400] =	vst v63  }
0x5e: {  	_ =	swait.ge [sflag:s13], $0x200  }
0x5f: {  	[sflag:s13] =	ssyncset.done $0x0  }
0x60: {  	[sflag:s13] =	ssyncadd.s32 $0xFFFFFE00  }
0x61: {  	[tilespmem:s15], [sflag:$0x1] =	stream.indirect.gather [hbm4b:s3+s14], $0x40, s2, s14, $0xb8;
	[tilespmem:$0x10400] =	vst v63  }
0x62: {  	_ = 	snop  }
0x63: {  	[tilespmem:s16], [sflag:$0x1] =	stream.indirect.gather [hbm4b:s3+s14], $0x40, s14, s14, $0xb8;
	[tilespmem:$0x10400] =	vst v63  }
0x64: {  	_ = 	snop  }
0x65: {  	[tilespmem:s18], [sflag:$0x1] =	stream.indirect.gather [hbm4b:s3+s14], $0x40, s17, s14, $0xb8;
	[tilespmem:$0x10400] =	vst v63  }
0x66: {  	_ = 	snop  }
0x67: {  	[tilespmem:s20], [sflag:$0x1] =	stream.indirect.gather [hbm4b:s3+s14], $0x40, s19, s14, $0xb8;
	[tilespmem:$0x10400] =	vst v63  }
0x68: {  	_ =	swait.ge [sflag:s31], $0x8000  }
.Ltmp0:
0x69: {  	[sflag:s31] =	ssyncset.done $0x0;
	(pc) =	sbr.rel @p0 .LBB2_2-.Ltmp0, $4  }
0x6a: {  	[sflag:s31] =	ssyncadd.s32 $0xFFFF8000  }
0x6b: {  	[hbm4b:s0+s2] =	stream.linear.scatter [tilespmem:s22], [sflag:$0x3], $0x8000, $0x38;
	[tilespmem:$0x10400] =	vst v63  }
0x6c: {  	s5 =	sadd.s32 $0x2000, s5;
	_ =	swait.ge [sflag:s13], $0x8000  }
0x6d: {  	s6 =	smov.u32 s7;
	s0 =	sadd.s32 $0x2000, s0;
	[sflag:s13] =	ssyncset.done $0x0  }
0x6e: {  	s6 =	sadd.s32 s4, s12;
	[sflag:s13] =	ssyncadd.s32 $0xFFFF8000  }
0x6f: {  	[tilespmem:s21], [sflag:$0x3] =	stream.linear.gather [hbm4b:s6+s2], $0x200, $0x38;
	[tilespmem:$0x10400] =	vst v63  }
0x70: {  	_ =	swait.ge [sflag:s13], $0x200  }
0x71: {  	[sflag:s13] =	ssyncset.done $0x0  }
0x72: {  	[sflag:s13] =	ssyncadd.s32 $0xFFFFFE00  }
0x73: {  	[tilespmem:s22], [sflag:$0x2] =	stream.indirect.gather [hbm4b:s3+s14], $0x40, s21, s14, $0xb8;
	[tilespmem:$0x10400] =	vst v63  }
0x74: {  	_ = 	snop  }
0x75: {  	[tilespmem:s24], [sflag:$0x2] =	stream.indirect.gather [hbm4b:s3+s14], $0x40, s23, s14, $0xb8;
	[tilespmem:$0x10400] =	vst v63  }
0x76: {  	_ = 	snop  }
0x77: {  	[tilespmem:s26], [sflag:$0x2] =	stream.indirect.gather [hbm4b:s3+s14], $0x40, s25, s14, $0xb8;
	[tilespmem:$0x10400] =	vst v63  }
0x78: {  	_ = 	snop  }
0x79: {  	[tilespmem:s29], [sflag:$0x2] =	stream.indirect.gather [hbm4b:s3+s14], $0x40, s28, s14, $0xb8;
	[tilespmem:$0x10400] =	vst v63  }
0x7a: {  	_ =	swait.ge [sflag:s30], $0x8000  }
0x7b: {  	[sflag:s30] =	ssyncset.done $0x0  }
0x7c: {  	[sflag:s30] =	ssyncadd.s32 $0xFFFF8000  }
0x7d: {  	[hbm4b:s5+s2] =	stream.linear.scatter [tilespmem:s15], [sflag:$0x3], $0x8000, $0x38;
	[tilespmem:$0x10400] =	vst v63  }
0x7e: {  	_ =	swait.ge [sflag:s13], $0x8000  }
0x7f: {  	[sflag:s13] =	ssyncset.done $0x0  }
0x80: {  	s5 =	sadd.s32 s4, s9;
	[sflag:s13] =	ssyncadd.s32 $0xFFFF8000  }
0x81: {  	[tilespmem:s2], [sflag:$0x3] =	stream.linear.gather [hbm4b:s5+s2], $0x200, $0x38;
	[tilespmem:$0x10400] =	vst v63  }
0x82: {  	_ =	swait.ge [sflag:s13], $0x200  }
0x83: {  	[sflag:s13] =	ssyncset.done $0x0  }
0x84: {  	[sflag:s13] =	ssyncadd.s32 $0xFFFFFE00  }
0x85: {  	[tilespmem:s15], [sflag:$0x1] =	stream.indirect.gather [hbm4b:s3+s14], $0x40, s2, s14, $0xb8;
	[tilespmem:$0x10400] =	vst v63  }
0x86: {  	_ = 	snop  }
0x87: {  	[tilespmem:s16], [sflag:$0x1] =	stream.indirect.gather [hbm4b:s3+s14], $0x40, s14, s14, $0xb8;
	[tilespmem:$0x10400] =	vst v63  }
0x88: {  	_ = 	snop  }
0x89: {  	[tilespmem:s18], [sflag:$0x1] =	stream.indirect.gather [hbm4b:s3+s14], $0x40, s17, s14, $0xb8;
	[tilespmem:$0x10400] =	vst v63  }
0x8a: {  	_ = 	snop  }
0x8b: {  	[tilespmem:s20], [sflag:$0x1] =	stream.indirect.gather [hbm4b:s3+s14], $0x40, s19, s14, $0xb8;
	[tilespmem:$0x10400] =	vst v63  }
0x8c: {  	_ =	swait.ge [sflag:s31], $0x8000  }
0x8d: {  	[sflag:s31] =	ssyncset.done $0x0  }
0x8e: {  	[sflag:s31] =	ssyncadd.s32 $0xFFFF8000  }
0x8f: {  	[hbm4b:s0+s2] =	stream.linear.scatter [tilespmem:s22], [sflag:$0x3], $0x8000, $0x38;
	[tilespmem:$0x10400] =	vst v63  }
0x90: {  	_ =	swait.ge [sflag:s13], $0x8000  }
0x91: {  	[sflag:s13] =	ssyncset.done $0x0  }
0x92: {  	s6 =	rddreg [dreg:$0x4];
	[sflag:s13] =	ssyncadd.s32 $0xFFFF8000  }
0x93: {  	[tilespmem:s21], [sflag:$0x3] =	stream.linear.gather [hbm4b:s6+s2], $0x200, $0x38;
	[tilespmem:$0x10400] =	vst v63  }
0x94: {  	_ =	swait.ge [sflag:s13], $0x200  }
0x95: {  	[sflag:s13] =	ssyncset.done $0x0  }
0x96: {  	[sflag:s13] =	ssyncadd.s32 $0xFFFFFE00  }
0x97: {  	[tilespmem:s22], [sflag:$0x2] =	stream.indirect.gather [hbm4b:s3+s14], $0x40, s21, s14, $0xb8;
	[tilespmem:$0x10400] =	vst v63  }
0x98: {  	_ = 	snop  }
0x99: {  	[tilespmem:s24], [sflag:$0x2] =	stream.indirect.gather [hbm4b:s3+s14], $0x40, s23, s14, $0xb8;
	[tilespmem:$0x10400] =	vst v63  }
0x9a: {  	_ = 	snop  }
0x9b: {  	[tilespmem:s26], [sflag:$0x2] =	stream.indirect.gather [hbm4b:s3+s14], $0x40, s25, s14, $0xb8;
	[tilespmem:$0x10400] =	vst v63  }
0x9c: {  	_ = 	snop  }
0x9d: {  	[tilespmem:s29], [sflag:$0x2] =	stream.indirect.gather [hbm4b:s3+s14], $0x40, s28, s14, $0xb8;
	[tilespmem:$0x10400] =	vst v63  }
0x9e: {  	_ =	swait.ge [sflag:s30], $0x8000  }
0x9f: {  	[sflag:s30] =	ssyncset.done $0x0  }
0xa0: {  	s7 =	rddreg [dreg:$0x5];
	[sflag:s30] =	ssyncadd.s32 $0xFFFF8000  }
0xa1: {  	[hbm4b:s7+s2] =	stream.linear.scatter [tilespmem:s15], [sflag:$0x3], $0x8000, $0x38;
	[tilespmem:$0x10400] =	vst v63  }
0xa2: {  	_ =	swait.ge [sflag:s13], $0x8000  }
0xa3: {  	[sflag:s13] =	ssyncset.done $0x0  }
0xa4: {  	[sflag:s13] =	ssyncadd.s32 $0xFFFF8000  }
0xa5: {  	_ =	swait.ge [sflag:s31], $0x8000  }
0xa6: {  	[sflag:s31] =	ssyncset.done $0x0  }
0xa7: {  	s8 =	rddreg [dreg:$0x6];
	[sflag:s31] =	ssyncadd.s32 $0xFFFF8000  }
0xa8: {  	[hbm4b:s8+s2] =	stream.linear.scatter [tilespmem:s22], [sflag:$0x3], $0x8000, $0x38;
	[tilespmem:$0x10400] =	vst v63  }
0xa9: {  	_ =	swait.ge [sflag:s13], $0x8000  }
0xaa: {  	s1 =	sadd.s32 $0x1, s1;
	s10 =	rddreg [dreg:$0x3]  }
0xab: {  	p0 =	sne.s32 s1, s10  }
.Ltmp1:
0xac: {  	_ = 	snop;
	(pc) =	sbr.rel @p0 .LBB2_1-.Ltmp1, $3  }
0xad: {  	_ =	sdelay $0x1  }
0xae: {  	[sflag:s13] =	ssyncset.done $0x0  }
0xaf: {  	[sflag:s13] =	ssyncadd.s32 $0xFFFF8000  }
0xb0: {  	_ =	sfence.sel $0x180000  }
0xb1: {  	[bflag:$0x0] =	sbarrier.arrive $0xFFFF  }
0xb2: {  	_ =	strace $0x9000004A  }
0xb3: {  	s0 =	stileid.u32;
	[bflag:$0x2] =	sbarrier.arrive $0xFFFF  }
0xb4: {  	p0 =	sne.s32 s0, $0x0;
	s0 =	rddreg [dreg:$0x1]  }
0xb5: {  	s0 =	sadd.s32 @!p0 $0x100000, s0  }
0xb6: {  	[sflag:s0] =	ssyncadd.tile.s32 @!p0 $0x1;
	_ =	shalt  }
.Lfunc_end2:
_tile_overlayer_lowered:
.L_overlay_start_2:
0xb7: {  	(tag) =	ssettag $0x2  }
0xb8: {  	s0 =	rddreg [dreg:$0x0];
	s2 =	stileid.u32  }
0xb9: {  	s1 =	rddreg [dreg:$0x1];
	p0 =	sne.s32 s2, $0x0  }
0xba: {  	s3 =	rddreg [dreg:$0x2];
	[bflag:$0x3] =	sbarrier.arrive $0xFFFF;
	s2 =	simm.s32 @!p0 $0x1C03  }
0xbb: {  	[timem:s3], [sflag:s2] =	dma.local @!p0 [hbm:s0], s1  }
0xbc: {  	s0 =	simm.s32 @!p0 $0x3  }
0xbd: {  	_ =	swait.ge @!p0 [sflag:s0], s1  }
0xbe: {  	s1 =	ssub.s32 @!p0 $0x0, s1;
	[sflag:s0] =	ssyncset.done @!p0 $0x0  }
0xbf: {  	[sflag:s0] =	ssyncadd.s32 @!p0 s1  }
0xc0: {  	[bflag:$0x3] =	sbarrier.arrive $0xFFFF  }
0xc1: {  	_ =	shalt  }

// kernel: kernel.21.cloned.1.call-start
scs
__scs_entry_jumppad:
0x0: {  	(pc) =	sbr.rel $0x88, $3  }
0x1: {  	(tag) =	ssettag $0x0;
	lr =	simm.s32 $0x1  }
0x2: {  	[smem:$0x3F82] =	sst lr;
	_ =	strace $0xD0000000  }
0x3: {  	_ = 	snop  }
0x4: {  	_ = 	snop  }
0x5: {  	_ = 	snop  }
0x6: {  	_ = 	snop  }
0x7: {  	_ = 	snop  }
__scs_overlays_trampoline_lowered:
0x8: {  	[smem:$0x3F91] =	sst s0  }
0x9: {  	[smem:$0x3F92] =	sst s1  }
0xa: {  	[smem:$0x3F93] =	sst s2  }
0xb: {  	[smem:$0x3F94] =	sst s3  }
0xc: {  	[smem:$0x3F95] =	sst s4  }
0xd: {  	[smem:$0x3F96] =	sst s5  }
0xe: {  	[smem:$0x3F97] =	sst s6  }
0xf: {  	[smem:$0x3F98] =	sst s7  }
0x10: {  	[smem:$0x3F99] =	sst s8  }
0x11: {  	[smem:$0x3F9A] =	sst s9;
	s0 =	simm.s32 @!p0 $0x0  }
0x12: {  	s1 =	sld [smem:$0x3F80];
	s0 =	simm.s32 @p0 $0x1  }
0x13: {  	[smem:$0x3F9B] =	sst s0;
	s0 =	simm.s32 @!p1 $0x0  }
0x14: {  	s2 =	sld [smem:$0x3F7F];
	s0 =	simm.s32 @p1 $0x1  }
0x15: {  	[smem:$0x3F9C] =	sst s0;
	s0 =	simm.s32 @!p2 $0x0  }
0x16: {  	s3 =	sld [smem:$0x3FDB];
	s0 =	simm.s32 @p2 $0x1  }
0x17: {  	s4 =	simm.s32 $0x1BF5;
	[smem:$0x3F9E] =	sst s0  }
0x18: {  	s0 =	sld [smem:$0x3F81];
	_ =	swait.ge [sflag:s4], $0x0  }
0x19: {  	s7 =	sld [smem:$0x3F82]  }
0x1a: {  	s8 =	sadd.s32 $0xFFFFE003, lr  }
0x1b: {  	s9 =	sadd.s32 $0xFFFFFEF7, lr;
	s5 =	simm.s32 $0xFFFFFFFF;
	p2 =	slt.u32 s8, $0xFFFFF086  }
0x1c: {  	p1 =	slt.u32 s9, $0xF7A;
	s5 =	simm.s32 @!p2 $0x0  }
0x1d: {  	s5 =	simm.s32 @p1 $0x1;
	p0 =	seq.s32 s7, s2  }
0x1e: {  	s7 =	smul.u32 @!p0 $0xF7A, s2;
	p2 =	seq.s32 @!p0 s5, $0x0  }
0x1f: {  	s9 =	smul.u32 $0xF7A, s1;
	s8 =	simm.s32 @!p0 $0x1BF5;
	p2 =	por !p2, p0  }
0x20: {  	[sflag:s8] =	ssyncset.s32 @!p0 $0xFFFFF086;
	s6 =	sadd.s32 @!p0 s3, s7;
	s7 =	simm.s32 @!p0 $0x108  }
0x21: {  	s3 =	sadd.s32 s3, s9;
	s6 =	sadd.s32 @!p0 $0x88, s6;
	s7 =	simm.s32 @p2 $0x1082  }
0x22: {  	[simem:s7], [sflag:s8] =	dma.local @!p0 [hbm:s6], $0xF7A  }
0x23: {  	s9 =	sor.u32 $0xD0000000, s2;
	s6 =	simm.s32 $0x108;
	_ =	swait.ge @!p0 [sflag:s8], $0x0  }
0x24: {  	s3 =	sadd.s32 $0x88, s3;
	s6 =	simm.s32 @!p1 $0x1082;
	[sflag:s4] =	ssyncset.s32 $0xFFFFF086  }
0x25: {  	[simem:s6], [sflag:s4] =	dma.local [hbm:s3], $0xF7A  }
0x26: {  	[smem:$0x3F82] =	sst s1;
	(tag) =	ssettag s2;
	_ =	strace s9  }
0x27: {  	s1 =	sld [smem:$0x3F92]  }
0x28: {  	s2 =	sld [smem:$0x3F93]  }
0x29: {  	s4 =	sld [smem:$0x3F95]  }
0x2a: {  	p0 =	seq.s32 s5, $0x0;
	s5 =	sld [smem:$0x3F96]  }
0x2b: {  	s6 =	sld [smem:$0x3F97]  }
0x2c: {  	s7 =	sld [smem:$0x3F98]  }
0x2d: {  	s3 =	simm.s32 $0x108;
	s8 =	sld [smem:$0x3F99]  }
0x2e: {  	s3 =	simm.s32 @!p0 $0x1082;
	s9 =	sld [smem:$0x3F9A]  }
0x2f: {  	lr =	sadd.s32 s0, s3;
	s0 =	sld [smem:$0x3F91]  }
0x30: {  	s3 =	sld [smem:$0x3F94]  }
0x31: {  	[smem:$0x3F9D] =	sst s10  }
0x32: {  	s10 =	sld [smem:$0x3F9B];
	_ =	sdelay $0x3  }
0x33: {  	p0 =	seq.s32 s10, $0x1;
	s10 =	sld [smem:$0x3F9D];
	_ =	sdelay $0x3  }
0x34: {  	[smem:$0x3F9D] =	sst s10  }
0x35: {  	s10 =	sld [smem:$0x3F9C];
	_ =	sdelay $0x3  }
0x36: {  	p1 =	seq.s32 s10, $0x1;
	s10 =	sld [smem:$0x3F9D];
	_ =	sdelay $0x3  }
0x37: {  	[smem:$0x3F9D] =	sst s10  }
0x38: {  	s10 =	sld [smem:$0x3F9E]  }
0x39: {  	_ = 	snop;
	(pc) =	sbr.ind lr, $3  }
0x3a: {  	_ = 	snop  }
0x3b: {  	_ = 	snop  }
0x3c: {  	p2 =	seq.s32 s10, $0x1;
	s10 =	sld [smem:$0x3F9D]  }
0x3d: {  	_ =	shalt  }
0x3e: {  	_ =	shalt  }
0x3f: {  	_ =	shalt  }
0x40: {  	_ =	shalt  }
0x41: {  	_ =	shalt  }
0x42: {  	_ =	shalt  }
0x43: {  	_ =	shalt  }
0x44: {  	_ =	shalt  }
0x45: {  	_ =	shalt  }
0x46: {  	_ =	shalt  }
0x47: {  	_ =	shalt  }
0x48: {  	_ =	shalt  }
0x49: {  	_ =	shalt  }
0x4a: {  	_ =	shalt  }
0x4b: {  	_ =	shalt  }
0x4c: {  	_ =	shalt  }
0x4d: {  	_ =	shalt  }
0x4e: {  	_ =	shalt  }
0x4f: {  	_ =	shalt  }
0x50: {  	_ =	shalt  }
0x51: {  	_ =	shalt  }
0x52: {  	_ =	shalt  }
0x53: {  	_ =	shalt  }
0x54: {  	_ =	shalt  }
0x55: {  	_ =	shalt  }
0x56: {  	_ =	shalt  }
0x57: {  	_ =	shalt  }
0x58: {  	_ =	shalt  }
0x59: {  	_ =	shalt  }
0x5a: {  	_ =	shalt  }
0x5b: {  	_ =	shalt  }
0x5c: {  	_ =	shalt  }
0x5d: {  	_ =	shalt  }
0x5e: {  	_ =	shalt  }
0x5f: {  	_ =	shalt  }
0x60: {  	_ =	shalt  }
0x61: {  	_ =	shalt  }
0x62: {  	_ =	shalt  }
0x63: {  	_ =	shalt  }
0x64: {  	_ =	shalt  }
0x65: {  	_ =	shalt  }
0x66: {  	_ =	shalt  }
0x67: {  	_ =	shalt  }
0x68: {  	_ =	shalt  }
0x69: {  	_ =	shalt  }
0x6a: {  	_ =	shalt  }
0x6b: {  	_ =	shalt  }
0x6c: {  	_ =	shalt  }
0x6d: {  	_ =	shalt  }
0x6e: {  	_ =	shalt  }
0x6f: {  	_ =	shalt  }
0x70: {  	_ =	shalt  }
0x71: {  	_ =	shalt  }
0x72: {  	_ =	shalt  }
0x73: {  	_ =	shalt  }
0x74: {  	_ =	shalt  }
0x75: {  	_ =	shalt  }
0x76: {  	_ =	shalt  }
0x77: {  	_ =	shalt  }
0x78: {  	_ =	shalt  }
0x79: {  	_ =	shalt  }
0x7a: {  	_ =	shalt  }
0x7b: {  	_ =	shalt  }
0x7c: {  	_ =	shalt  }
0x7d: {  	_ =	shalt  }
0x7e: {  	_ =	shalt  }
0x7f: {  	_ =	shalt  }
0x80: {  	_ =	shalt  }
0x81: {  	_ =	shalt  }
0x82: {  	_ =	shalt  }
0x83: {  	_ =	shalt  }
0x84: {  	_ =	shalt  }
0x85: {  	_ =	shalt  }
0x86: {  	_ =	shalt  }
0x87: {  	_ =	shalt  }
.Lfunc_end0:
.L_simem_size_0:
called_computation.2_lowered:
.L_overlay_start_0:
0x88: {  	s2 =	sld [smem:$0x3FD9]  }
0x89: {  	s3 =	sld [smem:$0x3FFE];
	_ =	sdelay $0x1  }
0x8a: {  	s1 =	srdreg.scid  }
0x8b: {  	s0 =	sand.u32 $0x1, s1  }
0x8c: {  	s16 =	sshll.u32 s0, $0xA;
	s2 =	sadd.s32 s3, s2  }
0x8d: {  	s2 =	sadd.s32 s2, s16  }
0x8e: {  	[smem:$0x3FA9] =	sst s2  }
0x8f: {  	_ = 	snop  }
0x90: {  	(tm) =	ssettm $0x1  }
0x91: {  	s17 =	sld [smem:$0x3FFB];
	_ =	sdelay $0x3  }
0x92: {  	_ =	strace s17  }
0x93: {  	s2 =	sld [smem:$0x3FFC];
	_ =	sdelay $0x3  }
0x94: {  	_ =	strace s2  }
0x95: {  	s2 =	sld [smem:$0x3FFD];
	_ =	sdelay $0x3  }
0x96: {  	_ =	strace s2  }
0x97: {  	_ =	strace $0x8FFFFFFF  }
0x98: {  	s18 =	sld [smem:$0x3FDB];
	_ =	sdelay $0x1  }
0x99: {  	s19 =	simm.s32 $_scs_section_size  }
0x9a: {  	s4 =	simm.s32 $_size__tile_overlayer_lowered;
	s5 =	simm.s32 $_tile_overlayer_lowered  }
0x9b: {  	s22 =	simm.s32 $0x1BFF;
	s21 =	sshll.u32 s5, $0x1;
	s2 =	sadd.s32 s19, s18  }
0x9c: {  	s6 =	simm.s32 $0x0;
	s20 =	sshll.u32 s4, $0x1;
	s4 =	sadd.s32 s21, s2  }
0x9d: {  	[timem:s6], [sflag:s22] =	dma.local [hbm:s4], s20  }
0x9e: {  	_ =	swait.ge [sflag:s22], s20  }
0x9f: {  	s3 =	ssub.s32 $0x0, s20;
	[sflag:s22] =	ssyncset.done $0x0  }
0xa0: {  	[sflag:s22] =	ssyncadd.s32 s3;
	_ =	sdelay $0x1  }
0xa1: {  	s23 =	simm.s32 $0x1B8B  }
0xa2: {  	_ =	swait.ge [sflag:s23], $0x1  }
0xa3: {  	[sflag:s23] =	ssyncset.done $0x0  }
0xa4: {  	s25 =	simm.s32 $0x1B8E;
	s24 =	sld [smem:$0x3FFE];
	[sflag:s23] =	ssyncadd.s32 $0xFFFFFFFF  }
0xa5: {  	s26 =	simm.s32 $execute0_lowered;
	[smem:$0x3FD2] =	sst s25  }
0xa6: {  	s4 =	sshll.u32 s26, $0x1;
	_ =	strace $0x8000004C;
	[dreg:$0x1] =	wrdreg $0xFFFFFFFF  }
0xa7: {  	s28 =	simm.s32 $_size_execute0_lowered;
	s2 =	sadd.s32 s2, s4;
	[dreg:$0x0] =	wrdreg $0x0  }
0xa8: {  	s4 =	sshll.u32 s28, $0x1;
	[dreg:$0x2] =	wrdreg s2  }
0xa9: {  	[dreg:$0x3] =	wrdreg s4  }
0xaa: {  	[dreg:$0x4] =	wrdreg $0xC0  }
0xab: {  	_ =	task [dreg:s6], $0x5FFFF  }
0xac: {  	[dreg:$0x1] =	wrdreg $0xFFFFFFFF  }
0xad: {  	[dreg:$0x0] =	wrdreg $0x60  }
0xae: {  	[dreg:$0x2] =	wrdreg s24  }
0xaf: {  	[dreg:$0x3] =	wrdreg $0x9  }
0xb0: {  	_ =	task.clear_ibuf [dreg:s6], $0x4FFFF;
	_ =	strace $0x9000004C  }
0xb1: {  	s29 =	simm.s32 $0x9;
	_ =	strace $0x8000004E  }
0xb2: {  	_ =	swait.ge [sflag:s29], $0x1  }
0xb3: {  	[sflag:s29] =	ssyncadd.s32 $0xFFFFFFFF  }
0xb4: {  	_ =	strace $0x9000004E  }
0xb5: {  	_ =	sfence  }
0xb6: {  	s30 =	sld [smem:$0x0];
	_ =	sdelay $0x2  }
0xb7: {  	s31 =	sshll.u32 s1, $0xD;
	s1 =	sshrl.u32 s1, $0x2  }
0xb8: {  	s3 =	sand.u32 $0x4000, s31;
	s1 =	sadd.s32 s1, s30  }
0xb9: {  	s0 =	sor.u32 s3, s0;
	s1 =	sshll.u32 s1, $0x11  }
0xba: {  	s0 =	sor.u32 s1, s0  }
0xbb: {  	s0 =	sadd.s32 $0x8F2B, s0  }
0xbc: {  	[sflag:s0] =	ssyncadd.remote.s32 $0x1  }
0xbd: {  	_ =	sfence.sel $0xFFFF  }
0xbe: {  	[dreg:$0x0] =	wrdreg $0xFFFFFFFF;
	(pc) =	sbr.abs _section_cstart, $3  }
0xbf: {  	[dreg:$0x1] =	wrdreg $0xFFFFFFFF  }
0xc0: {  	_ =	task.clear_ibuf [dreg:s6], $0x2FFFF;
	_ =	strace $0x9FFFFFFF  }
0xc1: {  	(tm) =	ssettm $0x7FFFFFFF  }
tec
execute0_lowered:
.L_overlay_start_1:
0x0: {  	(tag) =	ssettag $0x1  }
0x1: {  	s0 =	srdreg.scid;
	s11 =	stileid.u32  }
0x2: {  	s1 =	rddreg [dreg:$0x0];
	s2 =	simm.s32 $0x0;
	s13 =	simm.s32 $0x3  }
0x3: {  	s14 =	simm.s32 $0x80;
	s28 =	simm.s32 $0x380;
	s17 =	smul.u32 $0xA00, s11  }
0x4: {  	s29 =	simm.s32 $0xE400;
	s30 =	simm.s32 $0x1;
	s10 =	smul.u32 $0x5000, s11  }
0x5: {  	s0 =	sand.u32 $0x1, s0;
	s3 =	sshll.u32 s11, $0x1;
	s11 =	smul.u32 $0x28000, s11  }
0x6: {  	s31 =	simm.s32 $0x2;
	[smem:$0x7FF] =	sst s2;
	s18 =	smul.u32 $0x500, s0  }
0x7: {  	s6 =	sadd.s32 $0x7A00, s1;
	s4 =	sor.u32 s0, s3;
	s21 =	smul.u32 $0x2800, s0  }
0x8: {  	_ =	strace $0x8000004D;
	s7 =	ssub.s32 $0x2, s0;
	s0 =	smul.u32 $0x14000, s0  }
0x9: {  	s3 =	sadd.s32 $0x91A00, s1;
	s1 =	sadd.s32 $0xB1A00, s1;
	s5 =	smul.u32 $0x14, s4  }
0xa: {  	s8 =	sshrl.u32 s7, $0x1;
	s4 =	smul.u32 $0x500, s4;
	s22 =	sadd.s32 s17, s6  }
0xb: {  	s24 =	sadd.s32 s11, s1;
	s17 =	simm.s32 $0x100;
	s7 =	ssub.s32 s7, s8  }
0xc: {  	s23 =	sadd.s32 s21, s10;
	s0 =	sadd.s32 s0, s24;
	s21 =	simm.s32 $0x200  }
0xd: {  	s24 =	simm.s32 $0xA400;
	s5 =	sadd.s32 $0x12, s5;
	s4 =	sadd.s32 s6, s4  }
0xe: {  	s7 =	smax.u32 s7, $0x1;
	[dreg:$0x7] =	wrdreg s0;
	s9 =	sshll.u32 s5, $0x9  }
0xf: {  	[dreg:$0x2] =	wrdreg s4;
	s5 =	sshll.u32 s5, $0xC;
	s15 =	sor.u32 $0x200, s9  }
0x10: {  	[dreg:$0x3] =	wrdreg s7;
	s5 =	sadd.s32 s1, s5;
	s16 =	sshrl.u32 s15, $0x3  }
0x11: {  	s19 =	sshll.u32 s15, $0x3;
	[dreg:$0x5] =	wrdreg s5;
	s15 =	simm.s32 $0x400  }
0x12: {  	s4 =	sadd.s32 s6, s16;
	s20 =	sand.u32 $0x1FFFF000, s19;
	s16 =	simm.s32 $0x2400  }
0x13: {  	s19 =	simm.s32 $0x180;
	[dreg:$0x4] =	wrdreg s4;
	s5 =	sadd.s32 s1, s20  }
0x14: {  	s4 =	sadd.s32 s18, s22;
	s18 =	simm.s32 $0x4400;
	s20 =	simm.s32 $0x6400  }
0x15: {  	s22 =	simm.s32 $0x8400;
	[dreg:$0x6] =	wrdreg s5;
	s5 =	sor.u32 $0x200, s23  }
0x16: {  	s9 =	sadd.s32 $0x80, s4;
	s25 =	sshll.u32 s5, $0x3;
	s26 =	sshrl.u32 s5, $0x3  }
0x17: {  	s23 =	simm.s32 $0x280;
	s11 =	sadd.s32 s25, s1;
	s12 =	sadd.s32 s26, s6  }
0x18: {  	s25 =	simm.s32 $0x300;
	s26 =	simm.s32 $0xC400;
	s1 =	simm.s32 $0x0  }
.LBB2_1:
0x19: {  	s0 =	rddreg [dreg:$0x2]  }
0x1a: {  	[tilespmem:s2], [sflag:$0x3] =	stream.linear.gather [hbm4b:s0+s2], $0x200, $0x38;
	[tilespmem:$0x10400] =	vst v63  }
0x1b: {  	_ =	swait.ge [sflag:s13], $0x200  }
0x1c: {  	[sflag:s13] =	ssyncset.done $0x0  }
0x1d: {  	[sflag:s13] =	ssyncadd.s32 $0xFFFFFE00  }
0x1e: {  	[tilespmem:s15], [sflag:$0x1] =	stream.indirect.gather [hbm4b:s3+s14], $0x40, s2, s14, $0xb8;
	[tilespmem:$0x10400] =	vst v63  }
0x1f: {  	_ = 	snop  }
0x20: {  	[tilespmem:s16], [sflag:$0x1] =	stream.indirect.gather [hbm4b:s3+s14], $0x40, s14, s14, $0xb8;
	[tilespmem:$0x10400] =	vst v63  }
0x21: {  	_ = 	snop  }
0x22: {  	[tilespmem:s18], [sflag:$0x1] =	stream.indirect.gather [hbm4b:s3+s14], $0x40, s17, s14, $0xb8;
	[tilespmem:$0x10400] =	vst v63  }
0x23: {  	_ = 	snop  }
0x24: {  	[tilespmem:s20], [sflag:$0x1] =	stream.indirect.gather [hbm4b:s3+s14], $0x40, s19, s14, $0xb8;
	[tilespmem:$0x10400] =	vst v63  }
0x25: {  	s8 =	sadd.s32 $0x0, s12  }
0x26: {  	[tilespmem:s21], [sflag:$0x3] =	stream.linear.gather [hbm4b:s8+s2], $0x200, $0x38;
	[tilespmem:$0x10400] =	vst v63  }
0x27: {  	_ =	swait.ge [sflag:s13], $0x200  }
0x28: {  	[sflag:s13] =	ssyncset.done $0x0  }
0x29: {  	[sflag:s13] =	ssyncadd.s32 $0xFFFFFE00  }
0x2a: {  	[tilespmem:s22], [sflag:$0x2] =	stream.indirect.gather [hbm4b:s3+s14], $0x40, s21, s14, $0xb8;
	[tilespmem:$0x10400] =	vst v63  }
0x2b: {  	_ = 	snop  }
0x2c: {  	[tilespmem:s24], [sflag:$0x2] =	stream.indirect.gather [hbm4b:s3+s14], $0x40, s23, s14, $0xb8;
	[tilespmem:$0x10400] =	vst v63  }
0x2d: {  	_ = 	snop  }
0x2e: {  	[tilespmem:s26], [sflag:$0x2] =	stream.indirect.gather [hbm4b:s3+s14], $0x40, s25, s14, $0xb8;
	[tilespmem:$0x10400] =	vst v63  }
0x2f: {  	_ = 	snop  }
0x30: {  	[tilespmem:s29], [sflag:$0x2] =	stream.indirect.gather [hbm4b:s3+s14], $0x40, s28, s14, $0xb8;
	[tilespmem:$0x10400] =	vst v63  }
0x31: {  	_ =	swait.ge [sflag:s30], $0x8000  }
0x32: {  	[sflag:s30] =	ssyncset.done $0x0  }
0x33: {  	s5 =	rddreg [dreg:$0x7];
	[sflag:s30] =	ssyncadd.s32 $0xFFFF8000  }
0x34: {  	[hbm4b:s5+s2] =	stream.linear.scatter [tilespmem:s15], [sflag:$0x3], $0x8000, $0x38;
	[tilespmem:$0x10400] =	vst v63  }
0x35: {  	_ =	swait.ge [sflag:s13], $0x8000  }
0x36: {  	[sflag:s13] =	ssyncset.done $0x0  }
0x37: {  	s10 =	sadd.s32 $0x0, s9;
	[sflag:s13] =	ssyncadd.s32 $0xFFFF8000  }
0x38: {  	[tilespmem:s2], [sflag:$0x3] =	stream.linear.gather [hbm4b:s10+s2], $0x200, $0x38;
	[tilespmem:$0x10400] =	vst v63  }
0x39: {  	_ =	swait.ge [sflag:s13], $0x200  }
0x3a: {  	[sflag:s13] =	ssyncset.done $0x0  }
0x3b: {  	[sflag:s13] =	ssyncadd.s32 $0xFFFFFE00  }
0x3c: {  	[tilespmem:s15], [sflag:$0x1] =	stream.indirect.gather [hbm4b:s3+s14], $0x40, s2, s14, $0xb8;
	[tilespmem:$0x10400] =	vst v63  }
0x3d: {  	_ = 	snop  }
0x3e: {  	[tilespmem:s16], [sflag:$0x1] =	stream.indirect.gather [hbm4b:s3+s14], $0x40, s14, s14, $0xb8;
	[tilespmem:$0x10400] =	vst v63  }
0x3f: {  	_ = 	snop  }
0x40: {  	[tilespmem:s18], [sflag:$0x1] =	stream.indirect.gather [hbm4b:s3+s14], $0x40, s17, s14, $0xb8;
	[tilespmem:$0x10400] =	vst v63  }
0x41: {  	_ = 	snop  }
0x42: {  	[tilespmem:s20], [sflag:$0x1] =	stream.indirect.gather [hbm4b:s3+s14], $0x40, s19, s14, $0xb8;
	[tilespmem:$0x10400] =	vst v63  }
0x43: {  	_ =	swait.ge [sflag:s31], $0x8000  }
0x44: {  	[sflag:s31] =	ssyncset.done $0x0  }
0x45: {  	[sflag:s31] =	ssyncadd.s32 $0xFFFF8000  }
0x46: {  	[hbm4b:s11+s2] =	stream.linear.scatter [tilespmem:s22], [sflag:$0x3], $0x8000, $0x38;
	[tilespmem:$0x10400] =	vst v63  }
0x47: {  	s4 =	simm.s32 $0x80;
	s6 =	simm.s32 $0x100;
	_ =	swait.ge [sflag:s13], $0x8000  }
0x48: {  	s0 =	sadd.s32 $0x2000, s11;
	s5 =	sadd.s32 $0x2000, s5;
	[sflag:s13] =	ssyncset.done $0x0  }
.LBB2_2:
0x49: {  	s8 =	sadd.s32 s4, s12  }
0x4a: {  	[sflag:s13] =	ssyncadd.s32 $0xFFFF8000;
	s10 =	smov.u32 s6;
	s7 =	sadd.s32 $0x80, s6  }
0x4b: {  	[tilespmem:s21], [sflag:$0x3] =	stream.linear.gather [hbm4b:s8+s2], $0x200, $0x38;
	[tilespmem:$0x10400] =	vst v63  }
0x4c: {  	p0 =	sne.s32 s6, $0x400;
	_ =	swait.ge [sflag:s13], $0x200  }
0x4d: {  	[sflag:s13] =	ssyncset.done $0x0  }
0x4e: {  	[sflag:s13] =	ssyncadd.s32 $0xFFFFFE00  }
0x4f: {  	[tilespmem:s22], [sflag:$0x2] =	stream.indirect.gather [hbm4b:s3+s14], $0x40, s21, s14, $0xb8;
	[tilespmem:$0x10400] =	vst v63  }
0x50: {  	_ = 	snop  }
0x51: {  	[tilespmem:s24], [sflag:$0x2] =	stream.indirect.gather [hbm4b:s3+s14], $0x40, s23, s14, $0xb8;
	[tilespmem:$0x10400] =	vst v63  }
0x52: {  	_ = 	snop  }
0x53: {  	[tilespmem:s26], [sflag:$0x2] =	stream.indirect.gather [hbm4b:s3+s14], $0x40, s25, s14, $0xb8;
	[tilespmem:$0x10400] =	vst v63  }
0x54: {  	_ = 	snop  }
0x55: {  	[tilespmem:s29], [sflag:$0x2] =	stream.indirect.gather [hbm4b:s3+s14], $0x40, s28, s14, $0xb8;
	[tilespmem:$0x10400] =	vst v63  }
0x56: {  	_ =	swait.ge [sflag:s30], $0x8000  }
0x57: {  	[sflag:s30] =	ssyncset.done $0x0  }
0x58: {  	[sflag:s30] =	ssyncadd.s32 $0xFFFF8000  }
0x59: {  	[hbm4b:s5+s2] =	stream.linear.scatter [tilespmem:s15], [sflag:$0x3], $0x8000, $0x38;
	[tilespmem:$0x10400] =	vst v63  }
0x5a: {  	_ =	swait.ge [sflag:s13], $0x8000  }
0x5b: {  	[sflag:s13] =	ssyncset.done $0x0  }
0x5c: {  	s6 =	sadd.s32 s4, s9;
	s4 =	smov.u32 s10;
	[sflag:s13] =	ssyncadd.s32 $0xFFFF8000  }
0x5d: {  	[tilespmem:s2], [sflag:$0x3] =	stream.linear.gather [hbm4b:s6+s2], $0x200, $0x38;
	[tilespmem:$0x10400] =	vst v63  }
0x5e: {  	_ =	swait.ge [sflag:s13], $0x200  }
0x5f: {  	[sflag:s13] =	ssyncset.done $0x0  }
0x60: {  	[sflag:s13] =	ssyncadd.s32 $0xFFFFFE00  }
0x61: {  	[tilespmem:s15], [sflag:$0x1] =	stream.indirect.gather [hbm4b:s3+s14], $0x40, s2, s14, $0xb8;
	[tilespmem:$0x10400] =	vst v63  }
0x62: {  	_ = 	snop  }
0x63: {  	[tilespmem:s16], [sflag:$0x1] =	stream.indirect.gather [hbm4b:s3+s14], $0x40, s14, s14, $0xb8;
	[tilespmem:$0x10400] =	vst v63  }
0x64: {  	_ = 	snop  }
0x65: {  	[tilespmem:s18], [sflag:$0x1] =	stream.indirect.gather [hbm4b:s3+s14], $0x40, s17, s14, $0xb8;
	[tilespmem:$0x10400] =	vst v63  }
0x66: {  	_ = 	snop  }
0x67: {  	[tilespmem:s20], [sflag:$0x1] =	stream.indirect.gather [hbm4b:s3+s14], $0x40, s19, s14, $0xb8;
	[tilespmem:$0x10400] =	vst v63  }
0x68: {  	_ =	swait.ge [sflag:s31], $0x8000  }
.Ltmp0:
0x69: {  	[sflag:s31] =	ssyncset.done $0x0;
	(pc) =	sbr.rel @p0 .LBB2_2-.Ltmp0, $4  }
0x6a: {  	[sflag:s31] =	ssyncadd.s32 $0xFFFF8000  }
0x6b: {  	[hbm4b:s0+s2] =	stream.linear.scatter [tilespmem:s22], [sflag:$0x3], $0x8000, $0x38;
	[tilespmem:$0x10400] =	vst v63  }
0x6c: {  	s5 =	sadd.s32 $0x2000, s5;
	_ =	swait.ge [sflag:s13], $0x8000  }
0x6d: {  	s6 =	smov.u32 s7;
	s0 =	sadd.s32 $0x2000, s0;
	[sflag:s13] =	ssyncset.done $0x0  }
0x6e: {  	s6 =	sadd.s32 s4, s12;
	[sflag:s13] =	ssyncadd.s32 $0xFFFF8000  }
0x6f: {  	[tilespmem:s21], [sflag:$0x3] =	stream.linear.gather [hbm4b:s6+s2], $0x200, $0x38;
	[tilespmem:$0x10400] =	vst v63  }
0x70: {  	_ =	swait.ge [sflag:s13], $0x200  }
0x71: {  	[sflag:s13] =	ssyncset.done $0x0  }
0x72: {  	[sflag:s13] =	ssyncadd.s32 $0xFFFFFE00  }
0x73: {  	[tilespmem:s22], [sflag:$0x2] =	stream.indirect.gather [hbm4b:s3+s14], $0x40, s21, s14, $0xb8;
	[tilespmem:$0x10400] =	vst v63  }
0x74: {  	_ = 	snop  }
0x75: {  	[tilespmem:s24], [sflag:$0x2] =	stream.indirect.gather [hbm4b:s3+s14], $0x40, s23, s14, $0xb8;
	[tilespmem:$0x10400] =	vst v63  }
0x76: {  	_ = 	snop  }
0x77: {  	[tilespmem:s26], [sflag:$0x2] =	stream.indirect.gather [hbm4b:s3+s14], $0x40, s25, s14, $0xb8;
	[tilespmem:$0x10400] =	vst v63  }
0x78: {  	_ = 	snop  }
0x79: {  	[tilespmem:s29], [sflag:$0x2] =	stream.indirect.gather [hbm4b:s3+s14], $0x40, s28, s14, $0xb8;
	[tilespmem:$0x10400] =	vst v63  }
0x7a: {  	_ =	swait.ge [sflag:s30], $0x8000  }
0x7b: {  	[sflag:s30] =	ssyncset.done $0x0  }
0x7c: {  	[sflag:s30] =	ssyncadd.s32 $0xFFFF8000  }
0x7d: {  	[hbm4b:s5+s2] =	stream.linear.scatter [tilespmem:s15], [sflag:$0x3], $0x8000, $0x38;
	[tilespmem:$0x10400] =	vst v63  }
0x7e: {  	_ =	swait.ge [sflag:s13], $0x8000  }
0x7f: {  	[sflag:s13] =	ssyncset.done $0x0  }
0x80: {  	s5 =	sadd.s32 s4, s9;
	[sflag:s13] =	ssyncadd.s32 $0xFFFF8000  }
0x81: {  	[tilespmem:s2], [sflag:$0x3] =	stream.linear.gather [hbm4b:s5+s2], $0x200, $0x38;
	[tilespmem:$0x10400] =	vst v63  }
0x82: {  	_ =	swait.ge [sflag:s13], $0x200  }
0x83: {  	[sflag:s13] =	ssyncset.done $0x0  }
0x84: {  	[sflag:s13] =	ssyncadd.s32 $0xFFFFFE00  }
0x85: {  	[tilespmem:s15], [sflag:$0x1] =	stream.indirect.gather [hbm4b:s3+s14], $0x40, s2, s14, $0xb8;
	[tilespmem:$0x10400] =	vst v63  }
0x86: {  	_ = 	snop  }
0x87: {  	[tilespmem:s16], [sflag:$0x1] =	stream.indirect.gather [hbm4b:s3+s14], $0x40, s14, s14, $0xb8;
	[tilespmem:$0x10400] =	vst v63  }
0x88: {  	_ = 	snop  }
0x89: {  	[tilespmem:s18], [sflag:$0x1] =	stream.indirect.gather [hbm4b:s3+s14], $0x40, s17, s14, $0xb8;
	[tilespmem:$0x10400] =	vst v63  }
0x8a: {  	_ = 	snop  }
0x8b: {  	[tilespmem:s20], [sflag:$0x1] =	stream.indirect.gather [hbm4b:s3+s14], $0x40, s19, s14, $0xb8;
	[tilespmem:$0x10400] =	vst v63  }
0x8c: {  	_ =	swait.ge [sflag:s31], $0x8000  }
0x8d: {  	[sflag:s31] =	ssyncset.done $0x0  }
0x8e: {  	[sflag:s31] =	ssyncadd.s32 $0xFFFF8000  }
0x8f: {  	[hbm4b:s0+s2] =	stream.linear.scatter [tilespmem:s22], [sflag:$0x3], $0x8000, $0x38;
	[tilespmem:$0x10400] =	vst v63  }
0x90: {  	_ =	swait.ge [sflag:s13], $0x8000  }
0x91: {  	[sflag:s13] =	ssyncset.done $0x0  }
0x92: {  	s6 =	rddreg [dreg:$0x4];
	[sflag:s13] =	ssyncadd.s32 $0xFFFF8000  }
0x93: {  	[tilespmem:s21], [sflag:$0x3] =	stream.linear.gather [hbm4b:s6+s2], $0x200, $0x38;
	[tilespmem:$0x10400] =	vst v63  }
0x94: {  	_ =	swait.ge [sflag:s13], $0x200  }
0x95: {  	[sflag:s13] =	ssyncset.done $0x0  }
0x96: {  	[sflag:s13] =	ssyncadd.s32 $0xFFFFFE00  }
0x97: {  	[tilespmem:s22], [sflag:$0x2] =	stream.indirect.gather [hbm4b:s3+s14], $0x40, s21, s14, $0xb8;
	[tilespmem:$0x10400] =	vst v63  }
0x98: {  	_ = 	snop  }
0x99: {  	[tilespmem:s24], [sflag:$0x2] =	stream.indirect.gather [hbm4b:s3+s14], $0x40, s23, s14, $0xb8;
	[tilespmem:$0x10400] =	vst v63  }
0x9a: {  	_ = 	snop  }
0x9b: {  	[tilespmem:s26], [sflag:$0x2] =	stream.indirect.gather [hbm4b:s3+s14], $0x40, s25, s14, $0xb8;
	[tilespmem:$0x10400] =	vst v63  }
0x9c: {  	_ = 	snop  }
0x9d: {  	[tilespmem:s29], [sflag:$0x2] =	stream.indirect.gather [hbm4b:s3+s14], $0x40, s28, s14, $0xb8;
	[tilespmem:$0x10400] =	vst v63  }
0x9e: {  	_ =	swait.ge [sflag:s30], $0x8000  }
0x9f: {  	[sflag:s30] =	ssyncset.done $0x0  }
0xa0: {  	s7 =	rddreg [dreg:$0x5];
	[sflag:s30] =	ssyncadd.s32 $0xFFFF8000  }
0xa1: {  	[hbm4b:s7+s2] =	stream.linear.scatter [tilespmem:s15], [sflag:$0x3], $0x8000, $0x38;
	[tilespmem:$0x10400] =	vst v63  }
0xa2: {  	_ =	swait.ge [sflag:s13], $0x8000  }
0xa3: {  	[sflag:s13] =	ssyncset.done $0x0  }
0xa4: {  	[sflag:s13] =	ssyncadd.s32 $0xFFFF8000  }
0xa5: {  	_ =	swait.ge [sflag:s31], $0x8000  }
0xa6: {  	[sflag:s31] =	ssyncset.done $0x0  }
0xa7: {  	s8 =	rddreg [dreg:$0x6];
	[sflag:s31] =	ssyncadd.s32 $0xFFFF8000  }
0xa8: {  	[hbm4b:s8+s2] =	stream.linear.scatter [tilespmem:s22], [sflag:$0x3], $0x8000, $0x38;
	[tilespmem:$0x10400] =	vst v63  }
0xa9: {  	_ =	swait.ge [sflag:s13], $0x8000  }
0xaa: {  	s1 =	sadd.s32 $0x1, s1;
	s10 =	rddreg [dreg:$0x3]  }
0xab: {  	p0 =	sne.s32 s1, s10  }
.Ltmp1:
0xac: {  	_ = 	snop;
	(pc) =	sbr.rel @p0 .LBB2_1-.Ltmp1, $3  }
0xad: {  	_ =	sdelay $0x1  }
0xae: {  	[sflag:s13] =	ssyncset.done $0x0  }
0xaf: {  	[sflag:s13] =	ssyncadd.s32 $0xFFFF8000  }
0xb0: {  	_ =	sfence.sel $0x180000  }
0xb1: {  	[bflag:$0x0] =	sbarrier.arrive $0xFFFF  }
0xb2: {  	_ =	strace $0x9000004D  }
0xb3: {  	s0 =	stileid.u32;
	[bflag:$0x2] =	sbarrier.arrive $0xFFFF  }
0xb4: {  	p0 =	sne.s32 s0, $0x0;
	s0 =	rddreg [dreg:$0x1]  }
0xb5: {  	s0 =	sadd.s32 @!p0 $0x100000, s0  }
0xb6: {  	[sflag:s0] =	ssyncadd.tile.s32 @!p0 $0x1;
	_ =	shalt  }
.Lfunc_end2:
_tile_overlayer_lowered:
.L_overlay_start_2:
0xb7: {  	(tag) =	ssettag $0x2  }
0xb8: {  	s0 =	rddreg [dreg:$0x0];
	s2 =	stileid.u32  }
0xb9: {  	s1 =	rddreg [dreg:$0x1];
	p0 =	sne.s32 s2, $0x0  }
0xba: {  	s3 =	rddreg [dreg:$0x2];
	[bflag:$0x3] =	sbarrier.arrive $0xFFFF;
	s2 =	simm.s32 @!p0 $0x1C03  }
0xbb: {  	[timem:s3], [sflag:s2] =	dma.local @!p0 [hbm:s0], s1  }
0xbc: {  	s0 =	simm.s32 @!p0 $0x3  }
0xbd: {  	_ =	swait.ge @!p0 [sflag:s0], s1  }
0xbe: {  	s1 =	ssub.s32 @!p0 $0x0, s1;
	[sflag:s0] =	ssyncset.done @!p0 $0x0  }
0xbf: {  	[sflag:s0] =	ssyncadd.s32 @!p0 s1  }
0xc0: {  	[bflag:$0x3] =	sbarrier.arrive $0xFFFF  }
0xc1: {  	_ =	shalt  }

</sc_bundles>
